<compile_context>
chip_gen: v7x
topology: tpu7x:2x2x1
jax: 0.10.2.dev20260603
libtpu: 0.0.44.dev20260713+nightly
codegen_flags: <defaults>
</compile_context>

<pallas_src>
import jax
import jax.numpy as jnp
from jax import lax
from jax.experimental import pallas as pl
from jax.experimental.pallas import tpu as pltpu
from jax.experimental.pallas import tpu_sc as plsc

_N = 10000
_NP = 10240
_E = 320000
_DF = 128
_DE = 16
_DL = 128

_NC = 2
_NS = 16
_NW = _NC * _NS
_COLS = _DL // _NW
_CH = 2000
_NCHUNK = _E // _CH


def _leaky(x):
    return jnp.where(x >= 0, x, 0.01 * x)


def _permute16(v, idx):
    dn = lax.GatherDimensionNumbers(offset_dims=(), collapsed_slice_dims=(0,),
                                    start_index_map=(0,))
    return lax.gather(v, idx[:, None], dn, (1,),
                      mode=lax.GatherScatterMode.PROMISE_IN_BOUNDS)


def _dotT(w, x):
    return lax.dot_general(w, x, (((0,), (1,)), ((), ())),
                           preferred_element_type=jnp.float32)


def _dotTT(w, xt):
    return lax.dot_general(w, xt, (((0,), (0,)), ((), ())),
                           preferred_element_type=jnp.float32)


def _node_body(nf_ref, ll_ref, wne_ref, ws_ref, wd_ref,
               ne_ref, at_ref, bt_ref):
    x = jnp.concatenate([nf_ref[...], ll_ref[...]], axis=1)
    ne = _leaky(jnp.dot(x, wne_ref[...], preferred_element_type=jnp.float32))
    ne_ref[...] = ne
    at_ref[...] = _dotT(ws_ref[...], ne)
    bt_ref[...] = _dotT(wd_ref[...], ne)


def _node_stage(nf, ll, w_ne, w_s, w_d):
    blk = 2048
    grid = (_NP // blk,)
    row_spec = pl.BlockSpec((blk, _DF), lambda i: (i, 0))
    t_spec = pl.BlockSpec((_DL, blk), lambda i: (0, i))
    return pl.pallas_call(
        _node_body,
        grid=grid,
        in_specs=[
            row_spec, row_spec,
            pl.BlockSpec((2 * _DL, _DL), lambda i: (0, 0)),
            pl.BlockSpec((_DL, _DL), lambda i: (0, 0)),
            pl.BlockSpec((_DL, _DL), lambda i: (0, 0)),
        ],
        out_specs=[row_spec, t_spec, t_spec],
        out_shape=[
            jax.ShapeDtypeStruct((_NP, _DL), jnp.float32),
            jax.ShapeDtypeStruct((_DL, _NP), jnp.float32),
            jax.ShapeDtypeStruct((_DL, _NP), jnp.float32),
        ],
    )(nf, ll, w_ne, w_s, w_d)


def _edge_body(ef_ref, wee_ref, we_ref, ct_ref):
    eet = _leaky(_dotT(wee_ref[...], ef_ref[...]))
    ct_ref[...] = _dotTT(we_ref[...], eet)


def _edge_stage(ef, w_ee, w_e):
    blk = 6400
    grid = (_E // blk,)
    return pl.pallas_call(
        _edge_body,
        grid=grid,
        in_specs=[
            pl.BlockSpec((blk, _DE), lambda i: (i, 0)),
            pl.BlockSpec((_DE, _DL), lambda i: (0, 0)),
            pl.BlockSpec((_DL, _DL), lambda i: (0, 0)),
        ],
        out_specs=pl.BlockSpec((_DL, blk), lambda i: (0, i)),
        out_shape=jax.ShapeDtypeStruct((_DL, _E), jnp.float32),
    )(ef, w_ee, w_e)


def _sc_body(at_hbm, ct_hbm, src_hbm, dst_hbm, acct_hbm,
             aslab0, aslab1, aslab2, aslab3, acc0, acc1, acc2, acc3,
             svec0, svec1, dvec0, dvec1, cbuf0, cbuf1,
             sem_s, sem_d, sem_c):
    wid = lax.axis_index("s") * _NC + lax.axis_index("c")
    r0 = wid * _COLS
    lane = lax.iota(jnp.int32, 16)

    aslabs = (aslab0, aslab1, aslab2, aslab3)
    accs = (acc0, acc1, acc2, acc3)

    for c in range(_COLS):
        pltpu.sync_copy(at_hbm.at[pl.ds((r0 + c) * _NP, _NP)], aslabs[c])

    neg = jnp.full((16,), -jnp.inf, jnp.float32)

    def init_body(i, carry):
        for c in range(_COLS):
            accs[c][pl.ds(i * 16, 16)] = neg
        return carry

    lax.fori_loop(0, _NP // 16, init_body, 0)
    shifts = (1, 2, 4, 8)
    pidx = [jnp.maximum(lane - sh, 0) for sh in shifts]
    nidx = jnp.minimum(lane + 1, 15)

    svecs = (svec0, svec1)
    dvecs = (dvec0, dvec1)
    cbufs = (cbuf0, cbuf1)

    def start_chunk(cidx, b):
        e0 = cidx * _CH
        pltpu.async_copy(src_hbm.at[pl.ds(e0, _CH)], svecs[b], sem_s)
        pltpu.async_copy(dst_hbm.at[pl.ds(e0, _CH)], dvecs[b], sem_d)
        for c in range(_COLS):
            pltpu.async_copy(ct_hbm.at[pl.ds((r0 + c) * _E + e0, _CH)],
                             cbufs[b].at[pl.ds(c * _CH, _CH)], sem_c)

    def wait_chunk(b):
        pltpu.make_async_copy(src_hbm.at[pl.ds(0, _CH)], svecs[b],
                              sem_s).wait()
        pltpu.make_async_copy(dst_hbm.at[pl.ds(0, _CH)], dvecs[b],
                              sem_d).wait()
        for c in range(_COLS):
            pltpu.make_async_copy(src_hbm.at[pl.ds(0, _CH)],
                                  cbufs[b].at[pl.ds(c * _CH, _CH)],
                                  sem_c).wait()

    def make_group(sv, dv, cb):
        def do_group(g, carry):
            src16 = sv[pl.ds(g * 16, 16)]
            dst16 = dv[pl.ds(g * 16, 16)]

            skey, sperm = plsc.sort_key_val(dst16, lane)
            oks = []
            for sh, pi in zip(shifts, pidx):
                pk = _permute16(skey, pi)
                oks.append((lane >= sh) & (pk == skey))
            nxtk = _permute16(skey, nidx)
            lastm = (skey != nxtk) | (lane == 15)

            for c in range(_COLS):
                a = plsc.load_gather(aslabs[c], [src16])
                cv = cb[pl.ds(c * _CH + g * 16, 16)]
                pv = _permute16(a + cv, sperm)
                for pi, ok in zip(pidx, oks):
                    pvs = _permute16(pv, pi)
                    pv = jnp.where(ok, jnp.maximum(pv, pvs), pv)
                cur = plsc.load_gather(accs[c], [skey])
                plsc.store_scatter(accs[c], [skey], jnp.maximum(cur, pv),
                                   mask=lastm)
            return carry

        return do_group

    start_chunk(0, 0)

    def chunk_body(p, carry):
        for b in range(2):
            cidx = p * 2 + b
            wait_chunk(b)
            nxt = cidx + 1

            @pl.when(nxt < _NCHUNK)
            def _():
                start_chunk(nxt, (b + 1) % 2)

            lax.fori_loop(0, _CH // 16,
                          make_group(svecs[b], dvecs[b], cbufs[b]), 0,
                          unroll=2)
        return carry

    lax.fori_loop(0, _NCHUNK // 2, chunk_body, 0)

    for c in range(_COLS):
        pltpu.sync_copy(accs[c], acct_hbm.at[pl.ds((r0 + c) * _NP, _NP)])


def _segmax_stage(at, ct, src, dst):
    mesh = plsc.VectorSubcoreMesh(core_axis_name="c", subcore_axis_name="s")
    return pl.kernel(
        _sc_body,
        out_type=jax.ShapeDtypeStruct((_DL * _NP,), jnp.float32),
        mesh=mesh,
        scratch_types=[
            pltpu.VMEM((_NP,), jnp.float32),
            pltpu.VMEM((_NP,), jnp.float32),
            pltpu.VMEM((_NP,), jnp.float32),
            pltpu.VMEM((_NP,), jnp.float32),
            pltpu.VMEM((_NP,), jnp.float32),
            pltpu.VMEM((_NP,), jnp.float32),
            pltpu.VMEM((_NP,), jnp.float32),
            pltpu.VMEM((_NP,), jnp.float32),
            pltpu.VMEM((_CH,), jnp.int32),
            pltpu.VMEM((_CH,), jnp.int32),
            pltpu.VMEM((_CH,), jnp.int32),
            pltpu.VMEM((_CH,), jnp.int32),
            pltpu.VMEM((_COLS * _CH,), jnp.float32),
            pltpu.VMEM((_COLS * _CH,), jnp.float32),
            pltpu.SemaphoreType.DMA,
            pltpu.SemaphoreType.DMA,
            pltpu.SemaphoreType.DMA,
        ],
        compiler_params=pltpu.CompilerParams(needs_layout_passes=False),
    )(at, ct, src, dst)


def _final_body(ne_ref, acct_ref, bt_ref, wupd_ref, wdec_ref, wterm_ref,
                out_ref, lat_ref, term_ref, sum_ref):
    i = pl.program_id(0)
    acct = acct_ref[...]
    aggt = jnp.where(jnp.isfinite(acct), _leaky(acct + bt_ref[...]), 0.0)
    ne = ne_ref[...]
    latt = _leaky(_dotT(wupd_ref[0:_DL, :], ne) +
                  _dotTT(wupd_ref[_DL:2 * _DL, :], aggt))
    lat = latt.T
    lat_ref[...] = lat
    out_ref[...] = (jnp.dot(ne, wdec_ref[0:_DL, :],
                            preferred_element_type=jnp.float32) +
                    jnp.dot(lat, wdec_ref[_DL:2 * _DL, :],
                            preferred_element_type=jnp.float32))
    part = jnp.sum(lat, axis=0, keepdims=True)

    @pl.when(i == 0)
    def _():
        sum_ref[...] = part

    @pl.when(i > 0)
    def _():
        sum_ref[...] = sum_ref[...] + part

    @pl.when(i == pl.num_programs(0) - 1)
    def _():
        mean = sum_ref[...] / jnp.float32(_N)
        term_ref[...] = jnp.dot(mean, wterm_ref[...],
                                preferred_element_type=jnp.float32)


def _final_stage(ne, acct, bt, w_upd, w_dec, w_term):
    blk = 2048
    grid = (_NP // blk,)
    row_spec = pl.BlockSpec((blk, _DL), lambda i: (i, 0))
    t_spec = pl.BlockSpec((_DL, blk), lambda i: (0, i))
    return pl.pallas_call(
        _final_body,
        grid=grid,
        in_specs=[
            row_spec, t_spec, t_spec,
            pl.BlockSpec((2 * _DL, _DL), lambda i: (0, 0)),
            pl.BlockSpec((2 * _DL, _DF), lambda i: (0, 0)),
            pl.BlockSpec((_DL, 1), lambda i: (0, 0)),
        ],
        out_specs=[
            pl.BlockSpec((blk, _DF), lambda i: (i, 0)),
            pl.BlockSpec((blk, _DL), lambda i: (i, 0)),
            pl.BlockSpec((1, 1), lambda i: (0, 0)),
        ],
        out_shape=[
            jax.ShapeDtypeStruct((_NP, _DF), jnp.float32),
            jax.ShapeDtypeStruct((_NP, _DL), jnp.float32),
            jax.ShapeDtypeStruct((1, 1), jnp.float32),
        ],
        scratch_shapes=[pltpu.VMEM((1, _DL), jnp.float32)],
    )(ne, acct, bt, w_upd, w_dec, w_term)


@jax.jit
def kernel(node_features, edge_features, edge_index, last_latent,
           W_ne, W_ee, W_msg, W_upd, W_dec, W_term):
    w_s = W_msg[0:_DL, :]
    w_d = W_msg[_DL:2 * _DL, :]
    w_e = W_msg[2 * _DL:3 * _DL, :]

    pad = ((0, _NP - _N), (0, 0))
    nf_p = jnp.pad(node_features, pad)
    ll_p = jnp.pad(last_latent, pad)
    ne, at, bt = _node_stage(nf_p, ll_p, W_ne, w_s, w_d)
    ct = _edge_stage(edge_features, W_ee, w_e)

    src = edge_index[0]
    dst = edge_index[1]
    acct = _segmax_stage(at.reshape(-1), ct.reshape(-1), src,
                         dst).reshape(_DL, _NP)

    output, latent, term = _final_stage(ne, acct, bt, W_upd, W_dec, W_term)
    return output[:_N], latent[:_N], term.reshape(1)

# --- scband reference (transcript-rebuilt; emitter-appended) ---
"""Pipeline reference for scband-traversal-network-41815801594409 (READ-ONLY COPY).

The authoritative reference and input builder live on the scoring server;
editing this copy changes nothing except your own understanding.
"""

import jax, jax.numpy as jnp
import numpy as np

N = 10000
E = 320000
DF = 128
DE = 16
DL = 128


def _leaky(x):
    return jax.nn.leaky_relu(x, negative_slope=0.01)


def setup_inputs(seed: int = 0) -> dict:
    key = jax.random.key(seed)
    ks = jax.random.split(key, 12)
    node_features = jax.random.normal(ks[0], (N, DF), dtype=jnp.float32)
    edge_features = jax.random.normal(ks[1], (E, DE), dtype=jnp.float32)
    edge_index = jax.random.randint(ks[2], (2, E), 0, N, dtype=jnp.int32)
    last_latent = jax.random.normal(ks[3], (N, DL), dtype=jnp.float32)
    # learned parameters (bias=False everywhere)
    W_ne = jax.random.normal(ks[4], (DF + DL, DL), dtype=jnp.float32) / np.sqrt(DF + DL)
    W_ee = jax.random.normal(ks[5], (DE, DL), dtype=jnp.float32) / np.sqrt(DE)
    W_msg = jax.random.normal(ks[6], (3 * DL, DL), dtype=jnp.float32) / np.sqrt(3 * DL)
    W_upd = jax.random.normal(ks[7], (2 * DL, DL), dtype=jnp.float32) / np.sqrt(2 * DL)
    W_dec = jax.random.normal(ks[8], (2 * DL, DF), dtype=jnp.float32) / np.sqrt(2 * DL)
    W_term = jax.random.normal(ks[9], (DL, 1), dtype=jnp.float32) / np.sqrt(DL)
    return {
        'node_features': node_features,
        'edge_features': edge_features,
        'edge_index': edge_index,
        'last_latent': last_latent,
        'W_ne': W_ne,
        'W_ee': W_ee,
        'W_msg': W_msg,
        'W_upd': W_upd,
        'W_dec': W_dec,
        'W_term': W_term,
    }


def reference(node_features, edge_features, edge_index, last_latent,
              W_ne, W_ee, W_msg, W_upd, W_dec, W_term):
    # node / edge encoders: Linear(no bias) + LeakyReLU
    node_enc = _leaky(jnp.concatenate([node_features, last_latent], axis=1) @ W_ne)
    edge_enc = _leaky(edge_features @ W_ee)
    # MPNN processor (max aggregation, as in neural-execution style processors)
    src = edge_index[0]
    dst = edge_index[1]
    msg_in = jnp.concatenate([node_enc[src], node_enc[dst], edge_enc], axis=1)
    msg = _leaky(msg_in @ W_msg)
    agg = jax.ops.segment_max(msg, dst, num_segments=N)
    agg = jnp.where(jnp.isfinite(agg), agg, 0.0)
    latent_features = _leaky(jnp.concatenate([node_enc, agg], axis=1) @ W_upd)
    # decoder on cat(node_enc, latent)
    output = jnp.concatenate([node_enc, latent_features], axis=1) @ W_dec
    # termination head on mean latent
    term = latent_features.mean(axis=0) @ W_term
    return (output, latent_features, term)

if __name__ == "__main__":
    import jax
    _d = setup_inputs()
    print(jax.jit(kernel)(*tuple(_d.values())))

</pallas_src>

<mosaic_0001>
#map = affine_map<(d0, d1) -> (0)>
module attributes {stable_mosaic.version = 14 : i64} {
  func.func @_sc_body(%arg0: i32, %arg1: i32, %arg2: memref<1310720xf32, #tpu.memory_space<hbm>>, %arg3: memref<40960000xf32, #tpu.memory_space<hbm>>, %arg4: memref<320000xi32, #tpu.memory_space<hbm>>, %arg5: memref<320000xi32, #tpu.memory_space<hbm>>, %arg6: memref<1310720xf32, #tpu.memory_space<hbm>>, %arg7: memref<10240xf32, #tpu.memory_space<vmem>>, %arg8: memref<10240xf32, #tpu.memory_space<vmem>>, %arg9: memref<10240xf32, #tpu.memory_space<vmem>>, %arg10: memref<10240xf32, #tpu.memory_space<vmem>>, %arg11: memref<10240xf32, #tpu.memory_space<vmem>>, %arg12: memref<10240xf32, #tpu.memory_space<vmem>>, %arg13: memref<10240xf32, #tpu.memory_space<vmem>>, %arg14: memref<10240xf32, #tpu.memory_space<vmem>>, %arg15: memref<2000xi32, #tpu.memory_space<vmem>>, %arg16: memref<2000xi32, #tpu.memory_space<vmem>>, %arg17: memref<2000xi32, #tpu.memory_space<vmem>>, %arg18: memref<2000xi32, #tpu.memory_space<vmem>>, %arg19: memref<8000xf32, #tpu.memory_space<vmem>>, %arg20: memref<8000xf32, #tpu.memory_space<vmem>>, %arg21: memref<!tpu.dma_semaphore, #tpu.memory_space<semaphore_mem>>, %arg22: memref<!tpu.dma_semaphore, #tpu.memory_space<semaphore_mem>>, %arg23: memref<!tpu.dma_semaphore, #tpu.memory_space<semaphore_mem>>) attributes {dimension_semantics = [#tpu.dimension_semantics<core_parallel>, #tpu.dimension_semantics<subcore_parallel>], iteration_bounds = array<i64: 2, 16>, scalar_prefetch = 0 : i64, scratch_operands = 17 : i64, tpu.core_type = #tpu.core_type<sc_vector_subcore>, window_params = [{transform_indices = #map}, {transform_indices = #map}, {transform_indices = #map}, {transform_indices = #map}, {transform_indices = #map}]} {
    %mul3A = arith.constant 2 : i32
    %mul3A_0 = arith.muli %arg1, %mul3A : i32
    %add3A = arith.addi %mul3A_0, %arg0 : i32
    %mul3A_1 = arith.constant 4 : i32
    %mul3A_2 = arith.muli %add3A, %mul3A_1 : i32
    %iota3A = tpu.iota {dimensions = array<i32: 0>} : vector<16xi32>
    %add3A_3 = arith.constant 0 : i32
    %add3A_4 = arith.addi %mul3A_2, %add3A_3 : i32
    %mul3A_5 = arith.constant 10240 : i32
    %mul3A_6 = arith.muli %add3A_4, %mul3A_5 : i32
    "tpu.region"() ({
      %run_scoped3A = tpu.sem_alloc : memref<!tpu.dma_semaphore, #tpu.memory_space<semaphore_mem>>
      %dma_start3A_129 = tpu.memref_slice %arg2[%mul3A_6] : memref<1310720xf32, #tpu.memory_space<hbm>> -> memref<10240xf32, #tpu.memory_space<hbm>>
      %dma_start3A_130 = tpu.memref_slice %arg2[%mul3A_6] : memref<1310720xf32, #tpu.memory_space<hbm>> -> memref<10240xf32, #tpu.memory_space<hbm>>
      tpu.enqueue_dma source(%dma_start3A_130 : memref<10240xf32, #tpu.memory_space<hbm>>) target(%arg7 : memref<10240xf32, #tpu.memory_space<vmem>>) target_semaphore(%run_scoped3A : memref<!tpu.dma_semaphore, #tpu.memory_space<semaphore_mem>>)
      %dma_wait3A = tpu.memref_slice %arg2[%mul3A_6] : memref<1310720xf32, #tpu.memory_space<hbm>> -> memref<10240xf32, #tpu.memory_space<hbm>>
      %dma_wait3A_131 = tpu.memref_slice %arg2[%mul3A_6] : memref<1310720xf32, #tpu.memory_space<hbm>> -> memref<10240xf32, #tpu.memory_space<hbm>>
      tpu.wait_dma2 semaphore(%run_scoped3A : memref<!tpu.dma_semaphore, #tpu.memory_space<semaphore_mem>>) src(%dma_wait3A_131 : memref<10240xf32, #tpu.memory_space<hbm>>) dst(%arg7 : memref<10240xf32, #tpu.memory_space<vmem>>)
      tpu.yield
    }) : () -> ()
    %add3A_7 = arith.constant 1 : i32
    %add3A_8 = arith.addi %mul3A_2, %add3A_7 : i32
    %mul3A_9 = arith.constant 10240 : i32
    %mul3A_10 = arith.muli %add3A_8, %mul3A_9 : i32
    "tpu.region"() ({
      %run_scoped3A = tpu.sem_alloc : memref<!tpu.dma_semaphore, #tpu.memory_space<semaphore_mem>>
      %dma_start3A_129 = tpu.memref_slice %arg2[%mul3A_10] : memref<1310720xf32, #tpu.memory_space<hbm>> -> memref<10240xf32, #tpu.memory_space<hbm>>
      %dma_start3A_130 = tpu.memref_slice %arg2[%mul3A_10] : memref<1310720xf32, #tpu.memory_space<hbm>> -> memref<10240xf32, #tpu.memory_space<hbm>>
      tpu.enqueue_dma source(%dma_start3A_130 : memref<10240xf32, #tpu.memory_space<hbm>>) target(%arg8 : memref<10240xf32, #tpu.memory_space<vmem>>) target_semaphore(%run_scoped3A : memref<!tpu.dma_semaphore, #tpu.memory_space<semaphore_mem>>)
      %dma_wait3A = tpu.memref_slice %arg2[%mul3A_10] : memref<1310720xf32, #tpu.memory_space<hbm>> -> memref<10240xf32, #tpu.memory_space<hbm>>
      %dma_wait3A_131 = tpu.memref_slice %arg2[%mul3A_10] : memref<1310720xf32, #tpu.memory_space<hbm>> -> memref<10240xf32, #tpu.memory_space<hbm>>
      tpu.wait_dma2 semaphore(%run_scoped3A : memref<!tpu.dma_semaphore, #tpu.memory_space<semaphore_mem>>) src(%dma_wait3A_131 : memref<10240xf32, #tpu.memory_space<hbm>>) dst(%arg8 : memref<10240xf32, #tpu.memory_space<vmem>>)
      tpu.yield
    }) : () -> ()
    %add3A_11 = arith.constant 2 : i32
    %add3A_12 = arith.addi %mul3A_2, %add3A_11 : i32
    %mul3A_13 = arith.constant 10240 : i32
    %mul3A_14 = arith.muli %add3A_12, %mul3A_13 : i32
    "tpu.region"() ({
      %run_scoped3A = tpu.sem_alloc : memref<!tpu.dma_semaphore, #tpu.memory_space<semaphore_mem>>
      %dma_start3A_129 = tpu.memref_slice %arg2[%mul3A_14] : memref<1310720xf32, #tpu.memory_space<hbm>> -> memref<10240xf32, #tpu.memory_space<hbm>>
      %dma_start3A_130 = tpu.memref_slice %arg2[%mul3A_14] : memref<1310720xf32, #tpu.memory_space<hbm>> -> memref<10240xf32, #tpu.memory_space<hbm>>
      tpu.enqueue_dma source(%dma_start3A_130 : memref<10240xf32, #tpu.memory_space<hbm>>) target(%arg9 : memref<10240xf32, #tpu.memory_space<vmem>>) target_semaphore(%run_scoped3A : memref<!tpu.dma_semaphore, #tpu.memory_space<semaphore_mem>>)
      %dma_wait3A = tpu.memref_slice %arg2[%mul3A_14] : memref<1310720xf32, #tpu.memory_space<hbm>> -> memref<10240xf32, #tpu.memory_space<hbm>>
      %dma_wait3A_131 = tpu.memref_slice %arg2[%mul3A_14] : memref<1310720xf32, #tpu.memory_space<hbm>> -> memref<10240xf32, #tpu.memory_space<hbm>>
      tpu.wait_dma2 semaphore(%run_scoped3A : memref<!tpu.dma_semaphore, #tpu.memory_space<semaphore_mem>>) src(%dma_wait3A_131 : memref<10240xf32, #tpu.memory_space<hbm>>) dst(%arg9 : memref<10240xf32, #tpu.memory_space<vmem>>)
      tpu.yield
    }) : () -> ()
    %add3A_15 = arith.constant 3 : i32
    %add3A_16 = arith.addi %mul3A_2, %add3A_15 : i32
    %mul3A_17 = arith.constant 10240 : i32
    %mul3A_18 = arith.muli %add3A_16, %mul3A_17 : i32
    "tpu.region"() ({
      %run_scoped3A = tpu.sem_alloc : memref<!tpu.dma_semaphore, #tpu.memory_space<semaphore_mem>>
      %dma_start3A_129 = tpu.memref_slice %arg2[%mul3A_18] : memref<1310720xf32, #tpu.memory_space<hbm>> -> memref<10240xf32, #tpu.memory_space<hbm>>
      %dma_start3A_130 = tpu.memref_slice %arg2[%mul3A_18] : memref<1310720xf32, #tpu.memory_space<hbm>> -> memref<10240xf32, #tpu.memory_space<hbm>>
      tpu.enqueue_dma source(%dma_start3A_130 : memref<10240xf32, #tpu.memory_space<hbm>>) target(%arg10 : memref<10240xf32, #tpu.memory_space<vmem>>) target_semaphore(%run_scoped3A : memref<!tpu.dma_semaphore, #tpu.memory_space<semaphore_mem>>)
      %dma_wait3A = tpu.memref_slice %arg2[%mul3A_18] : memref<1310720xf32, #tpu.memory_space<hbm>> -> memref<10240xf32, #tpu.memory_space<hbm>>
      %dma_wait3A_131 = tpu.memref_slice %arg2[%mul3A_18] : memref<1310720xf32, #tpu.memory_space<hbm>> -> memref<10240xf32, #tpu.memory_space<hbm>>
      tpu.wait_dma2 semaphore(%run_scoped3A : memref<!tpu.dma_semaphore, #tpu.memory_space<semaphore_mem>>) src(%dma_wait3A_131 : memref<10240xf32, #tpu.memory_space<hbm>>) dst(%arg10 : memref<10240xf32, #tpu.memory_space<vmem>>)
      tpu.yield
    }) : () -> ()
    %broadcast_in_dim3A = arith.constant 0xFF800000 : f32
    %broadcast_in_dim3A_19 = vector.broadcast %broadcast_in_dim3A : f32 to vector<16xf32>
    %scan3A = arith.constant 0 : i32
    %scan3A_20 = arith.constant 0 : i32
    %scan3A_21 = arith.constant 640 : i32
    %scan3A_22 = arith.addi %scan3A_20, %scan3A_21 : i32
    %scan3A_23 = arith.constant 1 : i32
    scf.for %scan3A_129 = %scan3A_20 to %scan3A_22 step %scan3A_23  : i32 {
      %mul3A_130 = arith.constant 16 : i32
      %mul3A_131 = arith.muli %scan3A_129, %mul3A_130 : i32
      %swap3A = arith.index_cast %mul3A_131 : i32 to index
      %swap3A_132 = tpu.vector_load %arg11[%swap3A] {strides = array<i32>} : memref<10240xf32, #tpu.memory_space<vmem>>, vector<16xf32>,
      tpu.vector_store %arg11[%swap3A], %broadcast_in_dim3A_19 {strides = array<i32>} : memref<10240xf32, #tpu.memory_space<vmem>>, vector<16xf32>,
      %mul3A_133 = arith.constant 16 : i32
      %mul3A_134 = arith.muli %scan3A_129, %mul3A_133 : i32
      %swap3A_135 = arith.index_cast %mul3A_134 : i32 to index
      %swap3A_136 = tpu.vector_load %arg12[%swap3A_135] {strides = array<i32>} : memref<10240xf32, #tpu.memory_space<vmem>>, vector<16xf32>,
      tpu.vector_store %arg12[%swap3A_135], %broadcast_in_dim3A_19 {strides = array<i32>} : memref<10240xf32, #tpu.memory_space<vmem>>, vector<16xf32>,
      %mul3A_137 = arith.constant 16 : i32
      %mul3A_138 = arith.muli %scan3A_129, %mul3A_137 : i32
      %swap3A_139 = arith.index_cast %mul3A_138 : i32 to index
      %swap3A_140 = tpu.vector_load %arg13[%swap3A_139] {strides = array<i32>} : memref<10240xf32, #tpu.memory_space<vmem>>, vector<16xf32>,
      tpu.vector_store %arg13[%swap3A_139], %broadcast_in_dim3A_19 {strides = array<i32>} : memref<10240xf32, #tpu.memory_space<vmem>>, vector<16xf32>,
      %mul3A_141 = arith.constant 16 : i32
      %mul3A_142 = arith.muli %scan3A_129, %mul3A_141 : i32
      %swap3A_143 = arith.index_cast %mul3A_142 : i32 to index
      %swap3A_144 = tpu.vector_load %arg14[%swap3A_143] {strides = array<i32>} : memref<10240xf32, #tpu.memory_space<vmem>>, vector<16xf32>,
      tpu.vector_store %arg14[%swap3A_143], %broadcast_in_dim3A_19 {strides = array<i32>} : memref<10240xf32, #tpu.memory_space<vmem>>, vector<16xf32>,
    }
    %scan3A_24 = arith.constant 640 : i32
    %sub3A = arith.constant 1 : i32
    %sub3A_25 = vector.broadcast %sub3A : i32 to vector<16xi32>
    %sub3A_26 = arith.subi %iota3A, %sub3A_25 : vector<16xi32>
    %max3A = arith.constant 0 : i32
    %max3A_27 = vector.broadcast %max3A : i32 to vector<16xi32>
    %max3A_28 = arith.maxsi %sub3A_26, %max3A_27 : vector<16xi32>
    %sub3A_29 = arith.constant 2 : i32
    %sub3A_30 = vector.broadcast %sub3A_29 : i32 to vector<16xi32>
    %sub3A_31 = arith.subi %iota3A, %sub3A_30 : vector<16xi32>
    %max3A_32 = arith.constant 0 : i32
    %max3A_33 = vector.broadcast %max3A_32 : i32 to vector<16xi32>
    %max3A_34 = arith.maxsi %sub3A_31, %max3A_33 : vector<16xi32>
    %sub3A_35 = arith.constant 4 : i32
    %sub3A_36 = vector.broadcast %sub3A_35 : i32 to vector<16xi32>
    %sub3A_37 = arith.subi %iota3A, %sub3A_36 : vector<16xi32>
    %max3A_38 = arith.constant 0 : i32
    %max3A_39 = vector.broadcast %max3A_38 : i32 to vector<16xi32>
    %max3A_40 = arith.maxsi %sub3A_37, %max3A_39 : vector<16xi32>
    %sub3A_41 = arith.constant 8 : i32
    %sub3A_42 = vector.broadcast %sub3A_41 : i32 to vector<16xi32>
    %sub3A_43 = arith.subi %iota3A, %sub3A_42 : vector<16xi32>
    %max3A_44 = arith.constant 0 : i32
    %max3A_45 = vector.broadcast %max3A_44 : i32 to vector<16xi32>
    %max3A_46 = arith.maxsi %sub3A_43, %max3A_45 : vector<16xi32>
    %add3A_47 = arith.constant 1 : i32
    %add3A_48 = vector.broadcast %add3A_47 : i32 to vector<16xi32>
    %add3A_49 = arith.addi %iota3A, %add3A_48 : vector<16xi32>
    %min3A = arith.constant 15 : i32
    %min3A_50 = vector.broadcast %min3A : i32 to vector<16xi32>
    %min3A_51 = arith.minsi %add3A_49, %min3A_50 : vector<16xi32>
    %dma_start3A = arith.constant 0 : i32
    %dma_start3A_52 = tpu.memref_slice %arg4[%dma_start3A] : memref<320000xi32, #tpu.memory_space<hbm>> -> memref<2000xi32, #tpu.memory_space<hbm>>
    %dma_start3A_53 = arith.constant 0 : i32
    %dma_start3A_54 = tpu.memref_slice %arg4[%dma_start3A_53] : memref<320000xi32, #tpu.memory_space<hbm>> -> memref<2000xi32, #tpu.memory_space<hbm>>
    tpu.enqueue_dma source(%dma_start3A_54 : memref<2000xi32, #tpu.memory_space<hbm>>) target(%arg15 : memref<2000xi32, #tpu.memory_space<vmem>>) target_semaphore(%arg21 : memref<!tpu.dma_semaphore, #tpu.memory_space<semaphore_mem>>)
    %dma_start3A_55 = arith.constant 0 : i32
    %dma_start3A_56 = tpu.memref_slice %arg5[%dma_start3A_55] : memref<320000xi32, #tpu.memory_space<hbm>> -> memref<2000xi32, #tpu.memory_space<hbm>>
    %dma_start3A_57 = arith.constant 0 : i32
    %dma_start3A_58 = tpu.memref_slice %arg5[%dma_start3A_57] : memref<320000xi32, #tpu.memory_space<hbm>> -> memref<2000xi32, #tpu.memory_space<hbm>>
    tpu.enqueue_dma source(%dma_start3A_58 : memref<2000xi32, #tpu.memory_space<hbm>>) target(%arg17 : memref<2000xi32, #tpu.memory_space<vmem>>) target_semaphore(%arg22 : memref<!tpu.dma_semaphore, #tpu.memory_space<semaphore_mem>>)
    %add3A_59 = arith.constant 0 : i32
    %add3A_60 = arith.addi %mul3A_2, %add3A_59 : i32
    %mul3A_61 = arith.constant 320000 : i32
    %mul3A_62 = arith.muli %add3A_60, %mul3A_61 : i32
    %add3A_63 = arith.constant 0 : i32
    %add3A_64 = arith.addi %mul3A_62, %add3A_63 : i32
    %dma_start3A_65 = arith.constant 0 : i32
    %dma_start3A_66 = tpu.memref_slice %arg19[%dma_start3A_65] : memref<8000xf32, #tpu.memory_space<vmem>> -> memref<2000xf32, #tpu.memory_space<vmem>>
    %dma_start3A_67 = tpu.memref_slice %arg3[%add3A_64] : memref<40960000xf32, #tpu.memory_space<hbm>> -> memref<2000xf32, #tpu.memory_space<hbm>>
    %dma_start3A_68 = arith.constant 0 : i32
    %dma_start3A_69 = tpu.memref_slice %arg19[%dma_start3A_68] : memref<8000xf32, #tpu.memory_space<vmem>> -> memref<2000xf32, #tpu.memory_space<vmem>>
    %dma_start3A_70 = tpu.memref_slice %arg3[%add3A_64] : memref<40960000xf32, #tpu.memory_space<hbm>> -> memref<2000xf32, #tpu.memory_space<hbm>>
    tpu.enqueue_dma source(%dma_start3A_70 : memref<2000xf32, #tpu.memory_space<hbm>>) target(%dma_start3A_69 : memref<2000xf32, #tpu.memory_space<vmem>>) target_semaphore(%arg23 : memref<!tpu.dma_semaphore, #tpu.memory_space<semaphore_mem>>)
    %add3A_71 = arith.constant 1 : i32
    %add3A_72 = arith.addi %mul3A_2, %add3A_71 : i32
    %mul3A_73 = arith.constant 320000 : i32
    %mul3A_74 = arith.muli %add3A_72, %mul3A_73 : i32
    %add3A_75 = arith.constant 0 : i32
    %add3A_76 = arith.addi %mul3A_74, %add3A_75 : i32
    %dma_start3A_77 = arith.constant 2000 : i32
    %dma_start3A_78 = tpu.memref_slice %arg19[%dma_start3A_77] : memref<8000xf32, #tpu.memory_space<vmem>> -> memref<2000xf32, #tpu.memory_space<vmem>>
    %dma_start3A_79 = tpu.memref_slice %arg3[%add3A_76] : memref<40960000xf32, #tpu.memory_space<hbm>> -> memref<2000xf32, #tpu.memory_space<hbm>>
    %dma_start3A_80 = arith.constant 2000 : i32
    %dma_start3A_81 = tpu.memref_slice %arg19[%dma_start3A_80] : memref<8000xf32, #tpu.memory_space<vmem>> -> memref<2000xf32, #tpu.memory_space<vmem>>
    %dma_start3A_82 = tpu.memref_slice %arg3[%add3A_76] : memref<40960000xf32, #tpu.memory_space<hbm>> -> memref<2000xf32, #tpu.memory_space<hbm>>
    tpu.enqueue_dma source(%dma_start3A_82 : memref<2000xf32, #tpu.memory_space<hbm>>) target(%dma_start3A_81 : memref<2000xf32, #tpu.memory_space<vmem>>) target_semaphore(%arg23 : memref<!tpu.dma_semaphore, #tpu.memory_space<semaphore_mem>>)
    %add3A_83 = arith.constant 2 : i32
    %add3A_84 = arith.addi %mul3A_2, %add3A_83 : i32
    %mul3A_85 = arith.constant 320000 : i32
    %mul3A_86 = arith.muli %add3A_84, %mul3A_85 : i32
    %add3A_87 = arith.constant 0 : i32
    %add3A_88 = arith.addi %mul3A_86, %add3A_87 : i32
    %dma_start3A_89 = arith.constant 4000 : i32
    %dma_start3A_90 = tpu.memref_slice %arg19[%dma_start3A_89] : memref<8000xf32, #tpu.memory_space<vmem>> -> memref<2000xf32, #tpu.memory_space<vmem>>
    %dma_start3A_91 = tpu.memref_slice %arg3[%add3A_88] : memref<40960000xf32, #tpu.memory_space<hbm>> -> memref<2000xf32, #tpu.memory_space<hbm>>
    %dma_start3A_92 = arith.constant 4000 : i32
    %dma_start3A_93 = tpu.memref_slice %arg19[%dma_start3A_92] : memref<8000xf32, #tpu.memory_space<vmem>> -> memref<2000xf32, #tpu.memory_space<vmem>>
    %dma_start3A_94 = tpu.memref_slice %arg3[%add3A_88] : memref<40960000xf32, #tpu.memory_space<hbm>> -> memref<2000xf32, #tpu.memory_space<hbm>>
    tpu.enqueue_dma source(%dma_start3A_94 : memref<2000xf32, #tpu.memory_space<hbm>>) target(%dma_start3A_93 : memref<2000xf32, #tpu.memory_space<vmem>>) target_semaphore(%arg23 : memref<!tpu.dma_semaphore, #tpu.memory_space<semaphore_mem>>)
    %add3A_95 = arith.constant 3 : i32
    %add3A_96 = arith.addi %mul3A_2, %add3A_95 : i32
    %mul3A_97 = arith.constant 320000 : i32
    %mul3A_98 = arith.muli %add3A_96, %mul3A_97 : i32
    %add3A_99 = arith.constant 0 : i32
    %add3A_100 = arith.addi %mul3A_98, %add3A_99 : i32
    %dma_start3A_101 = arith.constant 6000 : i32
    %dma_start3A_102 = tpu.memref_slice %arg19[%dma_start3A_101] : memref<8000xf32, #tpu.memory_space<vmem>> -> memref<2000xf32, #tpu.memory_space<vmem>>
    %dma_start3A_103 = tpu.memref_slice %arg3[%add3A_100] : memref<40960000xf32, #tpu.memory_space<hbm>> -> memref<2000xf32, #tpu.memory_space<hbm>>
    %dma_start3A_104 = arith.constant 6000 : i32
    %dma_start3A_105 = tpu.memref_slice %arg19[%dma_start3A_104] : memref<8000xf32, #tpu.memory_space<vmem>> -> memref<2000xf32, #tpu.memory_space<vmem>>
    %dma_start3A_106 = tpu.memref_slice %arg3[%add3A_100] : memref<40960000xf32, #tpu.memory_space<hbm>> -> memref<2000xf32, #tpu.memory_space<hbm>>
    tpu.enqueue_dma source(%dma_start3A_106 : memref<2000xf32, #tpu.memory_space<hbm>>) target(%dma_start3A_105 : memref<2000xf32, #tpu.memory_space<vmem>>) target_semaphore(%arg23 : memref<!tpu.dma_semaphore, #tpu.memory_space<semaphore_mem>>)
    %scan3A_107 = arith.constant 0 : i32
    %scan3A_108 = arith.constant 0 : i32
    %scan3A_109 = arith.constant 80 : i32
    %scan3A_110 = arith.addi %scan3A_108, %scan3A_109 : i32
    %scan3A_111 = arith.constant 1 : i32
    scf.for %scan3A_129 = %scan3A_108 to %scan3A_110 step %scan3A_111  : i32 {
      %mul3A_130 = arith.constant 2 : i32
      %mul3A_131 = arith.muli %scan3A_129, %mul3A_130 : i32
      %add3A_132 = arith.constant 0 : i32
      %add3A_133 = arith.addi %mul3A_131, %add3A_132 : i32
      %dma_wait3A = arith.constant 0 : i32
      %dma_wait3A_134 = tpu.memref_slice %arg4[%dma_wait3A] : memref<320000xi32, #tpu.memory_space<hbm>> -> memref<2000xi32, #tpu.memory_space<hbm>>
      %dma_wait3A_135 = arith.constant 0 : i32
      %dma_wait3A_136 = tpu.memref_slice %arg4[%dma_wait3A_135] : memref<320000xi32, #tpu.memory_space<hbm>> -> memref<2000xi32, #tpu.memory_space<hbm>>
      tpu.wait_dma2 semaphore(%arg21 : memref<!tpu.dma_semaphore, #tpu.memory_space<semaphore_mem>>) src(%dma_wait3A_136 : memref<2000xi32, #tpu.memory_space<hbm>>) dst(%arg15 : memref<2000xi32, #tpu.memory_space<vmem>>)
      %dma_wait3A_137 = arith.constant 0 : i32
      %dma_wait3A_138 = tpu.memref_slice %arg5[%dma_wait3A_137] : memref<320000xi32, #tpu.memory_space<hbm>> -> memref<2000xi32, #tpu.memory_space<hbm>>
      %dma_wait3A_139 = arith.constant 0 : i32
      %dma_wait3A_140 = tpu.memref_slice %arg5[%dma_wait3A_139] : memref<320000xi32, #tpu.memory_space<hbm>> -> memref<2000xi32, #tpu.memory_space<hbm>>
      tpu.wait_dma2 semaphore(%arg22 : memref<!tpu.dma_semaphore, #tpu.memory_space<semaphore_mem>>) src(%dma_wait3A_140 : memref<2000xi32, #tpu.memory_space<hbm>>) dst(%arg17 : memref<2000xi32, #tpu.memory_space<vmem>>)
      %dma_wait3A_141 = arith.constant 0 : i32
      %dma_wait3A_142 = tpu.memref_slice %arg19[%dma_wait3A_141] : memref<8000xf32, #tpu.memory_space<vmem>> -> memref<2000xf32, #tpu.memory_space<vmem>>
      %dma_wait3A_143 = arith.constant 0 : i32
      %dma_wait3A_144 = tpu.memref_slice %arg4[%dma_wait3A_143] : memref<320000xi32, #tpu.memory_space<hbm>> -> memref<2000xi32, #tpu.memory_space<hbm>>
      %dma_wait3A_145 = arith.constant 0 : i32
      %dma_wait3A_146 = tpu.memref_slice %arg19[%dma_wait3A_145] : memref<8000xf32, #tpu.memory_space<vmem>> -> memref<2000xf32, #tpu.memory_space<vmem>>
      %dma_wait3A_147 = arith.constant 0 : i32
      %dma_wait3A_148 = tpu.memref_slice %arg4[%dma_wait3A_147] : memref<320000xi32, #tpu.memory_space<hbm>> -> memref<2000xi32, #tpu.memory_space<hbm>>
      tpu.wait_dma2 semaphore(%arg23 : memref<!tpu.dma_semaphore, #tpu.memory_space<semaphore_mem>>) src(%dma_wait3A_148 : memref<2000xi32, #tpu.memory_space<hbm>>) dst(%dma_wait3A_146 : memref<2000xf32, #tpu.memory_space<vmem>>)
      %dma_wait3A_149 = arith.constant 2000 : i32
      %dma_wait3A_150 = tpu.memref_slice %arg19[%dma_wait3A_149] : memref<8000xf32, #tpu.memory_space<vmem>> -> memref<2000xf32, #tpu.memory_space<vmem>>
      %dma_wait3A_151 = arith.constant 0 : i32
      %dma_wait3A_152 = tpu.memref_slice %arg4[%dma_wait3A_151] : memref<320000xi32, #tpu.memory_space<hbm>> -> memref<2000xi32, #tpu.memory_space<hbm>>
      %dma_wait3A_153 = arith.constant 2000 : i32
      %dma_wait3A_154 = tpu.memref_slice %arg19[%dma_wait3A_153] : memref<8000xf32, #tpu.memory_space<vmem>> -> memref<2000xf32, #tpu.memory_space<vmem>>
      %dma_wait3A_155 = arith.constant 0 : i32
      %dma_wait3A_156 = tpu.memref_slice %arg4[%dma_wait3A_155] : memref<320000xi32, #tpu.memory_space<hbm>> -> memref<2000xi32, #tpu.memory_space<hbm>>
      tpu.wait_dma2 semaphore(%arg23 : memref<!tpu.dma_semaphore, #tpu.memory_space<semaphore_mem>>) src(%dma_wait3A_156 : memref<2000xi32, #tpu.memory_space<hbm>>) dst(%dma_wait3A_154 : memref<2000xf32, #tpu.memory_space<vmem>>)
      %dma_wait3A_157 = arith.constant 4000 : i32
      %dma_wait3A_158 = tpu.memref_slice %arg19[%dma_wait3A_157] : memref<8000xf32, #tpu.memory_space<vmem>> -> memref<2000xf32, #tpu.memory_space<vmem>>
      %dma_wait3A_159 = arith.constant 0 : i32
      %dma_wait3A_160 = tpu.memref_slice %arg4[%dma_wait3A_159] : memref<320000xi32, #tpu.memory_space<hbm>> -> memref<2000xi32, #tpu.memory_space<hbm>>
      %dma_wait3A_161 = arith.constant 4000 : i32
      %dma_wait3A_162 = tpu.memref_slice %arg19[%dma_wait3A_161] : memref<8000xf32, #tpu.memory_space<vmem>> -> memref<2000xf32, #tpu.memory_space<vmem>>
      %dma_wait3A_163 = arith.constant 0 : i32
      %dma_wait3A_164 = tpu.memref_slice %arg4[%dma_wait3A_163] : memref<320000xi32, #tpu.memory_space<hbm>> -> memref<2000xi32, #tpu.memory_space<hbm>>
      tpu.wait_dma2 semaphore(%arg23 : memref<!tpu.dma_semaphore, #tpu.memory_space<semaphore_mem>>) src(%dma_wait3A_164 : memref<2000xi32, #tpu.memory_space<hbm>>) dst(%dma_wait3A_162 : memref<2000xf32, #tpu.memory_space<vmem>>)
      %dma_wait3A_165 = arith.constant 6000 : i32
      %dma_wait3A_166 = tpu.memref_slice %arg19[%dma_wait3A_165] : memref<8000xf32, #tpu.memory_space<vmem>> -> memref<2000xf32, #tpu.memory_space<vmem>>
      %dma_wait3A_167 = arith.constant 0 : i32
      %dma_wait3A_168 = tpu.memref_slice %arg4[%dma_wait3A_167] : memref<320000xi32, #tpu.memory_space<hbm>> -> memref<2000xi32, #tpu.memory_space<hbm>>
      %dma_wait3A_169 = arith.constant 6000 : i32
      %dma_wait3A_170 = tpu.memref_slice %arg19[%dma_wait3A_169] : memref<8000xf32, #tpu.memory_space<vmem>> -> memref<2000xf32, #tpu.memory_space<vmem>>
      %dma_wait3A_171 = arith.constant 0 : i32
      %dma_wait3A_172 = tpu.memref_slice %arg4[%dma_wait3A_171] : memref<320000xi32, #tpu.memory_space<hbm>> -> memref<2000xi32, #tpu.memory_space<hbm>>
      tpu.wait_dma2 semaphore(%arg23 : memref<!tpu.dma_semaphore, #tpu.memory_space<semaphore_mem>>) src(%dma_wait3A_172 : memref<2000xi32, #tpu.memory_space<hbm>>) dst(%dma_wait3A_170 : memref<2000xf32, #tpu.memory_space<vmem>>)
      %add3A_173 = arith.constant 1 : i32
      %add3A_174 = arith.addi %add3A_133, %add3A_173 : i32
      %lt3A = arith.constant 160 : i32
      %lt3A_175 = arith.cmpi slt, %add3A_174, %lt3A : i32
      %convert_element_type3A = arith.extui %lt3A_175 : i1 to i32
      %cond3A = arith.constant 0 : i32
      %cond3A_176 = arith.cmpi ne, %convert_element_type3A, %cond3A : i32
      scf.if %cond3A_176 {
        %mul3A_611 = arith.constant 2000 : i32
        %mul3A_612 = arith.muli %add3A_174, %mul3A_611 : i32
        %dma_start3A_613 = tpu.memref_slice %arg4[%mul3A_612] : memref<320000xi32, #tpu.memory_space<hbm>> -> memref<2000xi32, #tpu.memory_space<hbm>>
        %dma_start3A_614 = tpu.memref_slice %arg4[%mul3A_612] : memref<320000xi32, #tpu.memory_space<hbm>> -> memref<2000xi32, #tpu.memory_space<hbm>>
        tpu.enqueue_dma source(%dma_start3A_614 : memref<2000xi32, #tpu.memory_space<hbm>>) target(%arg16 : memref<2000xi32, #tpu.memory_space<vmem>>) target_semaphore(%arg21 : memref<!tpu.dma_semaphore, #tpu.memory_space<semaphore_mem>>)
        %dma_start3A_615 = tpu.memref_slice %arg5[%mul3A_612] : memref<320000xi32, #tpu.memory_space<hbm>> -> memref<2000xi32, #tpu.memory_space<hbm>>
        %dma_start3A_616 = tpu.memref_slice %arg5[%mul3A_612] : memref<320000xi32, #tpu.memory_space<hbm>> -> memref<2000xi32, #tpu.memory_space<hbm>>
        tpu.enqueue_dma source(%dma_start3A_616 : memref<2000xi32, #tpu.memory_space<hbm>>) target(%arg18 : memref<2000xi32, #tpu.memory_space<vmem>>) target_semaphore(%arg22 : memref<!tpu.dma_semaphore, #tpu.memory_space<semaphore_mem>>)
        %add3A_617 = arith.constant 0 : i32
        %add3A_618 = arith.addi %mul3A_2, %add3A_617 : i32
        %mul3A_619 = arith.constant 320000 : i32
        %mul3A_620 = arith.muli %add3A_618, %mul3A_619 : i32
        %add3A_621 = arith.addi %mul3A_620, %mul3A_612 : i32
        %dma_start3A_622 = arith.constant 0 : i32
        %dma_start3A_623 = tpu.memref_slice %arg20[%dma_start3A_622] : memref<8000xf32, #tpu.memory_space<vmem>> -> memref<2000xf32, #tpu.memory_space<vmem>>
        %dma_start3A_624 = tpu.memref_slice %arg3[%add3A_621] : memref<40960000xf32, #tpu.memory_space<hbm>> -> memref<2000xf32, #tpu.memory_space<hbm>>
        %dma_start3A_625 = arith.constant 0 : i32
        %dma_start3A_626 = tpu.memref_slice %arg20[%dma_start3A_625] : memref<8000xf32, #tpu.memory_space<vmem>> -> memref<2000xf32, #tpu.memory_space<vmem>>
        %dma_start3A_627 = tpu.memref_slice %arg3[%add3A_621] : memref<40960000xf32, #tpu.memory_space<hbm>> -> memref<2000xf32, #tpu.memory_space<hbm>>
        tpu.enqueue_dma source(%dma_start3A_627 : memref<2000xf32, #tpu.memory_space<hbm>>) target(%dma_start3A_626 : memref<2000xf32, #tpu.memory_space<vmem>>) target_semaphore(%arg23 : memref<!tpu.dma_semaphore, #tpu.memory_space<semaphore_mem>>)
        %add3A_628 = arith.constant 1 : i32
        %add3A_629 = arith.addi %mul3A_2, %add3A_628 : i32
        %mul3A_630 = arith.constant 320000 : i32
        %mul3A_631 = arith.muli %add3A_629, %mul3A_630 : i32
        %add3A_632 = arith.addi %mul3A_631, %mul3A_612 : i32
        %dma_start3A_633 = arith.constant 2000 : i32
        %dma_start3A_634 = tpu.memref_slice %arg20[%dma_start3A_633] : memref<8000xf32, #tpu.memory_space<vmem>> -> memref<2000xf32, #tpu.memory_space<vmem>>
        %dma_start3A_635 = tpu.memref_slice %arg3[%add3A_632] : memref<40960000xf32, #tpu.memory_space<hbm>> -> memref<2000xf32, #tpu.memory_space<hbm>>
        %dma_start3A_636 = arith.constant 2000 : i32
        %dma_start3A_637 = tpu.memref_slice %arg20[%dma_start3A_636] : memref<8000xf32, #tpu.memory_space<vmem>> -> memref<2000xf32, #tpu.memory_space<vmem>>
        %dma_start3A_638 = tpu.memref_slice %arg3[%add3A_632] : memref<40960000xf32, #tpu.memory_space<hbm>> -> memref<2000xf32, #tpu.memory_space<hbm>>
        tpu.enqueue_dma source(%dma_start3A_638 : memref<2000xf32, #tpu.memory_space<hbm>>) target(%dma_start3A_637 : memref<2000xf32, #tpu.memory_space<vmem>>) target_semaphore(%arg23 : memref<!tpu.dma_semaphore, #tpu.memory_space<semaphore_mem>>)
        %add3A_639 = arith.constant 2 : i32
        %add3A_640 = arith.addi %mul3A_2, %add3A_639 : i32
        %mul3A_641 = arith.constant 320000 : i32
        %mul3A_642 = arith.muli %add3A_640, %mul3A_641 : i32
        %add3A_643 = arith.addi %mul3A_642, %mul3A_612 : i32
        %dma_start3A_644 = arith.constant 4000 : i32
        %dma_start3A_645 = tpu.memref_slice %arg20[%dma_start3A_644] : memref<8000xf32, #tpu.memory_space<vmem>> -> memref<2000xf32, #tpu.memory_space<vmem>>
        %dma_start3A_646 = tpu.memref_slice %arg3[%add3A_643] : memref<40960000xf32, #tpu.memory_space<hbm>> -> memref<2000xf32, #tpu.memory_space<hbm>>
        %dma_start3A_647 = arith.constant 4000 : i32
        %dma_start3A_648 = tpu.memref_slice %arg20[%dma_start3A_647] : memref<8000xf32, #tpu.memory_space<vmem>> -> memref<2000xf32, #tpu.memory_space<vmem>>
        %dma_start3A_649 = tpu.memref_slice %arg3[%add3A_643] : memref<40960000xf32, #tpu.memory_space<hbm>> -> memref<2000xf32, #tpu.memory_space<hbm>>
        tpu.enqueue_dma source(%dma_start3A_649 : memref<2000xf32, #tpu.memory_space<hbm>>) target(%dma_start3A_648 : memref<2000xf32, #tpu.memory_space<vmem>>) target_semaphore(%arg23 : memref<!tpu.dma_semaphore, #tpu.memory_space<semaphore_mem>>)
        %add3A_650 = arith.constant 3 : i32
        %add3A_651 = arith.addi %mul3A_2, %add3A_650 : i32
        %mul3A_652 = arith.constant 320000 : i32
        %mul3A_653 = arith.muli %add3A_651, %mul3A_652 : i32
        %add3A_654 = arith.addi %mul3A_653, %mul3A_612 : i32
        %dma_start3A_655 = arith.constant 6000 : i32
        %dma_start3A_656 = tpu.memref_slice %arg20[%dma_start3A_655] : memref<8000xf32, #tpu.memory_space<vmem>> -> memref<2000xf32, #tpu.memory_space<vmem>>
        %dma_start3A_657 = tpu.memref_slice %arg3[%add3A_654] : memref<40960000xf32, #tpu.memory_space<hbm>> -> memref<2000xf32, #tpu.memory_space<hbm>>
        %dma_start3A_658 = arith.constant 6000 : i32
        %dma_start3A_659 = tpu.memref_slice %arg20[%dma_start3A_658] : memref<8000xf32, #tpu.memory_space<vmem>> -> memref<2000xf32, #tpu.memory_space<vmem>>
        %dma_start3A_660 = tpu.memref_slice %arg3[%add3A_654] : memref<40960000xf32, #tpu.memory_space<hbm>> -> memref<2000xf32, #tpu.memory_space<hbm>>
        tpu.enqueue_dma source(%dma_start3A_660 : memref<2000xf32, #tpu.memory_space<hbm>>) target(%dma_start3A_659 : memref<2000xf32, #tpu.memory_space<vmem>>) target_semaphore(%arg23 : memref<!tpu.dma_semaphore, #tpu.memory_space<semaphore_mem>>)
      } else {
      }
      %scan3A_177 = arith.constant 0 : i32
      %scan3A_178 = arith.constant 0 : i32
      %scan3A_179 = arith.constant 124 : i32
      %scan3A_180 = arith.addi %scan3A_178, %scan3A_179 : i32
      %scan3A_181 = arith.constant 2 : i32
      scf.for %scan3A_611 = %scan3A_178 to %scan3A_180 step %scan3A_181  : i32 {
        %mul3A_612 = arith.constant 16 : i32
        %mul3A_613 = arith.muli %scan3A_611, %mul3A_612 : i32
        %get3A_614 = arith.index_cast %mul3A_613 : i32 to index
        %get3A_615 = tpu.vector_load %arg15[%get3A_614] {strides = array<i32>} : memref<2000xi32, #tpu.memory_space<vmem>>, vector<16xi32>,
        %mul3A_616 = arith.constant 16 : i32
        %mul3A_617 = arith.muli %scan3A_611, %mul3A_616 : i32
        %get3A_618 = arith.index_cast %mul3A_617 : i32 to index
        %get3A_619 = tpu.vector_load %arg17[%get3A_618] {strides = array<i32>} : memref<2000xi32, #tpu.memory_space<vmem>>, vector<16xi32>,
        %masked_sort3A_620 = arith.constant dense<true> : vector<16xi1>
        %masked_sort3A_621 = arith.constant -2147483648 : i32
        %masked_sort3A_622 = vector.broadcast %masked_sort3A_621 : i32 to vector<16xi32>
        %masked_sort3A_623 = arith.xori %get3A_619, %masked_sort3A_622 : vector<16xi32>
        %masked_sort3A_624, %masked_sort3A_625, %masked_sort3A_626 = tpu.sort %masked_sort3A_623, %iota3A masked %masked_sort3A_620 : (vector<16xi32>, vector<16xi32>, vector<16xi1>) -> (vector<16xi1>, vector<16xi32>, vector<16xi32>)
        %masked_sort3A_627 = arith.xori %masked_sort3A_625, %masked_sort3A_622 : vector<16xi32>
        %broadcast_in_dim3A_628 = vector.shape_cast %max3A_28 : vector<16xi32> to vector<16x1xi32>
        %gather3A_629 = vector.shape_cast %broadcast_in_dim3A_628 : vector<16x1xi32> to vector<16xi32>
        %gather3A_630 = tpu.dynamic_gather %masked_sort3A_627[%gather3A_629] in [0] : vector<16xi32>, vector<16xi32> -> vector<16xi32>
        %ge3A_631 = arith.constant 1 : i32
        %ge3A_632 = vector.broadcast %ge3A_631 : i32 to vector<16xi32>
        %ge3A_633 = arith.cmpi sge, %iota3A, %ge3A_632 : vector<16xi32>
        %eq3A_634 = arith.cmpi eq, %gather3A_630, %masked_sort3A_627 : vector<16xi32>
        %and3A_635 = arith.andi %ge3A_633, %eq3A_634 : vector<16xi1>
        %broadcast_in_dim3A_636 = vector.shape_cast %max3A_34 : vector<16xi32> to vector<16x1xi32>
        %gather3A_637 = vector.shape_cast %broadcast_in_dim3A_636 : vector<16x1xi32> to vector<16xi32>
        %gather3A_638 = tpu.dynamic_gather %masked_sort3A_627[%gather3A_637] in [0] : vector<16xi32>, vector<16xi32> -> vector<16xi32>
        %ge3A_639 = arith.constant 2 : i32
        %ge3A_640 = vector.broadcast %ge3A_639 : i32 to vector<16xi32>
        %ge3A_641 = arith.cmpi sge, %iota3A, %ge3A_640 : vector<16xi32>
        %eq3A_642 = arith.cmpi eq, %gather3A_638, %masked_sort3A_627 : vector<16xi32>
        %and3A_643 = arith.andi %ge3A_641, %eq3A_642 : vector<16xi1>
        %broadcast_in_dim3A_644 = vector.shape_cast %max3A_40 : vector<16xi32> to vector<16x1xi32>
        %gather3A_645 = vector.shape_cast %broadcast_in_dim3A_644 : vector<16x1xi32> to vector<16xi32>
        %gather3A_646 = tpu.dynamic_gather %masked_sort3A_627[%gather3A_645] in [0] : vector<16xi32>, vector<16xi32> -> vector<16xi32>
        %ge3A_647 = arith.constant 4 : i32
        %ge3A_648 = vector.broadcast %ge3A_647 : i32 to vector<16xi32>
        %ge3A_649 = arith.cmpi sge, %iota3A, %ge3A_648 : vector<16xi32>
        %eq3A_650 = arith.cmpi eq, %gather3A_646, %masked_sort3A_627 : vector<16xi32>
        %and3A_651 = arith.andi %ge3A_649, %eq3A_650 : vector<16xi1>
        %broadcast_in_dim3A_652 = vector.shape_cast %max3A_46 : vector<16xi32> to vector<16x1xi32>
        %gather3A_653 = vector.shape_cast %broadcast_in_dim3A_652 : vector<16x1xi32> to vector<16xi32>
        %gather3A_654 = tpu.dynamic_gather %masked_sort3A_627[%gather3A_653] in [0] : vector<16xi32>, vector<16xi32> -> vector<16xi32>
        %ge3A_655 = arith.constant 8 : i32
        %ge3A_656 = vector.broadcast %ge3A_655 : i32 to vector<16xi32>
        %ge3A_657 = arith.cmpi sge, %iota3A, %ge3A_656 : vector<16xi32>
        %eq3A_658 = arith.cmpi eq, %gather3A_654, %masked_sort3A_627 : vector<16xi32>
        %and3A_659 = arith.andi %ge3A_657, %eq3A_658 : vector<16xi1>
        %broadcast_in_dim3A_660 = vector.shape_cast %min3A_51 : vector<16xi32> to vector<16x1xi32>
        %gather3A_661 = vector.shape_cast %broadcast_in_dim3A_660 : vector<16x1xi32> to vector<16xi32>
        %gather3A_662 = tpu.dynamic_gather %masked_sort3A_627[%gather3A_661] in [0] : vector<16xi32>, vector<16xi32> -> vector<16xi32>
        %ne3A_663 = arith.cmpi ne, %masked_sort3A_627, %gather3A_662 : vector<16xi32>
        %eq3A_664 = arith.constant 15 : i32
        %eq3A_665 = vector.broadcast %eq3A_664 : i32 to vector<16xi32>
        %eq3A_666 = arith.cmpi eq, %iota3A, %eq3A_665 : vector<16xi32>
        %or3A_667 = arith.ori %ne3A_663, %eq3A_666 : vector<16xi1>
        %gather3A_668 = tpu.vector_load_idx %arg7[%get3A_615] : memref<10240xf32, #tpu.memory_space<vmem>>[vector<16xi32>], vector<16xf32>,
        %mul3A_669 = arith.constant 16 : i32
        %mul3A_670 = arith.muli %scan3A_611, %mul3A_669 : i32
        %add3A_671 = arith.constant 0 : i32
        %add3A_672 = arith.addi %add3A_671, %mul3A_670 : i32
        %get3A_673 = arith.index_cast %add3A_672 : i32 to index
        %get3A_674 = tpu.vector_load %arg19[%get3A_673] {strides = array<i32>} : memref<8000xf32, #tpu.memory_space<vmem>>, vector<16xf32>,
        %add3A_675 = arith.addf %gather3A_668, %get3A_674 : vector<16xf32>
        %broadcast_in_dim3A_676 = vector.shape_cast %masked_sort3A_626 : vector<16xi32> to vector<16x1xi32>
        %gather3A_677 = vector.shape_cast %broadcast_in_dim3A_676 : vector<16x1xi32> to vector<16xi32>
        %gather3A_678 = tpu.dynamic_gather %add3A_675[%gather3A_677] in [0] : vector<16xf32>, vector<16xi32> -> vector<16xf32>
        %broadcast_in_dim3A_679 = vector.shape_cast %max3A_28 : vector<16xi32> to vector<16x1xi32>
        %gather3A_680 = vector.shape_cast %broadcast_in_dim3A_679 : vector<16x1xi32> to vector<16xi32>
        %gather3A_681 = tpu.dynamic_gather %gather3A_678[%gather3A_680] in [0] : vector<16xf32>, vector<16xi32> -> vector<16xf32>
        %max3A_682 = arith.maximumf %gather3A_678, %gather3A_681 : vector<16xf32>
        %select_n3A_683 = arith.select %and3A_635, %max3A_682, %gather3A_678 : vector<16xi1>, vector<16xf32>
        %broadcast_in_dim3A_684 = vector.shape_cast %max3A_34 : vector<16xi32> to vector<16x1xi32>
        %gather3A_685 = vector.shape_cast %broadcast_in_dim3A_684 : vector<16x1xi32> to vector<16xi32>
        %gather3A_686 = tpu.dynamic_gather %select_n3A_683[%gather3A_685] in [0] : vector<16xf32>, vector<16xi32> -> vector<16xf32>
        %max3A_687 = arith.maximumf %select_n3A_683, %gather3A_686 : vector<16xf32>
        %select_n3A_688 = arith.select %and3A_643, %max3A_687, %select_n3A_683 : vector<16xi1>, vector<16xf32>
        %broadcast_in_dim3A_689 = vector.shape_cast %max3A_40 : vector<16xi32> to vector<16x1xi32>
        %gather3A_690 = vector.shape_cast %broadcast_in_dim3A_689 : vector<16x1xi32> to vector<16xi32>
        %gather3A_691 = tpu.dynamic_gather %select_n3A_688[%gather3A_690] in [0] : vector<16xf32>, vector<16xi32> -> vector<16xf32>
        %max3A_692 = arith.maximumf %select_n3A_688, %gather3A_691 : vector<16xf32>
        %select_n3A_693 = arith.select %and3A_651, %max3A_692, %select_n3A_688 : vector<16xi1>, vector<16xf32>
        %broadcast_in_dim3A_694 = vector.shape_cast %max3A_46 : vector<16xi32> to vector<16x1xi32>
        %gather3A_695 = vector.shape_cast %broadcast_in_dim3A_694 : vector<16x1xi32> to vector<16xi32>
        %gather3A_696 = tpu.dynamic_gather %select_n3A_693[%gather3A_695] in [0] : vector<16xf32>, vector<16xi32> -> vector<16xf32>
        %max3A_697 = arith.maximumf %select_n3A_693, %gather3A_696 : vector<16xf32>
        %select_n3A_698 = arith.select %and3A_659, %max3A_697, %select_n3A_693 : vector<16xi1>, vector<16xf32>
        %gather3A_699 = tpu.vector_load_idx %arg11[%masked_sort3A_627] : memref<10240xf32, #tpu.memory_space<vmem>>[vector<16xi32>], vector<16xf32>,
        %max3A_700 = arith.maximumf %gather3A_699, %select_n3A_698 : vector<16xf32>
        tpu.vector_store_idx %arg11[%masked_sort3A_627], %max3A_700 masked %or3A_667 : memref<10240xf32, #tpu.memory_space<vmem>>[vector<16xi32>], vector<16xf32>, vector<16xi1>
        %gather3A_701 = tpu.vector_load_idx %arg8[%get3A_615] : memref<10240xf32, #tpu.memory_space<vmem>>[vector<16xi32>], vector<16xf32>,
        %mul3A_702 = arith.constant 16 : i32
        %mul3A_703 = arith.muli %scan3A_611, %mul3A_702 : i32
        %add3A_704 = arith.constant 2000 : i32
        %add3A_705 = arith.addi %add3A_704, %mul3A_703 : i32
        %get3A_706 = arith.index_cast %add3A_705 : i32 to index
        %get3A_707 = tpu.vector_load %arg19[%get3A_706] {strides = array<i32>} : memref<8000xf32, #tpu.memory_space<vmem>>, vector<16xf32>,
        %add3A_708 = arith.addf %gather3A_701, %get3A_707 : vector<16xf32>
        %broadcast_in_dim3A_709 = vector.shape_cast %masked_sort3A_626 : vector<16xi32> to vector<16x1xi32>
        %gather3A_710 = vector.shape_cast %broadcast_in_dim3A_709 : vector<16x1xi32> to vector<16xi32>
        %gather3A_711 = tpu.dynamic_gather %add3A_708[%gather3A_710] in [0] : vector<16xf32>, vector<16xi32> -> vector<16xf32>
        %broadcast_in_dim3A_712 = vector.shape_cast %max3A_28 : vector<16xi32> to vector<16x1xi32>
        %gather3A_713 = vector.shape_cast %broadcast_in_dim3A_712 : vector<16x1xi32> to vector<16xi32>
        %gather3A_714 = tpu.dynamic_gather %gather3A_711[%gather3A_713] in [0] : vector<16xf32>, vector<16xi32> -> vector<16xf32>
        %max3A_715 = arith.maximumf %gather3A_711, %gather3A_714 : vector<16xf32>
        %select_n3A_716 = arith.select %and3A_635, %max3A_715, %gather3A_711 : vector<16xi1>, vector<16xf32>
        %broadcast_in_dim3A_717 = vector.shape_cast %max3A_34 : vector<16xi32> to vector<16x1xi32>
        %gather3A_718 = vector.shape_cast %broadcast_in_dim3A_717 : vector<16x1xi32> to vector<16xi32>
        %gather3A_719 = tpu.dynamic_gather %select_n3A_716[%gather3A_718] in [0] : vector<16xf32>, vector<16xi32> -> vector<16xf32>
        %max3A_720 = arith.maximumf %select_n3A_716, %gather3A_719 : vector<16xf32>
        %select_n3A_721 = arith.select %and3A_643, %max3A_720, %select_n3A_716 : vector<16xi1>, vector<16xf32>
        %broadcast_in_dim3A_722 = vector.shape_cast %max3A_40 : vector<16xi32> to vector<16x1xi32>
        %gather3A_723 = vector.shape_cast %broadcast_in_dim3A_722 : vector<16x1xi32> to vector<16xi32>
        %gather3A_724 = tpu.dynamic_gather %select_n3A_721[%gather3A_723] in [0] : vector<16xf32>, vector<16xi32> -> vector<16xf32>
        %max3A_725 = arith.maximumf %select_n3A_721, %gather3A_724 : vector<16xf32>
        %select_n3A_726 = arith.select %and3A_651, %max3A_725, %select_n3A_721 : vector<16xi1>, vector<16xf32>
        %broadcast_in_dim3A_727 = vector.shape_cast %max3A_46 : vector<16xi32> to vector<16x1xi32>
        %gather3A_728 = vector.shape_cast %broadcast_in_dim3A_727 : vector<16x1xi32> to vector<16xi32>
        %gather3A_729 = tpu.dynamic_gather %select_n3A_726[%gather3A_728] in [0] : vector<16xf32>, vector<16xi32> -> vector<16xf32>
        %max3A_730 = arith.maximumf %select_n3A_726, %gather3A_729 : vector<16xf32>
        %select_n3A_731 = arith.select %and3A_659, %max3A_730, %select_n3A_726 : vector<16xi1>, vector<16xf32>
        %gather3A_732 = tpu.vector_load_idx %arg12[%masked_sort3A_627] : memref<10240xf32, #tpu.memory_space<vmem>>[vector<16xi32>], vector<16xf32>,
        %max3A_733 = arith.maximumf %gather3A_732, %select_n3A_731 : vector<16xf32>
        tpu.vector_store_idx %arg12[%masked_sort3A_627], %max3A_733 masked %or3A_667 : memref<10240xf32, #tpu.memory_space<vmem>>[vector<16xi32>], vector<16xf32>, vector<16xi1>
        %gather3A_734 = tpu.vector_load_idx %arg9[%get3A_615] : memref<10240xf32, #tpu.memory_space<vmem>>[vector<16xi32>], vector<16xf32>,
        %mul3A_735 = arith.constant 16 : i32
        %mul3A_736 = arith.muli %scan3A_611, %mul3A_735 : i32
        %add3A_737 = arith.constant 4000 : i32
        %add3A_738 = arith.addi %add3A_737, %mul3A_736 : i32
        %get3A_739 = arith.index_cast %add3A_738 : i32 to index
        %get3A_740 = tpu.vector_load %arg19[%get3A_739] {strides = array<i32>} : memref<8000xf32, #tpu.memory_space<vmem>>, vector<16xf32>,
        %add3A_741 = arith.addf %gather3A_734, %get3A_740 : vector<16xf32>
        %broadcast_in_dim3A_742 = vector.shape_cast %masked_sort3A_626 : vector<16xi32> to vector<16x1xi32>
        %gather3A_743 = vector.shape_cast %broadcast_in_dim3A_742 : vector<16x1xi32> to vector<16xi32>
        %gather3A_744 = tpu.dynamic_gather %add3A_741[%gather3A_743] in [0] : vector<16xf32>, vector<16xi32> -> vector<16xf32>
        %broadcast_in_dim3A_745 = vector.shape_cast %max3A_28 : vector<16xi32> to vector<16x1xi32>
        %gather3A_746 = vector.shape_cast %broadcast_in_dim3A_745 : vector<16x1xi32> to vector<16xi32>
        %gather3A_747 = tpu.dynamic_gather %gather3A_744[%gather3A_746] in [0] : vector<16xf32>, vector<16xi32> -> vector<16xf32>
        %max3A_748 = arith.maximumf %gather3A_744, %gather3A_747 : vector<16xf32>
        %select_n3A_749 = arith.select %and3A_635, %max3A_748, %gather3A_744 : vector<16xi1>, vector<16xf32>
        %broadcast_in_dim3A_750 = vector.shape_cast %max3A_34 : vector<16xi32> to vector<16x1xi32>
        %gather3A_751 = vector.shape_cast %broadcast_in_dim3A_750 : vector<16x1xi32> to vector<16xi32>
        %gather3A_752 = tpu.dynamic_gather %select_n3A_749[%gather3A_751] in [0] : vector<16xf32>, vector<16xi32> -> vector<16xf32>
        %max3A_753 = arith.maximumf %select_n3A_749, %gather3A_752 : vector<16xf32>
        %select_n3A_754 = arith.select %and3A_643, %max3A_753, %select_n3A_749 : vector<16xi1>, vector<16xf32>
        %broadcast_in_dim3A_755 = vector.shape_cast %max3A_40 : vector<16xi32> to vector<16x1xi32>
        %gather3A_756 = vector.shape_cast %broadcast_in_dim3A_755 : vector<16x1xi32> to vector<16xi32>
        %gather3A_757 = tpu.dynamic_gather %select_n3A_754[%gather3A_756] in [0] : vector<16xf32>, vector<16xi32> -> vector<16xf32>
        %max3A_758 = arith.maximumf %select_n3A_754, %gather3A_757 : vector<16xf32>
        %select_n3A_759 = arith.select %and3A_651, %max3A_758, %select_n3A_754 : vector<16xi1>, vector<16xf32>
        %broadcast_in_dim3A_760 = vector.shape_cast %max3A_46 : vector<16xi32> to vector<16x1xi32>
        %gather3A_761 = vector.shape_cast %broadcast_in_dim3A_760 : vector<16x1xi32> to vector<16xi32>
        %gather3A_762 = tpu.dynamic_gather %select_n3A_759[%gather3A_761] in [0] : vector<16xf32>, vector<16xi32> -> vector<16xf32>
        %max3A_763 = arith.maximumf %select_n3A_759, %gather3A_762 : vector<16xf32>
        %select_n3A_764 = arith.select %and3A_659, %max3A_763, %select_n3A_759 : vector<16xi1>, vector<16xf32>
        %gather3A_765 = tpu.vector_load_idx %arg13[%masked_sort3A_627] : memref<10240xf32, #tpu.memory_space<vmem>>[vector<16xi32>], vector<16xf32>,
        %max3A_766 = arith.maximumf %gather3A_765, %select_n3A_764 : vector<16xf32>
        tpu.vector_store_idx %arg13[%masked_sort3A_627], %max3A_766 masked %or3A_667 : memref<10240xf32, #tpu.memory_space<vmem>>[vector<16xi32>], vector<16xf32>, vector<16xi1>
        %gather3A_767 = tpu.vector_load_idx %arg10[%get3A_615] : memref<10240xf32, #tpu.memory_space<vmem>>[vector<16xi32>], vector<16xf32>,
        %mul3A_768 = arith.constant 16 : i32
        %mul3A_769 = arith.muli %scan3A_611, %mul3A_768 : i32
        %add3A_770 = arith.constant 6000 : i32
        %add3A_771 = arith.addi %add3A_770, %mul3A_769 : i32
        %get3A_772 = arith.index_cast %add3A_771 : i32 to index
        %get3A_773 = tpu.vector_load %arg19[%get3A_772] {strides = array<i32>} : memref<8000xf32, #tpu.memory_space<vmem>>, vector<16xf32>,
        %add3A_774 = arith.addf %gather3A_767, %get3A_773 : vector<16xf32>
        %broadcast_in_dim3A_775 = vector.shape_cast %masked_sort3A_626 : vector<16xi32> to vector<16x1xi32>
        %gather3A_776 = vector.shape_cast %broadcast_in_dim3A_775 : vector<16x1xi32> to vector<16xi32>
        %gather3A_777 = tpu.dynamic_gather %add3A_774[%gather3A_776] in [0] : vector<16xf32>, vector<16xi32> -> vector<16xf32>
        %broadcast_in_dim3A_778 = vector.shape_cast %max3A_28 : vector<16xi32> to vector<16x1xi32>
        %gather3A_779 = vector.shape_cast %broadcast_in_dim3A_778 : vector<16x1xi32> to vector<16xi32>
        %gather3A_780 = tpu.dynamic_gather %gather3A_777[%gather3A_779] in [0] : vector<16xf32>, vector<16xi32> -> vector<16xf32>
        %max3A_781 = arith.maximumf %gather3A_777, %gather3A_780 : vector<16xf32>
        %select_n3A_782 = arith.select %and3A_635, %max3A_781, %gather3A_777 : vector<16xi1>, vector<16xf32>
        %broadcast_in_dim3A_783 = vector.shape_cast %max3A_34 : vector<16xi32> to vector<16x1xi32>
        %gather3A_784 = vector.shape_cast %broadcast_in_dim3A_783 : vector<16x1xi32> to vector<16xi32>
        %gather3A_785 = tpu.dynamic_gather %select_n3A_782[%gather3A_784] in [0] : vector<16xf32>, vector<16xi32> -> vector<16xf32>
        %max3A_786 = arith.maximumf %select_n3A_782, %gather3A_785 : vector<16xf32>
        %select_n3A_787 = arith.select %and3A_643, %max3A_786, %select_n3A_782 : vector<16xi1>, vector<16xf32>
        %broadcast_in_dim3A_788 = vector.shape_cast %max3A_40 : vector<16xi32> to vector<16x1xi32>
        %gather3A_789 = vector.shape_cast %broadcast_in_dim3A_788 : vector<16x1xi32> to vector<16xi32>
        %gather3A_790 = tpu.dynamic_gather %select_n3A_787[%gather3A_789] in [0] : vector<16xf32>, vector<16xi32> -> vector<16xf32>
        %max3A_791 = arith.maximumf %select_n3A_787, %gather3A_790 : vector<16xf32>
        %select_n3A_792 = arith.select %and3A_651, %max3A_791, %select_n3A_787 : vector<16xi1>, vector<16xf32>
        %broadcast_in_dim3A_793 = vector.shape_cast %max3A_46 : vector<16xi32> to vector<16x1xi32>
        %gather3A_794 = vector.shape_cast %broadcast_in_dim3A_793 : vector<16x1xi32> to vector<16xi32>
        %gather3A_795 = tpu.dynamic_gather %select_n3A_792[%gather3A_794] in [0] : vector<16xf32>, vector<16xi32> -> vector<16xf32>
        %max3A_796 = arith.maximumf %select_n3A_792, %gather3A_795 : vector<16xf32>
        %select_n3A_797 = arith.select %and3A_659, %max3A_796, %select_n3A_792 : vector<16xi1>, vector<16xf32>
        %gather3A_798 = tpu.vector_load_idx %arg14[%masked_sort3A_627] : memref<10240xf32, #tpu.memory_space<vmem>>[vector<16xi32>], vector<16xf32>,
        %max3A_799 = arith.maximumf %gather3A_798, %select_n3A_797 : vector<16xf32>
        tpu.vector_store_idx %arg14[%masked_sort3A_627], %max3A_799 masked %or3A_667 : memref<10240xf32, #tpu.memory_space<vmem>>[vector<16xi32>], vector<16xf32>, vector<16xi1>
        %scan3A_800 = arith.constant 1 : i32
        %scan3A_801 = arith.addi %scan3A_611, %scan3A_800 : i32
        %mul3A_802 = arith.constant 16 : i32
        %mul3A_803 = arith.muli %scan3A_801, %mul3A_802 : i32
        %get3A_804 = arith.index_cast %mul3A_803 : i32 to index
        %get3A_805 = tpu.vector_load %arg15[%get3A_804] {strides = array<i32>} : memref<2000xi32, #tpu.memory_space<vmem>>, vector<16xi32>,
        %mul3A_806 = arith.constant 16 : i32
        %mul3A_807 = arith.muli %scan3A_801, %mul3A_806 : i32
        %get3A_808 = arith.index_cast %mul3A_807 : i32 to index
        %get3A_809 = tpu.vector_load %arg17[%get3A_808] {strides = array<i32>} : memref<2000xi32, #tpu.memory_space<vmem>>, vector<16xi32>,
        %masked_sort3A_810 = arith.constant dense<true> : vector<16xi1>
        %masked_sort3A_811 = arith.constant -2147483648 : i32
        %masked_sort3A_812 = vector.broadcast %masked_sort3A_811 : i32 to vector<16xi32>
        %masked_sort3A_813 = arith.xori %get3A_809, %masked_sort3A_812 : vector<16xi32>
        %masked_sort3A_814, %masked_sort3A_815, %masked_sort3A_816 = tpu.sort %masked_sort3A_813, %iota3A masked %masked_sort3A_810 : (vector<16xi32>, vector<16xi32>, vector<16xi1>) -> (vector<16xi1>, vector<16xi32>, vector<16xi32>)
        %masked_sort3A_817 = arith.xori %masked_sort3A_815, %masked_sort3A_812 : vector<16xi32>
        %broadcast_in_dim3A_818 = vector.shape_cast %max3A_28 : vector<16xi32> to vector<16x1xi32>
        %gather3A_819 = vector.shape_cast %broadcast_in_dim3A_818 : vector<16x1xi32> to vector<16xi32>
        %gather3A_820 = tpu.dynamic_gather %masked_sort3A_817[%gather3A_819] in [0] : vector<16xi32>, vector<16xi32> -> vector<16xi32>
        %ge3A_821 = arith.constant 1 : i32
        %ge3A_822 = vector.broadcast %ge3A_821 : i32 to vector<16xi32>
        %ge3A_823 = arith.cmpi sge, %iota3A, %ge3A_822 : vector<16xi32>
        %eq3A_824 = arith.cmpi eq, %gather3A_820, %masked_sort3A_817 : vector<16xi32>
        %and3A_825 = arith.andi %ge3A_823, %eq3A_824 : vector<16xi1>
        %broadcast_in_dim3A_826 = vector.shape_cast %max3A_34 : vector<16xi32> to vector<16x1xi32>
        %gather3A_827 = vector.shape_cast %broadcast_in_dim3A_826 : vector<16x1xi32> to vector<16xi32>
        %gather3A_828 = tpu.dynamic_gather %masked_sort3A_817[%gather3A_827] in [0] : vector<16xi32>, vector<16xi32> -> vector<16xi32>
        %ge3A_829 = arith.constant 2 : i32
        %ge3A_830 = vector.broadcast %ge3A_829 : i32 to vector<16xi32>
        %ge3A_831 = arith.cmpi sge, %iota3A, %ge3A_830 : vector<16xi32>
        %eq3A_832 = arith.cmpi eq, %gather3A_828, %masked_sort3A_817 : vector<16xi32>
        %and3A_833 = arith.andi %ge3A_831, %eq3A_832 : vector<16xi1>
        %broadcast_in_dim3A_834 = vector.shape_cast %max3A_40 : vector<16xi32> to vector<16x1xi32>
        %gather3A_835 = vector.shape_cast %broadcast_in_dim3A_834 : vector<16x1xi32> to vector<16xi32>
        %gather3A_836 = tpu.dynamic_gather %masked_sort3A_817[%gather3A_835] in [0] : vector<16xi32>, vector<16xi32> -> vector<16xi32>
        %ge3A_837 = arith.constant 4 : i32
        %ge3A_838 = vector.broadcast %ge3A_837 : i32 to vector<16xi32>
        %ge3A_839 = arith.cmpi sge, %iota3A, %ge3A_838 : vector<16xi32>
        %eq3A_840 = arith.cmpi eq, %gather3A_836, %masked_sort3A_817 : vector<16xi32>
        %and3A_841 = arith.andi %ge3A_839, %eq3A_840 : vector<16xi1>
        %broadcast_in_dim3A_842 = vector.shape_cast %max3A_46 : vector<16xi32> to vector<16x1xi32>
        %gather3A_843 = vector.shape_cast %broadcast_in_dim3A_842 : vector<16x1xi32> to vector<16xi32>
        %gather3A_844 = tpu.dynamic_gather %masked_sort3A_817[%gather3A_843] in [0] : vector<16xi32>, vector<16xi32> -> vector<16xi32>
        %ge3A_845 = arith.constant 8 : i32
        %ge3A_846 = vector.broadcast %ge3A_845 : i32 to vector<16xi32>
        %ge3A_847 = arith.cmpi sge, %iota3A, %ge3A_846 : vector<16xi32>
        %eq3A_848 = arith.cmpi eq, %gather3A_844, %masked_sort3A_817 : vector<16xi32>
        %and3A_849 = arith.andi %ge3A_847, %eq3A_848 : vector<16xi1>
        %broadcast_in_dim3A_850 = vector.shape_cast %min3A_51 : vector<16xi32> to vector<16x1xi32>
        %gather3A_851 = vector.shape_cast %broadcast_in_dim3A_850 : vector<16x1xi32> to vector<16xi32>
        %gather3A_852 = tpu.dynamic_gather %masked_sort3A_817[%gather3A_851] in [0] : vector<16xi32>, vector<16xi32> -> vector<16xi32>
        %ne3A_853 = arith.cmpi ne, %masked_sort3A_817, %gather3A_852 : vector<16xi32>
        %eq3A_854 = arith.constant 15 : i32
        %eq3A_855 = vector.broadcast %eq3A_854 : i32 to vector<16xi32>
        %eq3A_856 = arith.cmpi eq, %iota3A, %eq3A_855 : vector<16xi32>
        %or3A_857 = arith.ori %ne3A_853, %eq3A_856 : vector<16xi1>
        %gather3A_858 = tpu.vector_load_idx %arg7[%get3A_805] : memref<10240xf32, #tpu.memory_space<vmem>>[vector<16xi32>], vector<16xf32>,
        %mul3A_859 = arith.constant 16 : i32
        %mul3A_860 = arith.muli %scan3A_801, %mul3A_859 : i32
        %add3A_861 = arith.constant 0 : i32
        %add3A_862 = arith.addi %add3A_861, %mul3A_860 : i32
        %get3A_863 = arith.index_cast %add3A_862 : i32 to index
        %get3A_864 = tpu.vector_load %arg19[%get3A_863] {strides = array<i32>} : memref<8000xf32, #tpu.memory_space<vmem>>, vector<16xf32>,
        %add3A_865 = arith.addf %gather3A_858, %get3A_864 : vector<16xf32>
        %broadcast_in_dim3A_866 = vector.shape_cast %masked_sort3A_816 : vector<16xi32> to vector<16x1xi32>
        %gather3A_867 = vector.shape_cast %broadcast_in_dim3A_866 : vector<16x1xi32> to vector<16xi32>
        %gather3A_868 = tpu.dynamic_gather %add3A_865[%gather3A_867] in [0] : vector<16xf32>, vector<16xi32> -> vector<16xf32>
        %broadcast_in_dim3A_869 = vector.shape_cast %max3A_28 : vector<16xi32> to vector<16x1xi32>
        %gather3A_870 = vector.shape_cast %broadcast_in_dim3A_869 : vector<16x1xi32> to vector<16xi32>
        %gather3A_871 = tpu.dynamic_gather %gather3A_868[%gather3A_870] in [0] : vector<16xf32>, vector<16xi32> -> vector<16xf32>
        %max3A_872 = arith.maximumf %gather3A_868, %gather3A_871 : vector<16xf32>
        %select_n3A_873 = arith.select %and3A_825, %max3A_872, %gather3A_868 : vector<16xi1>, vector<16xf32>
        %broadcast_in_dim3A_874 = vector.shape_cast %max3A_34 : vector<16xi32> to vector<16x1xi32>
        %gather3A_875 = vector.shape_cast %broadcast_in_dim3A_874 : vector<16x1xi32> to vector<16xi32>
        %gather3A_876 = tpu.dynamic_gather %select_n3A_873[%gather3A_875] in [0] : vector<16xf32>, vector<16xi32> -> vector<16xf32>
        %max3A_877 = arith.maximumf %select_n3A_873, %gather3A_876 : vector<16xf32>
        %select_n3A_878 = arith.select %and3A_833, %max3A_877, %select_n3A_873 : vector<16xi1>, vector<16xf32>
        %broadcast_in_dim3A_879 = vector.shape_cast %max3A_40 : vector<16xi32> to vector<16x1xi32>
        %gather3A_880 = vector.shape_cast %broadcast_in_dim3A_879 : vector<16x1xi32> to vector<16xi32>
        %gather3A_881 = tpu.dynamic_gather %select_n3A_878[%gather3A_880] in [0] : vector<16xf32>, vector<16xi32> -> vector<16xf32>
        %max3A_882 = arith.maximumf %select_n3A_878, %gather3A_881 : vector<16xf32>
        %select_n3A_883 = arith.select %and3A_841, %max3A_882, %select_n3A_878 : vector<16xi1>, vector<16xf32>
        %broadcast_in_dim3A_884 = vector.shape_cast %max3A_46 : vector<16xi32> to vector<16x1xi32>
        %gather3A_885 = vector.shape_cast %broadcast_in_dim3A_884 : vector<16x1xi32> to vector<16xi32>
        %gather3A_886 = tpu.dynamic_gather %select_n3A_883[%gather3A_885] in [0] : vector<16xf32>, vector<16xi32> -> vector<16xf32>
        %max3A_887 = arith.maximumf %select_n3A_883, %gather3A_886 : vector<16xf32>
        %select_n3A_888 = arith.select %and3A_849, %max3A_887, %select_n3A_883 : vector<16xi1>, vector<16xf32>
        %gather3A_889 = tpu.vector_load_idx %arg11[%masked_sort3A_817] : memref<10240xf32, #tpu.memory_space<vmem>>[vector<16xi32>], vector<16xf32>,
        %max3A_890 = arith.maximumf %gather3A_889, %select_n3A_888 : vector<16xf32>
        tpu.vector_store_idx %arg11[%masked_sort3A_817], %max3A_890 masked %or3A_857 : memref<10240xf32, #tpu.memory_space<vmem>>[vector<16xi32>], vector<16xf32>, vector<16xi1>
        %gather3A_891 = tpu.vector_load_idx %arg8[%get3A_805] : memref<10240xf32, #tpu.memory_space<vmem>>[vector<16xi32>], vector<16xf32>,
        %mul3A_892 = arith.constant 16 : i32
        %mul3A_893 = arith.muli %scan3A_801, %mul3A_892 : i32
        %add3A_894 = arith.constant 2000 : i32
        %add3A_895 = arith.addi %add3A_894, %mul3A_893 : i32
        %get3A_896 = arith.index_cast %add3A_895 : i32 to index
        %get3A_897 = tpu.vector_load %arg19[%get3A_896] {strides = array<i32>} : memref<8000xf32, #tpu.memory_space<vmem>>, vector<16xf32>,
        %add3A_898 = arith.addf %gather3A_891, %get3A_897 : vector<16xf32>
        %broadcast_in_dim3A_899 = vector.shape_cast %masked_sort3A_816 : vector<16xi32> to vector<16x1xi32>
        %gather3A_900 = vector.shape_cast %broadcast_in_dim3A_899 : vector<16x1xi32> to vector<16xi32>
        %gather3A_901 = tpu.dynamic_gather %add3A_898[%gather3A_900] in [0] : vector<16xf32>, vector<16xi32> -> vector<16xf32>
        %broadcast_in_dim3A_902 = vector.shape_cast %max3A_28 : vector<16xi32> to vector<16x1xi32>
        %gather3A_903 = vector.shape_cast %broadcast_in_dim3A_902 : vector<16x1xi32> to vector<16xi32>
        %gather3A_904 = tpu.dynamic_gather %gather3A_901[%gather3A_903] in [0] : vector<16xf32>, vector<16xi32> -> vector<16xf32>
        %max3A_905 = arith.maximumf %gather3A_901, %gather3A_904 : vector<16xf32>
        %select_n3A_906 = arith.select %and3A_825, %max3A_905, %gather3A_901 : vector<16xi1>, vector<16xf32>
        %broadcast_in_dim3A_907 = vector.shape_cast %max3A_34 : vector<16xi32> to vector<16x1xi32>
        %gather3A_908 = vector.shape_cast %broadcast_in_dim3A_907 : vector<16x1xi32> to vector<16xi32>
        %gather3A_909 = tpu.dynamic_gather %select_n3A_906[%gather3A_908] in [0] : vector<16xf32>, vector<16xi32> -> vector<16xf32>
        %max3A_910 = arith.maximumf %select_n3A_906, %gather3A_909 : vector<16xf32>
        %select_n3A_911 = arith.select %and3A_833, %max3A_910, %select_n3A_906 : vector<16xi1>, vector<16xf32>
        %broadcast_in_dim3A_912 = vector.shape_cast %max3A_40 : vector<16xi32> to vector<16x1xi32>
        %gather3A_913 = vector.shape_cast %broadcast_in_dim3A_912 : vector<16x1xi32> to vector<16xi32>
        %gather3A_914 = tpu.dynamic_gather %select_n3A_911[%gather3A_913] in [0] : vector<16xf32>, vector<16xi32> -> vector<16xf32>
        %max3A_915 = arith.maximumf %select_n3A_911, %gather3A_914 : vector<16xf32>
        %select_n3A_916 = arith.select %and3A_841, %max3A_915, %select_n3A_911 : vector<16xi1>, vector<16xf32>
        %broadcast_in_dim3A_917 = vector.shape_cast %max3A_46 : vector<16xi32> to vector<16x1xi32>
        %gather3A_918 = vector.shape_cast %broadcast_in_dim3A_917 : vector<16x1xi32> to vector<16xi32>
        %gather3A_919 = tpu.dynamic_gather %select_n3A_916[%gather3A_918] in [0] : vector<16xf32>, vector<16xi32> -> vector<16xf32>
        %max3A_920 = arith.maximumf %select_n3A_916, %gather3A_919 : vector<16xf32>
        %select_n3A_921 = arith.select %and3A_849, %max3A_920, %select_n3A_916 : vector<16xi1>, vector<16xf32>
        %gather3A_922 = tpu.vector_load_idx %arg12[%masked_sort3A_817] : memref<10240xf32, #tpu.memory_space<vmem>>[vector<16xi32>], vector<16xf32>,
        %max3A_923 = arith.maximumf %gather3A_922, %select_n3A_921 : vector<16xf32>
        tpu.vector_store_idx %arg12[%masked_sort3A_817], %max3A_923 masked %or3A_857 : memref<10240xf32, #tpu.memory_space<vmem>>[vector<16xi32>], vector<16xf32>, vector<16xi1>
        %gather3A_924 = tpu.vector_load_idx %arg9[%get3A_805] : memref<10240xf32, #tpu.memory_space<vmem>>[vector<16xi32>], vector<16xf32>,
        %mul3A_925 = arith.constant 16 : i32
        %mul3A_926 = arith.muli %scan3A_801, %mul3A_925 : i32
        %add3A_927 = arith.constant 4000 : i32
        %add3A_928 = arith.addi %add3A_927, %mul3A_926 : i32
        %get3A_929 = arith.index_cast %add3A_928 : i32 to index
        %get3A_930 = tpu.vector_load %arg19[%get3A_929] {strides = array<i32>} : memref<8000xf32, #tpu.memory_space<vmem>>, vector<16xf32>,
        %add3A_931 = arith.addf %gather3A_924, %get3A_930 : vector<16xf32>
        %broadcast_in_dim3A_932 = vector.shape_cast %masked_sort3A_816 : vector<16xi32> to vector<16x1xi32>
        %gather3A_933 = vector.shape_cast %broadcast_in_dim3A_932 : vector<16x1xi32> to vector<16xi32>
        %gather3A_934 = tpu.dynamic_gather %add3A_931[%gather3A_933] in [0] : vector<16xf32>, vector<16xi32> -> vector<16xf32>
        %broadcast_in_dim3A_935 = vector.shape_cast %max3A_28 : vector<16xi32> to vector<16x1xi32>
        %gather3A_936 = vector.shape_cast %broadcast_in_dim3A_935 : vector<16x1xi32> to vector<16xi32>
        %gather3A_937 = tpu.dynamic_gather %gather3A_934[%gather3A_936] in [0] : vector<16xf32>, vector<16xi32> -> vector<16xf32>
        %max3A_938 = arith.maximumf %gather3A_934, %gather3A_937 : vector<16xf32>
        %select_n3A_939 = arith.select %and3A_825, %max3A_938, %gather3A_934 : vector<16xi1>, vector<16xf32>
        %broadcast_in_dim3A_940 = vector.shape_cast %max3A_34 : vector<16xi32> to vector<16x1xi32>
        %gather3A_941 = vector.shape_cast %broadcast_in_dim3A_940 : vector<16x1xi32> to vector<16xi32>
        %gather3A_942 = tpu.dynamic_gather %select_n3A_939[%gather3A_941] in [0] : vector<16xf32>, vector<16xi32> -> vector<16xf32>
        %max3A_943 = arith.maximumf %select_n3A_939, %gather3A_942 : vector<16xf32>
        %select_n3A_944 = arith.select %and3A_833, %max3A_943, %select_n3A_939 : vector<16xi1>, vector<16xf32>
        %broadcast_in_dim3A_945 = vector.shape_cast %max3A_40 : vector<16xi32> to vector<16x1xi32>
        %gather3A_946 = vector.shape_cast %broadcast_in_dim3A_945 : vector<16x1xi32> to vector<16xi32>
        %gather3A_947 = tpu.dynamic_gather %select_n3A_944[%gather3A_946] in [0] : vector<16xf32>, vector<16xi32> -> vector<16xf32>
        %max3A_948 = arith.maximumf %select_n3A_944, %gather3A_947 : vector<16xf32>
        %select_n3A_949 = arith.select %and3A_841, %max3A_948, %select_n3A_944 : vector<16xi1>, vector<16xf32>
        %broadcast_in_dim3A_950 = vector.shape_cast %max3A_46 : vector<16xi32> to vector<16x1xi32>
        %gather3A_951 = vector.shape_cast %broadcast_in_dim3A_950 : vector<16x1xi32> to vector<16xi32>
        %gather3A_952 = tpu.dynamic_gather %select_n3A_949[%gather3A_951] in [0] : vector<16xf32>, vector<16xi32> -> vector<16xf32>
        %max3A_953 = arith.maximumf %select_n3A_949, %gather3A_952 : vector<16xf32>
        %select_n3A_954 = arith.select %and3A_849, %max3A_953, %select_n3A_949 : vector<16xi1>, vector<16xf32>
        %gather3A_955 = tpu.vector_load_idx %arg13[%masked_sort3A_817] : memref<10240xf32, #tpu.memory_space<vmem>>[vector<16xi32>], vector<16xf32>,
        %max3A_956 = arith.maximumf %gather3A_955, %select_n3A_954 : vector<16xf32>
        tpu.vector_store_idx %arg13[%masked_sort3A_817], %max3A_956 masked %or3A_857 : memref<10240xf32, #tpu.memory_space<vmem>>[vector<16xi32>], vector<16xf32>, vector<16xi1>
        %gather3A_957 = tpu.vector_load_idx %arg10[%get3A_805] : memref<10240xf32, #tpu.memory_space<vmem>>[vector<16xi32>], vector<16xf32>,
        %mul3A_958 = arith.constant 16 : i32
        %mul3A_959 = arith.muli %scan3A_801, %mul3A_958 : i32
        %add3A_960 = arith.constant 6000 : i32
        %add3A_961 = arith.addi %add3A_960, %mul3A_959 : i32
        %get3A_962 = arith.index_cast %add3A_961 : i32 to index
        %get3A_963 = tpu.vector_load %arg19[%get3A_962] {strides = array<i32>} : memref<8000xf32, #tpu.memory_space<vmem>>, vector<16xf32>,
        %add3A_964 = arith.addf %gather3A_957, %get3A_963 : vector<16xf32>
        %broadcast_in_dim3A_965 = vector.shape_cast %masked_sort3A_816 : vector<16xi32> to vector<16x1xi32>
        %gather3A_966 = vector.shape_cast %broadcast_in_dim3A_965 : vector<16x1xi32> to vector<16xi32>
        %gather3A_967 = tpu.dynamic_gather %add3A_964[%gather3A_966] in [0] : vector<16xf32>, vector<16xi32> -> vector<16xf32>
        %broadcast_in_dim3A_968 = vector.shape_cast %max3A_28 : vector<16xi32> to vector<16x1xi32>
        %gather3A_969 = vector.shape_cast %broadcast_in_dim3A_968 : vector<16x1xi32> to vector<16xi32>
        %gather3A_970 = tpu.dynamic_gather %gather3A_967[%gather3A_969] in [0] : vector<16xf32>, vector<16xi32> -> vector<16xf32>
        %max3A_971 = arith.maximumf %gather3A_967, %gather3A_970 : vector<16xf32>
        %select_n3A_972 = arith.select %and3A_825, %max3A_971, %gather3A_967 : vector<16xi1>, vector<16xf32>
        %broadcast_in_dim3A_973 = vector.shape_cast %max3A_34 : vector<16xi32> to vector<16x1xi32>
        %gather3A_974 = vector.shape_cast %broadcast_in_dim3A_973 : vector<16x1xi32> to vector<16xi32>
        %gather3A_975 = tpu.dynamic_gather %select_n3A_972[%gather3A_974] in [0] : vector<16xf32>, vector<16xi32> -> vector<16xf32>
        %max3A_976 = arith.maximumf %select_n3A_972, %gather3A_975 : vector<16xf32>
        %select_n3A_977 = arith.select %and3A_833, %max3A_976, %select_n3A_972 : vector<16xi1>, vector<16xf32>
        %broadcast_in_dim3A_978 = vector.shape_cast %max3A_40 : vector<16xi32> to vector<16x1xi32>
        %gather3A_979 = vector.shape_cast %broadcast_in_dim3A_978 : vector<16x1xi32> to vector<16xi32>
        %gather3A_980 = tpu.dynamic_gather %select_n3A_977[%gather3A_979] in [0] : vector<16xf32>, vector<16xi32> -> vector<16xf32>
        %max3A_981 = arith.maximumf %select_n3A_977, %gather3A_980 : vector<16xf32>
        %select_n3A_982 = arith.select %and3A_841, %max3A_981, %select_n3A_977 : vector<16xi1>, vector<16xf32>
        %broadcast_in_dim3A_983 = vector.shape_cast %max3A_46 : vector<16xi32> to vector<16x1xi32>
        %gather3A_984 = vector.shape_cast %broadcast_in_dim3A_983 : vector<16x1xi32> to vector<16xi32>
        %gather3A_985 = tpu.dynamic_gather %select_n3A_982[%gather3A_984] in [0] : vector<16xf32>, vector<16xi32> -> vector<16xf32>
        %max3A_986 = arith.maximumf %select_n3A_982, %gather3A_985 : vector<16xf32>
        %select_n3A_987 = arith.select %and3A_849, %max3A_986, %select_n3A_982 : vector<16xi1>, vector<16xf32>
        %gather3A_988 = tpu.vector_load_idx %arg14[%masked_sort3A_817] : memref<10240xf32, #tpu.memory_space<vmem>>[vector<16xi32>], vector<16xf32>,
        %max3A_989 = arith.maximumf %gather3A_988, %select_n3A_987 : vector<16xf32>
        tpu.vector_store_idx %arg14[%masked_sort3A_817], %max3A_989 masked %or3A_857 : memref<10240xf32, #tpu.memory_space<vmem>>[vector<16xi32>], vector<16xf32>, vector<16xi1>
      }
      %scan3A_182 = arith.constant 124 : i32
      %scan3A_183 = arith.addi %scan3A_178, %scan3A_182 : i32
      %mul3A_184 = arith.constant 16 : i32
      %mul3A_185 = arith.muli %scan3A_183, %mul3A_184 : i32
      %get3A = arith.index_cast %mul3A_185 : i32 to index
      %get3A_186 = tpu.vector_load %arg15[%get3A] {strides = array<i32>} : memref<2000xi32, #tpu.memory_space<vmem>>, vector<16xi32>,
      %mul3A_187 = arith.constant 16 : i32
      %mul3A_188 = arith.muli %scan3A_183, %mul3A_187 : i32
      %get3A_189 = arith.index_cast %mul3A_188 : i32 to index
      %get3A_190 = tpu.vector_load %arg17[%get3A_189] {strides = array<i32>} : memref<2000xi32, #tpu.memory_space<vmem>>, vector<16xi32>,
      %masked_sort3A = arith.constant dense<true> : vector<16xi1>
      %masked_sort3A_191 = arith.constant -2147483648 : i32
      %masked_sort3A_192 = vector.broadcast %masked_sort3A_191 : i32 to vector<16xi32>
      %masked_sort3A_193 = arith.xori %get3A_190, %masked_sort3A_192 : vector<16xi32>
      %masked_sort3A_194, %masked_sort3A_195, %masked_sort3A_196 = tpu.sort %masked_sort3A_193, %iota3A masked %masked_sort3A : (vector<16xi32>, vector<16xi32>, vector<16xi1>) -> (vector<16xi1>, vector<16xi32>, vector<16xi32>)
      %masked_sort3A_197 = arith.xori %masked_sort3A_195, %masked_sort3A_192 : vector<16xi32>
      %broadcast_in_dim3A_198 = vector.shape_cast %max3A_28 : vector<16xi32> to vector<16x1xi32>
      %gather3A = vector.shape_cast %broadcast_in_dim3A_198 : vector<16x1xi32> to vector<16xi32>
      %gather3A_199 = tpu.dynamic_gather %masked_sort3A_197[%gather3A] in [0] : vector<16xi32>, vector<16xi32> -> vector<16xi32>
      %ge3A = arith.constant 1 : i32
      %ge3A_200 = vector.broadcast %ge3A : i32 to vector<16xi32>
      %ge3A_201 = arith.cmpi sge, %iota3A, %ge3A_200 : vector<16xi32>
      %eq3A = arith.cmpi eq, %gather3A_199, %masked_sort3A_197 : vector<16xi32>
      %and3A = arith.andi %ge3A_201, %eq3A : vector<16xi1>
      %broadcast_in_dim3A_202 = vector.shape_cast %max3A_34 : vector<16xi32> to vector<16x1xi32>
      %gather3A_203 = vector.shape_cast %broadcast_in_dim3A_202 : vector<16x1xi32> to vector<16xi32>
      %gather3A_204 = tpu.dynamic_gather %masked_sort3A_197[%gather3A_203] in [0] : vector<16xi32>, vector<16xi32> -> vector<16xi32>
      %ge3A_205 = arith.constant 2 : i32
      %ge3A_206 = vector.broadcast %ge3A_205 : i32 to vector<16xi32>
      %ge3A_207 = arith.cmpi sge, %iota3A, %ge3A_206 : vector<16xi32>
      %eq3A_208 = arith.cmpi eq, %gather3A_204, %masked_sort3A_197 : vector<16xi32>
      %and3A_209 = arith.andi %ge3A_207, %eq3A_208 : vector<16xi1>
      %broadcast_in_dim3A_210 = vector.shape_cast %max3A_40 : vector<16xi32> to vector<16x1xi32>
      %gather3A_211 = vector.shape_cast %broadcast_in_dim3A_210 : vector<16x1xi32> to vector<16xi32>
      %gather3A_212 = tpu.dynamic_gather %masked_sort3A_197[%gather3A_211] in [0] : vector<16xi32>, vector<16xi32> -> vector<16xi32>
      %ge3A_213 = arith.constant 4 : i32
      %ge3A_214 = vector.broadcast %ge3A_213 : i32 to vector<16xi32>
      %ge3A_215 = arith.cmpi sge, %iota3A, %ge3A_214 : vector<16xi32>
      %eq3A_216 = arith.cmpi eq, %gather3A_212, %masked_sort3A_197 : vector<16xi32>
      %and3A_217 = arith.andi %ge3A_215, %eq3A_216 : vector<16xi1>
      %broadcast_in_dim3A_218 = vector.shape_cast %max3A_46 : vector<16xi32> to vector<16x1xi32>
      %gather3A_219 = vector.shape_cast %broadcast_in_dim3A_218 : vector<16x1xi32> to vector<16xi32>
      %gather3A_220 = tpu.dynamic_gather %masked_sort3A_197[%gather3A_219] in [0] : vector<16xi32>, vector<16xi32> -> vector<16xi32>
      %ge3A_221 = arith.constant 8 : i32
      %ge3A_222 = vector.broadcast %ge3A_221 : i32 to vector<16xi32>
      %ge3A_223 = arith.cmpi sge, %iota3A, %ge3A_222 : vector<16xi32>
      %eq3A_224 = arith.cmpi eq, %gather3A_220, %masked_sort3A_197 : vector<16xi32>
      %and3A_225 = arith.andi %ge3A_223, %eq3A_224 : vector<16xi1>
      %broadcast_in_dim3A_226 = vector.shape_cast %min3A_51 : vector<16xi32> to vector<16x1xi32>
      %gather3A_227 = vector.shape_cast %broadcast_in_dim3A_226 : vector<16x1xi32> to vector<16xi32>
      %gather3A_228 = tpu.dynamic_gather %masked_sort3A_197[%gather3A_227] in [0] : vector<16xi32>, vector<16xi32> -> vector<16xi32>
      %ne3A = arith.cmpi ne, %masked_sort3A_197, %gather3A_228 : vector<16xi32>
      %eq3A_229 = arith.constant 15 : i32
      %eq3A_230 = vector.broadcast %eq3A_229 : i32 to vector<16xi32>
      %eq3A_231 = arith.cmpi eq, %iota3A, %eq3A_230 : vector<16xi32>
      %or3A = arith.ori %ne3A, %eq3A_231 : vector<16xi1>
      %gather3A_232 = tpu.vector_load_idx %arg7[%get3A_186] : memref<10240xf32, #tpu.memory_space<vmem>>[vector<16xi32>], vector<16xf32>,
      %mul3A_233 = arith.constant 16 : i32
      %mul3A_234 = arith.muli %scan3A_183, %mul3A_233 : i32
      %add3A_235 = arith.constant 0 : i32
      %add3A_236 = arith.addi %add3A_235, %mul3A_234 : i32
      %get3A_237 = arith.index_cast %add3A_236 : i32 to index
      %get3A_238 = tpu.vector_load %arg19[%get3A_237] {strides = array<i32>} : memref<8000xf32, #tpu.memory_space<vmem>>, vector<16xf32>,
      %add3A_239 = arith.addf %gather3A_232, %get3A_238 : vector<16xf32>
      %broadcast_in_dim3A_240 = vector.shape_cast %masked_sort3A_196 : vector<16xi32> to vector<16x1xi32>
      %gather3A_241 = vector.shape_cast %broadcast_in_dim3A_240 : vector<16x1xi32> to vector<16xi32>
      %gather3A_242 = tpu.dynamic_gather %add3A_239[%gather3A_241] in [0] : vector<16xf32>, vector<16xi32> -> vector<16xf32>
      %broadcast_in_dim3A_243 = vector.shape_cast %max3A_28 : vector<16xi32> to vector<16x1xi32>
      %gather3A_244 = vector.shape_cast %broadcast_in_dim3A_243 : vector<16x1xi32> to vector<16xi32>
      %gather3A_245 = tpu.dynamic_gather %gather3A_242[%gather3A_244] in [0] : vector<16xf32>, vector<16xi32> -> vector<16xf32>
      %max3A_246 = arith.maximumf %gather3A_242, %gather3A_245 : vector<16xf32>
      %select_n3A = arith.select %and3A, %max3A_246, %gather3A_242 : vector<16xi1>, vector<16xf32>
      %broadcast_in_dim3A_247 = vector.shape_cast %max3A_34 : vector<16xi32> to vector<16x1xi32>
      %gather3A_248 = vector.shape_cast %broadcast_in_dim3A_247 : vector<16x1xi32> to vector<16xi32>
      %gather3A_249 = tpu.dynamic_gather %select_n3A[%gather3A_248] in [0] : vector<16xf32>, vector<16xi32> -> vector<16xf32>
      %max3A_250 = arith.maximumf %select_n3A, %gather3A_249 : vector<16xf32>
      %select_n3A_251 = arith.select %and3A_209, %max3A_250, %select_n3A : vector<16xi1>, vector<16xf32>
      %broadcast_in_dim3A_252 = vector.shape_cast %max3A_40 : vector<16xi32> to vector<16x1xi32>
      %gather3A_253 = vector.shape_cast %broadcast_in_dim3A_252 : vector<16x1xi32> to vector<16xi32>
      %gather3A_254 = tpu.dynamic_gather %select_n3A_251[%gather3A_253] in [0] : vector<16xf32>, vector<16xi32> -> vector<16xf32>
      %max3A_255 = arith.maximumf %select_n3A_251, %gather3A_254 : vector<16xf32>
      %select_n3A_256 = arith.select %and3A_217, %max3A_255, %select_n3A_251 : vector<16xi1>, vector<16xf32>
      %broadcast_in_dim3A_257 = vector.shape_cast %max3A_46 : vector<16xi32> to vector<16x1xi32>
      %gather3A_258 = vector.shape_cast %broadcast_in_dim3A_257 : vector<16x1xi32> to vector<16xi32>
      %gather3A_259 = tpu.dynamic_gather %select_n3A_256[%gather3A_258] in [0] : vector<16xf32>, vector<16xi32> -> vector<16xf32>
      %max3A_260 = arith.maximumf %select_n3A_256, %gather3A_259 : vector<16xf32>
      %select_n3A_261 = arith.select %and3A_225, %max3A_260, %select_n3A_256 : vector<16xi1>, vector<16xf32>
      %gather3A_262 = tpu.vector_load_idx %arg11[%masked_sort3A_197] : memref<10240xf32, #tpu.memory_space<vmem>>[vector<16xi32>], vector<16xf32>,
      %max3A_263 = arith.maximumf %gather3A_262, %select_n3A_261 : vector<16xf32>
      tpu.vector_store_idx %arg11[%masked_sort3A_197], %max3A_263 masked %or3A : memref<10240xf32, #tpu.memory_space<vmem>>[vector<16xi32>], vector<16xf32>, vector<16xi1>
      %gather3A_264 = tpu.vector_load_idx %arg8[%get3A_186] : memref<10240xf32, #tpu.memory_space<vmem>>[vector<16xi32>], vector<16xf32>,
      %mul3A_265 = arith.constant 16 : i32
      %mul3A_266 = arith.muli %scan3A_183, %mul3A_265 : i32
      %add3A_267 = arith.constant 2000 : i32
      %add3A_268 = arith.addi %add3A_267, %mul3A_266 : i32
      %get3A_269 = arith.index_cast %add3A_268 : i32 to index
      %get3A_270 = tpu.vector_load %arg19[%get3A_269] {strides = array<i32>} : memref<8000xf32, #tpu.memory_space<vmem>>, vector<16xf32>,
      %add3A_271 = arith.addf %gather3A_264, %get3A_270 : vector<16xf32>
      %broadcast_in_dim3A_272 = vector.shape_cast %masked_sort3A_196 : vector<16xi32> to vector<16x1xi32>
      %gather3A_273 = vector.shape_cast %broadcast_in_dim3A_272 : vector<16x1xi32> to vector<16xi32>
      %gather3A_274 = tpu.dynamic_gather %add3A_271[%gather3A_273] in [0] : vector<16xf32>, vector<16xi32> -> vector<16xf32>
      %broadcast_in_dim3A_275 = vector.shape_cast %max3A_28 : vector<16xi32> to vector<16x1xi32>
      %gather3A_276 = vector.shape_cast %broadcast_in_dim3A_275 : vector<16x1xi32> to vector<16xi32>
      %gather3A_277 = tpu.dynamic_gather %gather3A_274[%gather3A_276] in [0] : vector<16xf32>, vector<16xi32> -> vector<16xf32>
      %max3A_278 = arith.maximumf %gather3A_274, %gather3A_277 : vector<16xf32>
      %select_n3A_279 = arith.select %and3A, %max3A_278, %gather3A_274 : vector<16xi1>, vector<16xf32>
      %broadcast_in_dim3A_280 = vector.shape_cast %max3A_34 : vector<16xi32> to vector<16x1xi32>
      %gather3A_281 = vector.shape_cast %broadcast_in_dim3A_280 : vector<16x1xi32> to vector<16xi32>
      %gather3A_282 = tpu.dynamic_gather %select_n3A_279[%gather3A_281] in [0] : vector<16xf32>, vector<16xi32> -> vector<16xf32>
      %max3A_283 = arith.maximumf %select_n3A_279, %gather3A_282 : vector<16xf32>
      %select_n3A_284 = arith.select %and3A_209, %max3A_283, %select_n3A_279 : vector<16xi1>, vector<16xf32>
      %broadcast_in_dim3A_285 = vector.shape_cast %max3A_40 : vector<16xi32> to vector<16x1xi32>
      %gather3A_286 = vector.shape_cast %broadcast_in_dim3A_285 : vector<16x1xi32> to vector<16xi32>
      %gather3A_287 = tpu.dynamic_gather %select_n3A_284[%gather3A_286] in [0] : vector<16xf32>, vector<16xi32> -> vector<16xf32>
      %max3A_288 = arith.maximumf %select_n3A_284, %gather3A_287 : vector<16xf32>
      %select_n3A_289 = arith.select %and3A_217, %max3A_288, %select_n3A_284 : vector<16xi1>, vector<16xf32>
      %broadcast_in_dim3A_290 = vector.shape_cast %max3A_46 : vector<16xi32> to vector<16x1xi32>
      %gather3A_291 = vector.shape_cast %broadcast_in_dim3A_290 : vector<16x1xi32> to vector<16xi32>
      %gather3A_292 = tpu.dynamic_gather %select_n3A_289[%gather3A_291] in [0] : vector<16xf32>, vector<16xi32> -> vector<16xf32>
      %max3A_293 = arith.maximumf %select_n3A_289, %gather3A_292 : vector<16xf32>
      %select_n3A_294 = arith.select %and3A_225, %max3A_293, %select_n3A_289 : vector<16xi1>, vector<16xf32>
      %gather3A_295 = tpu.vector_load_idx %arg12[%masked_sort3A_197] : memref<10240xf32, #tpu.memory_space<vmem>>[vector<16xi32>], vector<16xf32>,
      %max3A_296 = arith.maximumf %gather3A_295, %select_n3A_294 : vector<16xf32>
      tpu.vector_store_idx %arg12[%masked_sort3A_197], %max3A_296 masked %or3A : memref<10240xf32, #tpu.memory_space<vmem>>[vector<16xi32>], vector<16xf32>, vector<16xi1>
      %gather3A_297 = tpu.vector_load_idx %arg9[%get3A_186] : memref<10240xf32, #tpu.memory_space<vmem>>[vector<16xi32>], vector<16xf32>,
      %mul3A_298 = arith.constant 16 : i32
      %mul3A_299 = arith.muli %scan3A_183, %mul3A_298 : i32
      %add3A_300 = arith.constant 4000 : i32
      %add3A_301 = arith.addi %add3A_300, %mul3A_299 : i32
      %get3A_302 = arith.index_cast %add3A_301 : i32 to index
      %get3A_303 = tpu.vector_load %arg19[%get3A_302] {strides = array<i32>} : memref<8000xf32, #tpu.memory_space<vmem>>, vector<16xf32>,
      %add3A_304 = arith.addf %gather3A_297, %get3A_303 : vector<16xf32>
      %broadcast_in_dim3A_305 = vector.shape_cast %masked_sort3A_196 : vector<16xi32> to vector<16x1xi32>
      %gather3A_306 = vector.shape_cast %broadcast_in_dim3A_305 : vector<16x1xi32> to vector<16xi32>
      %gather3A_307 = tpu.dynamic_gather %add3A_304[%gather3A_306] in [0] : vector<16xf32>, vector<16xi32> -> vector<16xf32>
      %broadcast_in_dim3A_308 = vector.shape_cast %max3A_28 : vector<16xi32> to vector<16x1xi32>
      %gather3A_309 = vector.shape_cast %broadcast_in_dim3A_308 : vector<16x1xi32> to vector<16xi32>
      %gather3A_310 = tpu.dynamic_gather %gather3A_307[%gather3A_309] in [0] : vector<16xf32>, vector<16xi32> -> vector<16xf32>
      %max3A_311 = arith.maximumf %gather3A_307, %gather3A_310 : vector<16xf32>
      %select_n3A_312 = arith.select %and3A, %max3A_311, %gather3A_307 : vector<16xi1>, vector<16xf32>
      %broadcast_in_dim3A_313 = vector.shape_cast %max3A_34 : vector<16xi32> to vector<16x1xi32>
      %gather3A_314 = vector.shape_cast %broadcast_in_dim3A_313 : vector<16x1xi32> to vector<16xi32>
      %gather3A_315 = tpu.dynamic_gather %select_n3A_312[%gather3A_314] in [0] : vector<16xf32>, vector<16xi32> -> vector<16xf32>
      %max3A_316 = arith.maximumf %select_n3A_312, %gather3A_315 : vector<16xf32>
      %select_n3A_317 = arith.select %and3A_209, %max3A_316, %select_n3A_312 : vector<16xi1>, vector<16xf32>
      %broadcast_in_dim3A_318 = vector.shape_cast %max3A_40 : vector<16xi32> to vector<16x1xi32>
      %gather3A_319 = vector.shape_cast %broadcast_in_dim3A_318 : vector<16x1xi32> to vector<16xi32>
      %gather3A_320 = tpu.dynamic_gather %select_n3A_317[%gather3A_319] in [0] : vector<16xf32>, vector<16xi32> -> vector<16xf32>
      %max3A_321 = arith.maximumf %select_n3A_317, %gather3A_320 : vector<16xf32>
      %select_n3A_322 = arith.select %and3A_217, %max3A_321, %select_n3A_317 : vector<16xi1>, vector<16xf32>
      %broadcast_in_dim3A_323 = vector.shape_cast %max3A_46 : vector<16xi32> to vector<16x1xi32>
      %gather3A_324 = vector.shape_cast %broadcast_in_dim3A_323 : vector<16x1xi32> to vector<16xi32>
      %gather3A_325 = tpu.dynamic_gather %select_n3A_322[%gather3A_324] in [0] : vector<16xf32>, vector<16xi32> -> vector<16xf32>
      %max3A_326 = arith.maximumf %select_n3A_322, %gather3A_325 : vector<16xf32>
      %select_n3A_327 = arith.select %and3A_225, %max3A_326, %select_n3A_322 : vector<16xi1>, vector<16xf32>
      %gather3A_328 = tpu.vector_load_idx %arg13[%masked_sort3A_197] : memref<10240xf32, #tpu.memory_space<vmem>>[vector<16xi32>], vector<16xf32>,
      %max3A_329 = arith.maximumf %gather3A_328, %select_n3A_327 : vector<16xf32>
      tpu.vector_store_idx %arg13[%masked_sort3A_197], %max3A_329 masked %or3A : memref<10240xf32, #tpu.memory_space<vmem>>[vector<16xi32>], vector<16xf32>, vector<16xi1>
      %gather3A_330 = tpu.vector_load_idx %arg10[%get3A_186] : memref<10240xf32, #tpu.memory_space<vmem>>[vector<16xi32>], vector<16xf32>,
      %mul3A_331 = arith.constant 16 : i32
      %mul3A_332 = arith.muli %scan3A_183, %mul3A_331 : i32
      %add3A_333 = arith.constant 6000 : i32
      %add3A_334 = arith.addi %add3A_333, %mul3A_332 : i32
      %get3A_335 = arith.index_cast %add3A_334 : i32 to index
      %get3A_336 = tpu.vector_load %arg19[%get3A_335] {strides = array<i32>} : memref<8000xf32, #tpu.memory_space<vmem>>, vector<16xf32>,
      %add3A_337 = arith.addf %gather3A_330, %get3A_336 : vector<16xf32>
      %broadcast_in_dim3A_338 = vector.shape_cast %masked_sort3A_196 : vector<16xi32> to vector<16x1xi32>
      %gather3A_339 = vector.shape_cast %broadcast_in_dim3A_338 : vector<16x1xi32> to vector<16xi32>
      %gather3A_340 = tpu.dynamic_gather %add3A_337[%gather3A_339] in [0] : vector<16xf32>, vector<16xi32> -> vector<16xf32>
      %broadcast_in_dim3A_341 = vector.shape_cast %max3A_28 : vector<16xi32> to vector<16x1xi32>
      %gather3A_342 = vector.shape_cast %broadcast_in_dim3A_341 : vector<16x1xi32> to vector<16xi32>
      %gather3A_343 = tpu.dynamic_gather %gather3A_340[%gather3A_342] in [0] : vector<16xf32>, vector<16xi32> -> vector<16xf32>
      %max3A_344 = arith.maximumf %gather3A_340, %gather3A_343 : vector<16xf32>
      %select_n3A_345 = arith.select %and3A, %max3A_344, %gather3A_340 : vector<16xi1>, vector<16xf32>
      %broadcast_in_dim3A_346 = vector.shape_cast %max3A_34 : vector<16xi32> to vector<16x1xi32>
      %gather3A_347 = vector.shape_cast %broadcast_in_dim3A_346 : vector<16x1xi32> to vector<16xi32>
      %gather3A_348 = tpu.dynamic_gather %select_n3A_345[%gather3A_347] in [0] : vector<16xf32>, vector<16xi32> -> vector<16xf32>
      %max3A_349 = arith.maximumf %select_n3A_345, %gather3A_348 : vector<16xf32>
      %select_n3A_350 = arith.select %and3A_209, %max3A_349, %select_n3A_345 : vector<16xi1>, vector<16xf32>
      %broadcast_in_dim3A_351 = vector.shape_cast %max3A_40 : vector<16xi32> to vector<16x1xi32>
      %gather3A_352 = vector.shape_cast %broadcast_in_dim3A_351 : vector<16x1xi32> to vector<16xi32>
      %gather3A_353 = tpu.dynamic_gather %select_n3A_350[%gather3A_352] in [0] : vector<16xf32>, vector<16xi32> -> vector<16xf32>
      %max3A_354 = arith.maximumf %select_n3A_350, %gather3A_353 : vector<16xf32>
      %select_n3A_355 = arith.select %and3A_217, %max3A_354, %select_n3A_350 : vector<16xi1>, vector<16xf32>
      %broadcast_in_dim3A_356 = vector.shape_cast %max3A_46 : vector<16xi32> to vector<16x1xi32>
      %gather3A_357 = vector.shape_cast %broadcast_in_dim3A_356 : vector<16x1xi32> to vector<16xi32>
      %gather3A_358 = tpu.dynamic_gather %select_n3A_355[%gather3A_357] in [0] : vector<16xf32>, vector<16xi32> -> vector<16xf32>
      %max3A_359 = arith.maximumf %select_n3A_355, %gather3A_358 : vector<16xf32>
      %select_n3A_360 = arith.select %and3A_225, %max3A_359, %select_n3A_355 : vector<16xi1>, vector<16xf32>
      %gather3A_361 = tpu.vector_load_idx %arg14[%masked_sort3A_197] : memref<10240xf32, #tpu.memory_space<vmem>>[vector<16xi32>], vector<16xf32>,
      %max3A_362 = arith.maximumf %gather3A_361, %select_n3A_360 : vector<16xf32>
      tpu.vector_store_idx %arg14[%masked_sort3A_197], %max3A_362 masked %or3A : memref<10240xf32, #tpu.memory_space<vmem>>[vector<16xi32>], vector<16xf32>, vector<16xi1>
      %scan3A_363 = arith.constant 125 : i32
      %mul3A_364 = arith.constant 2 : i32
      %mul3A_365 = arith.muli %scan3A_129, %mul3A_364 : i32
      %add3A_366 = arith.constant 1 : i32
      %add3A_367 = arith.addi %mul3A_365, %add3A_366 : i32
      %dma_wait3A_368 = arith.constant 0 : i32
      %dma_wait3A_369 = tpu.memref_slice %arg4[%dma_wait3A_368] : memref<320000xi32, #tpu.memory_space<hbm>> -> memref<2000xi32, #tpu.memory_space<hbm>>
      %dma_wait3A_370 = arith.constant 0 : i32
      %dma_wait3A_371 = tpu.memref_slice %arg4[%dma_wait3A_370] : memref<320000xi32, #tpu.memory_space<hbm>> -> memref<2000xi32, #tpu.memory_space<hbm>>
      tpu.wait_dma2 semaphore(%arg21 : memref<!tpu.dma_semaphore, #tpu.memory_space<semaphore_mem>>) src(%dma_wait3A_371 : memref<2000xi32, #tpu.memory_space<hbm>>) dst(%arg16 : memref<2000xi32, #tpu.memory_space<vmem>>)
      %dma_wait3A_372 = arith.constant 0 : i32
      %dma_wait3A_373 = tpu.memref_slice %arg5[%dma_wait3A_372] : memref<320000xi32, #tpu.memory_space<hbm>> -> memref<2000xi32, #tpu.memory_space<hbm>>
      %dma_wait3A_374 = arith.constant 0 : i32
      %dma_wait3A_375 = tpu.memref_slice %arg5[%dma_wait3A_374] : memref<320000xi32, #tpu.memory_space<hbm>> -> memref<2000xi32, #tpu.memory_space<hbm>>
      tpu.wait_dma2 semaphore(%arg22 : memref<!tpu.dma_semaphore, #tpu.memory_space<semaphore_mem>>) src(%dma_wait3A_375 : memref<2000xi32, #tpu.memory_space<hbm>>) dst(%arg18 : memref<2000xi32, #tpu.memory_space<vmem>>)
      %dma_wait3A_376 = arith.constant 0 : i32
      %dma_wait3A_377 = tpu.memref_slice %arg20[%dma_wait3A_376] : memref<8000xf32, #tpu.memory_space<vmem>> -> memref<2000xf32, #tpu.memory_space<vmem>>
      %dma_wait3A_378 = arith.constant 0 : i32
      %dma_wait3A_379 = tpu.memref_slice %arg4[%dma_wait3A_378] : memref<320000xi32, #tpu.memory_space<hbm>> -> memref<2000xi32, #tpu.memory_space<hbm>>
      %dma_wait3A_380 = arith.constant 0 : i32
      %dma_wait3A_381 = tpu.memref_slice %arg20[%dma_wait3A_380] : memref<8000xf32, #tpu.memory_space<vmem>> -> memref<2000xf32, #tpu.memory_space<vmem>>
      %dma_wait3A_382 = arith.constant 0 : i32
      %dma_wait3A_383 = tpu.memref_slice %arg4[%dma_wait3A_382] : memref<320000xi32, #tpu.memory_space<hbm>> -> memref<2000xi32, #tpu.memory_space<hbm>>
      tpu.wait_dma2 semaphore(%arg23 : memref<!tpu.dma_semaphore, #tpu.memory_space<semaphore_mem>>) src(%dma_wait3A_383 : memref<2000xi32, #tpu.memory_space<hbm>>) dst(%dma_wait3A_381 : memref<2000xf32, #tpu.memory_space<vmem>>)
      %dma_wait3A_384 = arith.constant 2000 : i32
      %dma_wait3A_385 = tpu.memref_slice %arg20[%dma_wait3A_384] : memref<8000xf32, #tpu.memory_space<vmem>> -> memref<2000xf32, #tpu.memory_space<vmem>>
      %dma_wait3A_386 = arith.constant 0 : i32
      %dma_wait3A_387 = tpu.memref_slice %arg4[%dma_wait3A_386] : memref<320000xi32, #tpu.memory_space<hbm>> -> memref<2000xi32, #tpu.memory_space<hbm>>
      %dma_wait3A_388 = arith.constant 2000 : i32
      %dma_wait3A_389 = tpu.memref_slice %arg20[%dma_wait3A_388] : memref<8000xf32, #tpu.memory_space<vmem>> -> memref<2000xf32, #tpu.memory_space<vmem>>
      %dma_wait3A_390 = arith.constant 0 : i32
      %dma_wait3A_391 = tpu.memref_slice %arg4[%dma_wait3A_390] : memref<320000xi32, #tpu.memory_space<hbm>> -> memref<2000xi32, #tpu.memory_space<hbm>>
      tpu.wait_dma2 semaphore(%arg23 : memref<!tpu.dma_semaphore, #tpu.memory_space<semaphore_mem>>) src(%dma_wait3A_391 : memref<2000xi32, #tpu.memory_space<hbm>>) dst(%dma_wait3A_389 : memref<2000xf32, #tpu.memory_space<vmem>>)
      %dma_wait3A_392 = arith.constant 4000 : i32
      %dma_wait3A_393 = tpu.memref_slice %arg20[%dma_wait3A_392] : memref<8000xf32, #tpu.memory_space<vmem>> -> memref<2000xf32, #tpu.memory_space<vmem>>
      %dma_wait3A_394 = arith.constant 0 : i32
      %dma_wait3A_395 = tpu.memref_slice %arg4[%dma_wait3A_394] : memref<320000xi32, #tpu.memory_space<hbm>> -> memref<2000xi32, #tpu.memory_space<hbm>>
      %dma_wait3A_396 = arith.constant 4000 : i32
      %dma_wait3A_397 = tpu.memref_slice %arg20[%dma_wait3A_396] : memref<8000xf32, #tpu.memory_space<vmem>> -> memref<2000xf32, #tpu.memory_space<vmem>>
      %dma_wait3A_398 = arith.constant 0 : i32
      %dma_wait3A_399 = tpu.memref_slice %arg4[%dma_wait3A_398] : memref<320000xi32, #tpu.memory_space<hbm>> -> memref<2000xi32, #tpu.memory_space<hbm>>
      tpu.wait_dma2 semaphore(%arg23 : memref<!tpu.dma_semaphore, #tpu.memory_space<semaphore_mem>>) src(%dma_wait3A_399 : memref<2000xi32, #tpu.memory_space<hbm>>) dst(%dma_wait3A_397 : memref<2000xf32, #tpu.memory_space<vmem>>)
      %dma_wait3A_400 = arith.constant 6000 : i32
      %dma_wait3A_401 = tpu.memref_slice %arg20[%dma_wait3A_400] : memref<8000xf32, #tpu.memory_space<vmem>> -> memref<2000xf32, #tpu.memory_space<vmem>>
      %dma_wait3A_402 = arith.constant 0 : i32
      %dma_wait3A_403 = tpu.memref_slice %arg4[%dma_wait3A_402] : memref<320000xi32, #tpu.memory_space<hbm>> -> memref<2000xi32, #tpu.memory_space<hbm>>
      %dma_wait3A_404 = arith.constant 6000 : i32
      %dma_wait3A_405 = tpu.memref_slice %arg20[%dma_wait3A_404] : memref<8000xf32, #tpu.memory_space<vmem>> -> memref<2000xf32, #tpu.memory_space<vmem>>
      %dma_wait3A_406 = arith.constant 0 : i32
      %dma_wait3A_407 = tpu.memref_slice %arg4[%dma_wait3A_406] : memref<320000xi32, #tpu.memory_space<hbm>> -> memref<2000xi32, #tpu.memory_space<hbm>>
      tpu.wait_dma2 semaphore(%arg23 : memref<!tpu.dma_semaphore, #tpu.memory_space<semaphore_mem>>) src(%dma_wait3A_407 : memref<2000xi32, #tpu.memory_space<hbm>>) dst(%dma_wait3A_405 : memref<2000xf32, #tpu.memory_space<vmem>>)
      %add3A_408 = arith.constant 1 : i32
      %add3A_409 = arith.addi %add3A_367, %add3A_408 : i32
      %lt3A_410 = arith.constant 160 : i32
      %lt3A_411 = arith.cmpi slt, %add3A_409, %lt3A_410 : i32
      %convert_element_type3A_412 = arith.extui %lt3A_411 : i1 to i32
      %cond3A_413 = arith.constant 0 : i32
      %cond3A_414 = arith.cmpi ne, %convert_element_type3A_412, %cond3A_413 : i32
      scf.if %cond3A_414 {
        %mul3A_611 = arith.constant 2000 : i32
        %mul3A_612 = arith.muli %add3A_409, %mul3A_611 : i32
        %dma_start3A_613 = tpu.memref_slice %arg4[%mul3A_612] : memref<320000xi32, #tpu.memory_space<hbm>> -> memref<2000xi32, #tpu.memory_space<hbm>>
        %dma_start3A_614 = tpu.memref_slice %arg4[%mul3A_612] : memref<320000xi32, #tpu.memory_space<hbm>> -> memref<2000xi32, #tpu.memory_space<hbm>>
        tpu.enqueue_dma source(%dma_start3A_614 : memref<2000xi32, #tpu.memory_space<hbm>>) target(%arg15 : memref<2000xi32, #tpu.memory_space<vmem>>) target_semaphore(%arg21 : memref<!tpu.dma_semaphore, #tpu.memory_space<semaphore_mem>>)
        %dma_start3A_615 = tpu.memref_slice %arg5[%mul3A_612] : memref<320000xi32, #tpu.memory_space<hbm>> -> memref<2000xi32, #tpu.memory_space<hbm>>
        %dma_start3A_616 = tpu.memref_slice %arg5[%mul3A_612] : memref<320000xi32, #tpu.memory_space<hbm>> -> memref<2000xi32, #tpu.memory_space<hbm>>
        tpu.enqueue_dma source(%dma_start3A_616 : memref<2000xi32, #tpu.memory_space<hbm>>) target(%arg17 : memref<2000xi32, #tpu.memory_space<vmem>>) target_semaphore(%arg22 : memref<!tpu.dma_semaphore, #tpu.memory_space<semaphore_mem>>)
        %add3A_617 = arith.constant 0 : i32
        %add3A_618 = arith.addi %mul3A_2, %add3A_617 : i32
        %mul3A_619 = arith.constant 320000 : i32
        %mul3A_620 = arith.muli %add3A_618, %mul3A_619 : i32
        %add3A_621 = arith.addi %mul3A_620, %mul3A_612 : i32
        %dma_start3A_622 = arith.constant 0 : i32
        %dma_start3A_623 = tpu.memref_slice %arg19[%dma_start3A_622] : memref<8000xf32, #tpu.memory_space<vmem>> -> memref<2000xf32, #tpu.memory_space<vmem>>
        %dma_start3A_624 = tpu.memref_slice %arg3[%add3A_621] : memref<40960000xf32, #tpu.memory_space<hbm>> -> memref<2000xf32, #tpu.memory_space<hbm>>
        %dma_start3A_625 = arith.constant 0 : i32
        %dma_start3A_626 = tpu.memref_slice %arg19[%dma_start3A_625] : memref<8000xf32, #tpu.memory_space<vmem>> -> memref<2000xf32, #tpu.memory_space<vmem>>
        %dma_start3A_627 = tpu.memref_slice %arg3[%add3A_621] : memref<40960000xf32, #tpu.memory_space<hbm>> -> memref<2000xf32, #tpu.memory_space<hbm>>
        tpu.enqueue_dma source(%dma_start3A_627 : memref<2000xf32, #tpu.memory_space<hbm>>) target(%dma_start3A_626 : memref<2000xf32, #tpu.memory_space<vmem>>) target_semaphore(%arg23 : memref<!tpu.dma_semaphore, #tpu.memory_space<semaphore_mem>>)
        %add3A_628 = arith.constant 1 : i32
        %add3A_629 = arith.addi %mul3A_2, %add3A_628 : i32
        %mul3A_630 = arith.constant 320000 : i32
        %mul3A_631 = arith.muli %add3A_629, %mul3A_630 : i32
        %add3A_632 = arith.addi %mul3A_631, %mul3A_612 : i32
        %dma_start3A_633 = arith.constant 2000 : i32
        %dma_start3A_634 = tpu.memref_slice %arg19[%dma_start3A_633] : memref<8000xf32, #tpu.memory_space<vmem>> -> memref<2000xf32, #tpu.memory_space<vmem>>
        %dma_start3A_635 = tpu.memref_slice %arg3[%add3A_632] : memref<40960000xf32, #tpu.memory_space<hbm>> -> memref<2000xf32, #tpu.memory_space<hbm>>
        %dma_start3A_636 = arith.constant 2000 : i32
        %dma_start3A_637 = tpu.memref_slice %arg19[%dma_start3A_636] : memref<8000xf32, #tpu.memory_space<vmem>> -> memref<2000xf32, #tpu.memory_space<vmem>>
        %dma_start3A_638 = tpu.memref_slice %arg3[%add3A_632] : memref<40960000xf32, #tpu.memory_space<hbm>> -> memref<2000xf32, #tpu.memory_space<hbm>>
        tpu.enqueue_dma source(%dma_start3A_638 : memref<2000xf32, #tpu.memory_space<hbm>>) target(%dma_start3A_637 : memref<2000xf32, #tpu.memory_space<vmem>>) target_semaphore(%arg23 : memref<!tpu.dma_semaphore, #tpu.memory_space<semaphore_mem>>)
        %add3A_639 = arith.constant 2 : i32
        %add3A_640 = arith.addi %mul3A_2, %add3A_639 : i32
        %mul3A_641 = arith.constant 320000 : i32
        %mul3A_642 = arith.muli %add3A_640, %mul3A_641 : i32
        %add3A_643 = arith.addi %mul3A_642, %mul3A_612 : i32
        %dma_start3A_644 = arith.constant 4000 : i32
        %dma_start3A_645 = tpu.memref_slice %arg19[%dma_start3A_644] : memref<8000xf32, #tpu.memory_space<vmem>> -> memref<2000xf32, #tpu.memory_space<vmem>>
        %dma_start3A_646 = tpu.memref_slice %arg3[%add3A_643] : memref<40960000xf32, #tpu.memory_space<hbm>> -> memref<2000xf32, #tpu.memory_space<hbm>>
        %dma_start3A_647 = arith.constant 4000 : i32
        %dma_start3A_648 = tpu.memref_slice %arg19[%dma_start3A_647] : memref<8000xf32, #tpu.memory_space<vmem>> -> memref<2000xf32, #tpu.memory_space<vmem>>
        %dma_start3A_649 = tpu.memref_slice %arg3[%add3A_643] : memref<40960000xf32, #tpu.memory_space<hbm>> -> memref<2000xf32, #tpu.memory_space<hbm>>
        tpu.enqueue_dma source(%dma_start3A_649 : memref<2000xf32, #tpu.memory_space<hbm>>) target(%dma_start3A_648 : memref<2000xf32, #tpu.memory_space<vmem>>) target_semaphore(%arg23 : memref<!tpu.dma_semaphore, #tpu.memory_space<semaphore_mem>>)
        %add3A_650 = arith.constant 3 : i32
        %add3A_651 = arith.addi %mul3A_2, %add3A_650 : i32
        %mul3A_652 = arith.constant 320000 : i32
        %mul3A_653 = arith.muli %add3A_651, %mul3A_652 : i32
        %add3A_654 = arith.addi %mul3A_653, %mul3A_612 : i32
        %dma_start3A_655 = arith.constant 6000 : i32
        %dma_start3A_656 = tpu.memref_slice %arg19[%dma_start3A_655] : memref<8000xf32, #tpu.memory_space<vmem>> -> memref<2000xf32, #tpu.memory_space<vmem>>
        %dma_start3A_657 = tpu.memref_slice %arg3[%add3A_654] : memref<40960000xf32, #tpu.memory_space<hbm>> -> memref<2000xf32, #tpu.memory_space<hbm>>
        %dma_start3A_658 = arith.constant 6000 : i32
        %dma_start3A_659 = tpu.memref_slice %arg19[%dma_start3A_658] : memref<8000xf32, #tpu.memory_space<vmem>> -> memref<2000xf32, #tpu.memory_space<vmem>>
        %dma_start3A_660 = tpu.memref_slice %arg3[%add3A_654] : memref<40960000xf32, #tpu.memory_space<hbm>> -> memref<2000xf32, #tpu.memory_space<hbm>>
        tpu.enqueue_dma source(%dma_start3A_660 : memref<2000xf32, #tpu.memory_space<hbm>>) target(%dma_start3A_659 : memref<2000xf32, #tpu.memory_space<vmem>>) target_semaphore(%arg23 : memref<!tpu.dma_semaphore, #tpu.memory_space<semaphore_mem>>)
      } else {
      }
      %scan3A_415 = arith.constant 0 : i32
      %scan3A_416 = arith.constant 0 : i32
      %scan3A_417 = arith.constant 124 : i32
      %scan3A_418 = arith.addi %scan3A_416, %scan3A_417 : i32
      %scan3A_419 = arith.constant 2 : i32
      scf.for %scan3A_611 = %scan3A_416 to %scan3A_418 step %scan3A_419  : i32 {
        %mul3A_612 = arith.constant 16 : i32
        %mul3A_613 = arith.muli %scan3A_611, %mul3A_612 : i32
        %get3A_614 = arith.index_cast %mul3A_613 : i32 to index
        %get3A_615 = tpu.vector_load %arg16[%get3A_614] {strides = array<i32>} : memref<2000xi32, #tpu.memory_space<vmem>>, vector<16xi32>,
        %mul3A_616 = arith.constant 16 : i32
        %mul3A_617 = arith.muli %scan3A_611, %mul3A_616 : i32
        %get3A_618 = arith.index_cast %mul3A_617 : i32 to index
        %get3A_619 = tpu.vector_load %arg18[%get3A_618] {strides = array<i32>} : memref<2000xi32, #tpu.memory_space<vmem>>, vector<16xi32>,
        %masked_sort3A_620 = arith.constant dense<true> : vector<16xi1>
        %masked_sort3A_621 = arith.constant -2147483648 : i32
        %masked_sort3A_622 = vector.broadcast %masked_sort3A_621 : i32 to vector<16xi32>
        %masked_sort3A_623 = arith.xori %get3A_619, %masked_sort3A_622 : vector<16xi32>
        %masked_sort3A_624, %masked_sort3A_625, %masked_sort3A_626 = tpu.sort %masked_sort3A_623, %iota3A masked %masked_sort3A_620 : (vector<16xi32>, vector<16xi32>, vector<16xi1>) -> (vector<16xi1>, vector<16xi32>, vector<16xi32>)
        %masked_sort3A_627 = arith.xori %masked_sort3A_625, %masked_sort3A_622 : vector<16xi32>
        %broadcast_in_dim3A_628 = vector.shape_cast %max3A_28 : vector<16xi32> to vector<16x1xi32>
        %gather3A_629 = vector.shape_cast %broadcast_in_dim3A_628 : vector<16x1xi32> to vector<16xi32>
        %gather3A_630 = tpu.dynamic_gather %masked_sort3A_627[%gather3A_629] in [0] : vector<16xi32>, vector<16xi32> -> vector<16xi32>
        %ge3A_631 = arith.constant 1 : i32
        %ge3A_632 = vector.broadcast %ge3A_631 : i32 to vector<16xi32>
        %ge3A_633 = arith.cmpi sge, %iota3A, %ge3A_632 : vector<16xi32>
        %eq3A_634 = arith.cmpi eq, %gather3A_630, %masked_sort3A_627 : vector<16xi32>
        %and3A_635 = arith.andi %ge3A_633, %eq3A_634 : vector<16xi1>
        %broadcast_in_dim3A_636 = vector.shape_cast %max3A_34 : vector<16xi32> to vector<16x1xi32>
        %gather3A_637 = vector.shape_cast %broadcast_in_dim3A_636 : vector<16x1xi32> to vector<16xi32>
        %gather3A_638 = tpu.dynamic_gather %masked_sort3A_627[%gather3A_637] in [0] : vector<16xi32>, vector<16xi32> -> vector<16xi32>
        %ge3A_639 = arith.constant 2 : i32
        %ge3A_640 = vector.broadcast %ge3A_639 : i32 to vector<16xi32>
        %ge3A_641 = arith.cmpi sge, %iota3A, %ge3A_640 : vector<16xi32>
        %eq3A_642 = arith.cmpi eq, %gather3A_638, %masked_sort3A_627 : vector<16xi32>
        %and3A_643 = arith.andi %ge3A_641, %eq3A_642 : vector<16xi1>
        %broadcast_in_dim3A_644 = vector.shape_cast %max3A_40 : vector<16xi32> to vector<16x1xi32>
        %gather3A_645 = vector.shape_cast %broadcast_in_dim3A_644 : vector<16x1xi32> to vector<16xi32>
        %gather3A_646 = tpu.dynamic_gather %masked_sort3A_627[%gather3A_645] in [0] : vector<16xi32>, vector<16xi32> -> vector<16xi32>
        %ge3A_647 = arith.constant 4 : i32
        %ge3A_648 = vector.broadcast %ge3A_647 : i32 to vector<16xi32>
        %ge3A_649 = arith.cmpi sge, %iota3A, %ge3A_648 : vector<16xi32>
        %eq3A_650 = arith.cmpi eq, %gather3A_646, %masked_sort3A_627 : vector<16xi32>
        %and3A_651 = arith.andi %ge3A_649, %eq3A_650 : vector<16xi1>
        %broadcast_in_dim3A_652 = vector.shape_cast %max3A_46 : vector<16xi32> to vector<16x1xi32>
        %gather3A_653 = vector.shape_cast %broadcast_in_dim3A_652 : vector<16x1xi32> to vector<16xi32>
        %gather3A_654 = tpu.dynamic_gather %masked_sort3A_627[%gather3A_653] in [0] : vector<16xi32>, vector<16xi32> -> vector<16xi32>
        %ge3A_655 = arith.constant 8 : i32
        %ge3A_656 = vector.broadcast %ge3A_655 : i32 to vector<16xi32>
        %ge3A_657 = arith.cmpi sge, %iota3A, %ge3A_656 : vector<16xi32>
        %eq3A_658 = arith.cmpi eq, %gather3A_654, %masked_sort3A_627 : vector<16xi32>
        %and3A_659 = arith.andi %ge3A_657, %eq3A_658 : vector<16xi1>
        %broadcast_in_dim3A_660 = vector.shape_cast %min3A_51 : vector<16xi32> to vector<16x1xi32>
        %gather3A_661 = vector.shape_cast %broadcast_in_dim3A_660 : vector<16x1xi32> to vector<16xi32>
        %gather3A_662 = tpu.dynamic_gather %masked_sort3A_627[%gather3A_661] in [0] : vector<16xi32>, vector<16xi32> -> vector<16xi32>
        %ne3A_663 = arith.cmpi ne, %masked_sort3A_627, %gather3A_662 : vector<16xi32>
        %eq3A_664 = arith.constant 15 : i32
        %eq3A_665 = vector.broadcast %eq3A_664 : i32 to vector<16xi32>
        %eq3A_666 = arith.cmpi eq, %iota3A, %eq3A_665 : vector<16xi32>
        %or3A_667 = arith.ori %ne3A_663, %eq3A_666 : vector<16xi1>
        %gather3A_668 = tpu.vector_load_idx %arg7[%get3A_615] : memref<10240xf32, #tpu.memory_space<vmem>>[vector<16xi32>], vector<16xf32>,
        %mul3A_669 = arith.constant 16 : i32
        %mul3A_670 = arith.muli %scan3A_611, %mul3A_669 : i32
        %add3A_671 = arith.constant 0 : i32
        %add3A_672 = arith.addi %add3A_671, %mul3A_670 : i32
        %get3A_673 = arith.index_cast %add3A_672 : i32 to index
        %get3A_674 = tpu.vector_load %arg20[%get3A_673] {strides = array<i32>} : memref<8000xf32, #tpu.memory_space<vmem>>, vector<16xf32>,
        %add3A_675 = arith.addf %gather3A_668, %get3A_674 : vector<16xf32>
        %broadcast_in_dim3A_676 = vector.shape_cast %masked_sort3A_626 : vector<16xi32> to vector<16x1xi32>
        %gather3A_677 = vector.shape_cast %broadcast_in_dim3A_676 : vector<16x1xi32> to vector<16xi32>
        %gather3A_678 = tpu.dynamic_gather %add3A_675[%gather3A_677] in [0] : vector<16xf32>, vector<16xi32> -> vector<16xf32>
        %broadcast_in_dim3A_679 = vector.shape_cast %max3A_28 : vector<16xi32> to vector<16x1xi32>
        %gather3A_680 = vector.shape_cast %broadcast_in_dim3A_679 : vector<16x1xi32> to vector<16xi32>
        %gather3A_681 = tpu.dynamic_gather %gather3A_678[%gather3A_680] in [0] : vector<16xf32>, vector<16xi32> -> vector<16xf32>
        %max3A_682 = arith.maximumf %gather3A_678, %gather3A_681 : vector<16xf32>
        %select_n3A_683 = arith.select %and3A_635, %max3A_682, %gather3A_678 : vector<16xi1>, vector<16xf32>
        %broadcast_in_dim3A_684 = vector.shape_cast %max3A_34 : vector<16xi32> to vector<16x1xi32>
        %gather3A_685 = vector.shape_cast %broadcast_in_dim3A_684 : vector<16x1xi32> to vector<16xi32>
        %gather3A_686 = tpu.dynamic_gather %select_n3A_683[%gather3A_685] in [0] : vector<16xf32>, vector<16xi32> -> vector<16xf32>
        %max3A_687 = arith.maximumf %select_n3A_683, %gather3A_686 : vector<16xf32>
        %select_n3A_688 = arith.select %and3A_643, %max3A_687, %select_n3A_683 : vector<16xi1>, vector<16xf32>
        %broadcast_in_dim3A_689 = vector.shape_cast %max3A_40 : vector<16xi32> to vector<16x1xi32>
        %gather3A_690 = vector.shape_cast %broadcast_in_dim3A_689 : vector<16x1xi32> to vector<16xi32>
        %gather3A_691 = tpu.dynamic_gather %select_n3A_688[%gather3A_690] in [0] : vector<16xf32>, vector<16xi32> -> vector<16xf32>
        %max3A_692 = arith.maximumf %select_n3A_688, %gather3A_691 : vector<16xf32>
        %select_n3A_693 = arith.select %and3A_651, %max3A_692, %select_n3A_688 : vector<16xi1>, vector<16xf32>
        %broadcast_in_dim3A_694 = vector.shape_cast %max3A_46 : vector<16xi32> to vector<16x1xi32>
        %gather3A_695 = vector.shape_cast %broadcast_in_dim3A_694 : vector<16x1xi32> to vector<16xi32>
        %gather3A_696 = tpu.dynamic_gather %select_n3A_693[%gather3A_695] in [0] : vector<16xf32>, vector<16xi32> -> vector<16xf32>
        %max3A_697 = arith.maximumf %select_n3A_693, %gather3A_696 : vector<16xf32>
        %select_n3A_698 = arith.select %and3A_659, %max3A_697, %select_n3A_693 : vector<16xi1>, vector<16xf32>
        %gather3A_699 = tpu.vector_load_idx %arg11[%masked_sort3A_627] : memref<10240xf32, #tpu.memory_space<vmem>>[vector<16xi32>], vector<16xf32>,
        %max3A_700 = arith.maximumf %gather3A_699, %select_n3A_698 : vector<16xf32>
        tpu.vector_store_idx %arg11[%masked_sort3A_627], %max3A_700 masked %or3A_667 : memref<10240xf32, #tpu.memory_space<vmem>>[vector<16xi32>], vector<16xf32>, vector<16xi1>
        %gather3A_701 = tpu.vector_load_idx %arg8[%get3A_615] : memref<10240xf32, #tpu.memory_space<vmem>>[vector<16xi32>], vector<16xf32>,
        %mul3A_702 = arith.constant 16 : i32
        %mul3A_703 = arith.muli %scan3A_611, %mul3A_702 : i32
        %add3A_704 = arith.constant 2000 : i32
        %add3A_705 = arith.addi %add3A_704, %mul3A_703 : i32
        %get3A_706 = arith.index_cast %add3A_705 : i32 to index
        %get3A_707 = tpu.vector_load %arg20[%get3A_706] {strides = array<i32>} : memref<8000xf32, #tpu.memory_space<vmem>>, vector<16xf32>,
        %add3A_708 = arith.addf %gather3A_701, %get3A_707 : vector<16xf32>
        %broadcast_in_dim3A_709 = vector.shape_cast %masked_sort3A_626 : vector<16xi32> to vector<16x1xi32>
        %gather3A_710 = vector.shape_cast %broadcast_in_dim3A_709 : vector<16x1xi32> to vector<16xi32>
        %gather3A_711 = tpu.dynamic_gather %add3A_708[%gather3A_710] in [0] : vector<16xf32>, vector<16xi32> -> vector<16xf32>
        %broadcast_in_dim3A_712 = vector.shape_cast %max3A_28 : vector<16xi32> to vector<16x1xi32>
        %gather3A_713 = vector.shape_cast %broadcast_in_dim3A_712 : vector<16x1xi32> to vector<16xi32>
        %gather3A_714 = tpu.dynamic_gather %gather3A_711[%gather3A_713] in [0] : vector<16xf32>, vector<16xi32> -> vector<16xf32>
        %max3A_715 = arith.maximumf %gather3A_711, %gather3A_714 : vector<16xf32>
        %select_n3A_716 = arith.select %and3A_635, %max3A_715, %gather3A_711 : vector<16xi1>, vector<16xf32>
        %broadcast_in_dim3A_717 = vector.shape_cast %max3A_34 : vector<16xi32> to vector<16x1xi32>
        %gather3A_718 = vector.shape_cast %broadcast_in_dim3A_717 : vector<16x1xi32> to vector<16xi32>
        %gather3A_719 = tpu.dynamic_gather %select_n3A_716[%gather3A_718] in [0] : vector<16xf32>, vector<16xi32> -> vector<16xf32>
        %max3A_720 = arith.maximumf %select_n3A_716, %gather3A_719 : vector<16xf32>
        %select_n3A_721 = arith.select %and3A_643, %max3A_720, %select_n3A_716 : vector<16xi1>, vector<16xf32>
        %broadcast_in_dim3A_722 = vector.shape_cast %max3A_40 : vector<16xi32> to vector<16x1xi32>
        %gather3A_723 = vector.shape_cast %broadcast_in_dim3A_722 : vector<16x1xi32> to vector<16xi32>
        %gather3A_724 = tpu.dynamic_gather %select_n3A_721[%gather3A_723] in [0] : vector<16xf32>, vector<16xi32> -> vector<16xf32>
        %max3A_725 = arith.maximumf %select_n3A_721, %gather3A_724 : vector<16xf32>
        %select_n3A_726 = arith.select %and3A_651, %max3A_725, %select_n3A_721 : vector<16xi1>, vector<16xf32>
        %broadcast_in_dim3A_727 = vector.shape_cast %max3A_46 : vector<16xi32> to vector<16x1xi32>
        %gather3A_728 = vector.shape_cast %broadcast_in_dim3A_727 : vector<16x1xi32> to vector<16xi32>
        %gather3A_729 = tpu.dynamic_gather %select_n3A_726[%gather3A_728] in [0] : vector<16xf32>, vector<16xi32> -> vector<16xf32>
        %max3A_730 = arith.maximumf %select_n3A_726, %gather3A_729 : vector<16xf32>
        %select_n3A_731 = arith.select %and3A_659, %max3A_730, %select_n3A_726 : vector<16xi1>, vector<16xf32>
        %gather3A_732 = tpu.vector_load_idx %arg12[%masked_sort3A_627] : memref<10240xf32, #tpu.memory_space<vmem>>[vector<16xi32>], vector<16xf32>,
        %max3A_733 = arith.maximumf %gather3A_732, %select_n3A_731 : vector<16xf32>
        tpu.vector_store_idx %arg12[%masked_sort3A_627], %max3A_733 masked %or3A_667 : memref<10240xf32, #tpu.memory_space<vmem>>[vector<16xi32>], vector<16xf32>, vector<16xi1>
        %gather3A_734 = tpu.vector_load_idx %arg9[%get3A_615] : memref<10240xf32, #tpu.memory_space<vmem>>[vector<16xi32>], vector<16xf32>,
        %mul3A_735 = arith.constant 16 : i32
        %mul3A_736 = arith.muli %scan3A_611, %mul3A_735 : i32
        %add3A_737 = arith.constant 4000 : i32
        %add3A_738 = arith.addi %add3A_737, %mul3A_736 : i32
        %get3A_739 = arith.index_cast %add3A_738 : i32 to index
        %get3A_740 = tpu.vector_load %arg20[%get3A_739] {strides = array<i32>} : memref<8000xf32, #tpu.memory_space<vmem>>, vector<16xf32>,
        %add3A_741 = arith.addf %gather3A_734, %get3A_740 : vector<16xf32>
        %broadcast_in_dim3A_742 = vector.shape_cast %masked_sort3A_626 : vector<16xi32> to vector<16x1xi32>
        %gather3A_743 = vector.shape_cast %broadcast_in_dim3A_742 : vector<16x1xi32> to vector<16xi32>
        %gather3A_744 = tpu.dynamic_gather %add3A_741[%gather3A_743] in [0] : vector<16xf32>, vector<16xi32> -> vector<16xf32>
        %broadcast_in_dim3A_745 = vector.shape_cast %max3A_28 : vector<16xi32> to vector<16x1xi32>
        %gather3A_746 = vector.shape_cast %broadcast_in_dim3A_745 : vector<16x1xi32> to vector<16xi32>
        %gather3A_747 = tpu.dynamic_gather %gather3A_744[%gather3A_746] in [0] : vector<16xf32>, vector<16xi32> -> vector<16xf32>
        %max3A_748 = arith.maximumf %gather3A_744, %gather3A_747 : vector<16xf32>
        %select_n3A_749 = arith.select %and3A_635, %max3A_748, %gather3A_744 : vector<16xi1>, vector<16xf32>
        %broadcast_in_dim3A_750 = vector.shape_cast %max3A_34 : vector<16xi32> to vector<16x1xi32>
        %gather3A_751 = vector.shape_cast %broadcast_in_dim3A_750 : vector<16x1xi32> to vector<16xi32>
        %gather3A_752 = tpu.dynamic_gather %select_n3A_749[%gather3A_751] in [0] : vector<16xf32>, vector<16xi32> -> vector<16xf32>
        %max3A_753 = arith.maximumf %select_n3A_749, %gather3A_752 : vector<16xf32>
        %select_n3A_754 = arith.select %and3A_643, %max3A_753, %select_n3A_749 : vector<16xi1>, vector<16xf32>
        %broadcast_in_dim3A_755 = vector.shape_cast %max3A_40 : vector<16xi32> to vector<16x1xi32>
        %gather3A_756 = vector.shape_cast %broadcast_in_dim3A_755 : vector<16x1xi32> to vector<16xi32>
        %gather3A_757 = tpu.dynamic_gather %select_n3A_754[%gather3A_756] in [0] : vector<16xf32>, vector<16xi32> -> vector<16xf32>
        %max3A_758 = arith.maximumf %select_n3A_754, %gather3A_757 : vector<16xf32>
        %select_n3A_759 = arith.select %and3A_651, %max3A_758, %select_n3A_754 : vector<16xi1>, vector<16xf32>
        %broadcast_in_dim3A_760 = vector.shape_cast %max3A_46 : vector<16xi32> to vector<16x1xi32>
        %gather3A_761 = vector.shape_cast %broadcast_in_dim3A_760 : vector<16x1xi32> to vector<16xi32>
        %gather3A_762 = tpu.dynamic_gather %select_n3A_759[%gather3A_761] in [0] : vector<16xf32>, vector<16xi32> -> vector<16xf32>
        %max3A_763 = arith.maximumf %select_n3A_759, %gather3A_762 : vector<16xf32>
        %select_n3A_764 = arith.select %and3A_659, %max3A_763, %select_n3A_759 : vector<16xi1>, vector<16xf32>
        %gather3A_765 = tpu.vector_load_idx %arg13[%masked_sort3A_627] : memref<10240xf32, #tpu.memory_space<vmem>>[vector<16xi32>], vector<16xf32>,
        %max3A_766 = arith.maximumf %gather3A_765, %select_n3A_764 : vector<16xf32>
        tpu.vector_store_idx %arg13[%masked_sort3A_627], %max3A_766 masked %or3A_667 : memref<10240xf32, #tpu.memory_space<vmem>>[vector<16xi32>], vector<16xf32>, vector<16xi1>
        %gather3A_767 = tpu.vector_load_idx %arg10[%get3A_615] : memref<10240xf32, #tpu.memory_space<vmem>>[vector<16xi32>], vector<16xf32>,
        %mul3A_768 = arith.constant 16 : i32
        %mul3A_769 = arith.muli %scan3A_611, %mul3A_768 : i32
        %add3A_770 = arith.constant 6000 : i32
        %add3A_771 = arith.addi %add3A_770, %mul3A_769 : i32
        %get3A_772 = arith.index_cast %add3A_771 : i32 to index
        %get3A_773 = tpu.vector_load %arg20[%get3A_772] {strides = array<i32>} : memref<8000xf32, #tpu.memory_space<vmem>>, vector<16xf32>,
        %add3A_774 = arith.addf %gather3A_767, %get3A_773 : vector<16xf32>
        %broadcast_in_dim3A_775 = vector.shape_cast %masked_sort3A_626 : vector<16xi32> to vector<16x1xi32>
        %gather3A_776 = vector.shape_cast %broadcast_in_dim3A_775 : vector<16x1xi32> to vector<16xi32>
        %gather3A_777 = tpu.dynamic_gather %add3A_774[%gather3A_776] in [0] : vector<16xf32>, vector<16xi32> -> vector<16xf32>
        %broadcast_in_dim3A_778 = vector.shape_cast %max3A_28 : vector<16xi32> to vector<16x1xi32>
        %gather3A_779 = vector.shape_cast %broadcast_in_dim3A_778 : vector<16x1xi32> to vector<16xi32>
        %gather3A_780 = tpu.dynamic_gather %gather3A_777[%gather3A_779] in [0] : vector<16xf32>, vector<16xi32> -> vector<16xf32>
        %max3A_781 = arith.maximumf %gather3A_777, %gather3A_780 : vector<16xf32>
        %select_n3A_782 = arith.select %and3A_635, %max3A_781, %gather3A_777 : vector<16xi1>, vector<16xf32>
        %broadcast_in_dim3A_783 = vector.shape_cast %max3A_34 : vector<16xi32> to vector<16x1xi32>
        %gather3A_784 = vector.shape_cast %broadcast_in_dim3A_783 : vector<16x1xi32> to vector<16xi32>
        %gather3A_785 = tpu.dynamic_gather %select_n3A_782[%gather3A_784] in [0] : vector<16xf32>, vector<16xi32> -> vector<16xf32>
        %max3A_786 = arith.maximumf %select_n3A_782, %gather3A_785 : vector<16xf32>
        %select_n3A_787 = arith.select %and3A_643, %max3A_786, %select_n3A_782 : vector<16xi1>, vector<16xf32>
        %broadcast_in_dim3A_788 = vector.shape_cast %max3A_40 : vector<16xi32> to vector<16x1xi32>
        %gather3A_789 = vector.shape_cast %broadcast_in_dim3A_788 : vector<16x1xi32> to vector<16xi32>
        %gather3A_790 = tpu.dynamic_gather %select_n3A_787[%gather3A_789] in [0] : vector<16xf32>, vector<16xi32> -> vector<16xf32>
        %max3A_791 = arith.maximumf %select_n3A_787, %gather3A_790 : vector<16xf32>
        %select_n3A_792 = arith.select %and3A_651, %max3A_791, %select_n3A_787 : vector<16xi1>, vector<16xf32>
        %broadcast_in_dim3A_793 = vector.shape_cast %max3A_46 : vector<16xi32> to vector<16x1xi32>
        %gather3A_794 = vector.shape_cast %broadcast_in_dim3A_793 : vector<16x1xi32> to vector<16xi32>
        %gather3A_795 = tpu.dynamic_gather %select_n3A_792[%gather3A_794] in [0] : vector<16xf32>, vector<16xi32> -> vector<16xf32>
        %max3A_796 = arith.maximumf %select_n3A_792, %gather3A_795 : vector<16xf32>
        %select_n3A_797 = arith.select %and3A_659, %max3A_796, %select_n3A_792 : vector<16xi1>, vector<16xf32>
        %gather3A_798 = tpu.vector_load_idx %arg14[%masked_sort3A_627] : memref<10240xf32, #tpu.memory_space<vmem>>[vector<16xi32>], vector<16xf32>,
        %max3A_799 = arith.maximumf %gather3A_798, %select_n3A_797 : vector<16xf32>
        tpu.vector_store_idx %arg14[%masked_sort3A_627], %max3A_799 masked %or3A_667 : memref<10240xf32, #tpu.memory_space<vmem>>[vector<16xi32>], vector<16xf32>, vector<16xi1>
        %scan3A_800 = arith.constant 1 : i32
        %scan3A_801 = arith.addi %scan3A_611, %scan3A_800 : i32
        %mul3A_802 = arith.constant 16 : i32
        %mul3A_803 = arith.muli %scan3A_801, %mul3A_802 : i32
        %get3A_804 = arith.index_cast %mul3A_803 : i32 to index
        %get3A_805 = tpu.vector_load %arg16[%get3A_804] {strides = array<i32>} : memref<2000xi32, #tpu.memory_space<vmem>>, vector<16xi32>,
        %mul3A_806 = arith.constant 16 : i32
        %mul3A_807 = arith.muli %scan3A_801, %mul3A_806 : i32
        %get3A_808 = arith.index_cast %mul3A_807 : i32 to index
        %get3A_809 = tpu.vector_load %arg18[%get3A_808] {strides = array<i32>} : memref<2000xi32, #tpu.memory_space<vmem>>, vector<16xi32>,
        %masked_sort3A_810 = arith.constant dense<true> : vector<16xi1>
        %masked_sort3A_811 = arith.constant -2147483648 : i32
        %masked_sort3A_812 = vector.broadcast %masked_sort3A_811 : i32 to vector<16xi32>
        %masked_sort3A_813 = arith.xori %get3A_809, %masked_sort3A_812 : vector<16xi32>
        %masked_sort3A_814, %masked_sort3A_815, %masked_sort3A_816 = tpu.sort %masked_sort3A_813, %iota3A masked %masked_sort3A_810 : (vector<16xi32>, vector<16xi32>, vector<16xi1>) -> (vector<16xi1>, vector<16xi32>, vector<16xi32>)
        %masked_sort3A_817 = arith.xori %masked_sort3A_815, %masked_sort3A_812 : vector<16xi32>
        %broadcast_in_dim3A_818 = vector.shape_cast %max3A_28 : vector<16xi32> to vector<16x1xi32>
        %gather3A_819 = vector.shape_cast %broadcast_in_dim3A_818 : vector<16x1xi32> to vector<16xi32>
        %gather3A_820 = tpu.dynamic_gather %masked_sort3A_817[%gather3A_819] in [0] : vector<16xi32>, vector<16xi32> -> vector<16xi32>
        %ge3A_821 = arith.constant 1 : i32
        %ge3A_822 = vector.broadcast %ge3A_821 : i32 to vector<16xi32>
        %ge3A_823 = arith.cmpi sge, %iota3A, %ge3A_822 : vector<16xi32>
        %eq3A_824 = arith.cmpi eq, %gather3A_820, %masked_sort3A_817 : vector<16xi32>
        %and3A_825 = arith.andi %ge3A_823, %eq3A_824 : vector<16xi1>
        %broadcast_in_dim3A_826 = vector.shape_cast %max3A_34 : vector<16xi32> to vector<16x1xi32>
        %gather3A_827 = vector.shape_cast %broadcast_in_dim3A_826 : vector<16x1xi32> to vector<16xi32>
        %gather3A_828 = tpu.dynamic_gather %masked_sort3A_817[%gather3A_827] in [0] : vector<16xi32>, vector<16xi32> -> vector<16xi32>
        %ge3A_829 = arith.constant 2 : i32
        %ge3A_830 = vector.broadcast %ge3A_829 : i32 to vector<16xi32>
        %ge3A_831 = arith.cmpi sge, %iota3A, %ge3A_830 : vector<16xi32>
        %eq3A_832 = arith.cmpi eq, %gather3A_828, %masked_sort3A_817 : vector<16xi32>
        %and3A_833 = arith.andi %ge3A_831, %eq3A_832 : vector<16xi1>
        %broadcast_in_dim3A_834 = vector.shape_cast %max3A_40 : vector<16xi32> to vector<16x1xi32>
        %gather3A_835 = vector.shape_cast %broadcast_in_dim3A_834 : vector<16x1xi32> to vector<16xi32>
        %gather3A_836 = tpu.dynamic_gather %masked_sort3A_817[%gather3A_835] in [0] : vector<16xi32>, vector<16xi32> -> vector<16xi32>
        %ge3A_837 = arith.constant 4 : i32
        %ge3A_838 = vector.broadcast %ge3A_837 : i32 to vector<16xi32>
        %ge3A_839 = arith.cmpi sge, %iota3A, %ge3A_838 : vector<16xi32>
        %eq3A_840 = arith.cmpi eq, %gather3A_836, %masked_sort3A_817 : vector<16xi32>
        %and3A_841 = arith.andi %ge3A_839, %eq3A_840 : vector<16xi1>
        %broadcast_in_dim3A_842 = vector.shape_cast %max3A_46 : vector<16xi32> to vector<16x1xi32>
        %gather3A_843 = vector.shape_cast %broadcast_in_dim3A_842 : vector<16x1xi32> to vector<16xi32>
        %gather3A_844 = tpu.dynamic_gather %masked_sort3A_817[%gather3A_843] in [0] : vector<16xi32>, vector<16xi32> -> vector<16xi32>
        %ge3A_845 = arith.constant 8 : i32
        %ge3A_846 = vector.broadcast %ge3A_845 : i32 to vector<16xi32>
        %ge3A_847 = arith.cmpi sge, %iota3A, %ge3A_846 : vector<16xi32>
        %eq3A_848 = arith.cmpi eq, %gather3A_844, %masked_sort3A_817 : vector<16xi32>
        %and3A_849 = arith.andi %ge3A_847, %eq3A_848 : vector<16xi1>
        %broadcast_in_dim3A_850 = vector.shape_cast %min3A_51 : vector<16xi32> to vector<16x1xi32>
        %gather3A_851 = vector.shape_cast %broadcast_in_dim3A_850 : vector<16x1xi32> to vector<16xi32>
        %gather3A_852 = tpu.dynamic_gather %masked_sort3A_817[%gather3A_851] in [0] : vector<16xi32>, vector<16xi32> -> vector<16xi32>
        %ne3A_853 = arith.cmpi ne, %masked_sort3A_817, %gather3A_852 : vector<16xi32>
        %eq3A_854 = arith.constant 15 : i32
        %eq3A_855 = vector.broadcast %eq3A_854 : i32 to vector<16xi32>
        %eq3A_856 = arith.cmpi eq, %iota3A, %eq3A_855 : vector<16xi32>
        %or3A_857 = arith.ori %ne3A_853, %eq3A_856 : vector<16xi1>
        %gather3A_858 = tpu.vector_load_idx %arg7[%get3A_805] : memref<10240xf32, #tpu.memory_space<vmem>>[vector<16xi32>], vector<16xf32>,
        %mul3A_859 = arith.constant 16 : i32
        %mul3A_860 = arith.muli %scan3A_801, %mul3A_859 : i32
        %add3A_861 = arith.constant 0 : i32
        %add3A_862 = arith.addi %add3A_861, %mul3A_860 : i32
        %get3A_863 = arith.index_cast %add3A_862 : i32 to index
        %get3A_864 = tpu.vector_load %arg20[%get3A_863] {strides = array<i32>} : memref<8000xf32, #tpu.memory_space<vmem>>, vector<16xf32>,
        %add3A_865 = arith.addf %gather3A_858, %get3A_864 : vector<16xf32>
        %broadcast_in_dim3A_866 = vector.shape_cast %masked_sort3A_816 : vector<16xi32> to vector<16x1xi32>
        %gather3A_867 = vector.shape_cast %broadcast_in_dim3A_866 : vector<16x1xi32> to vector<16xi32>
        %gather3A_868 = tpu.dynamic_gather %add3A_865[%gather3A_867] in [0] : vector<16xf32>, vector<16xi32> -> vector<16xf32>
        %broadcast_in_dim3A_869 = vector.shape_cast %max3A_28 : vector<16xi32> to vector<16x1xi32>
        %gather3A_870 = vector.shape_cast %broadcast_in_dim3A_869 : vector<16x1xi32> to vector<16xi32>
        %gather3A_871 = tpu.dynamic_gather %gather3A_868[%gather3A_870] in [0] : vector<16xf32>, vector<16xi32> -> vector<16xf32>
        %max3A_872 = arith.maximumf %gather3A_868, %gather3A_871 : vector<16xf32>
        %select_n3A_873 = arith.select %and3A_825, %max3A_872, %gather3A_868 : vector<16xi1>, vector<16xf32>
        %broadcast_in_dim3A_874 = vector.shape_cast %max3A_34 : vector<16xi32> to vector<16x1xi32>
        %gather3A_875 = vector.shape_cast %broadcast_in_dim3A_874 : vector<16x1xi32> to vector<16xi32>
        %gather3A_876 = tpu.dynamic_gather %select_n3A_873[%gather3A_875] in [0] : vector<16xf32>, vector<16xi32> -> vector<16xf32>
        %max3A_877 = arith.maximumf %select_n3A_873, %gather3A_876 : vector<16xf32>
        %select_n3A_878 = arith.select %and3A_833, %max3A_877, %select_n3A_873 : vector<16xi1>, vector<16xf32>
        %broadcast_in_dim3A_879 = vector.shape_cast %max3A_40 : vector<16xi32> to vector<16x1xi32>
        %gather3A_880 = vector.shape_cast %broadcast_in_dim3A_879 : vector<16x1xi32> to vector<16xi32>
        %gather3A_881 = tpu.dynamic_gather %select_n3A_878[%gather3A_880] in [0] : vector<16xf32>, vector<16xi32> -> vector<16xf32>
        %max3A_882 = arith.maximumf %select_n3A_878, %gather3A_881 : vector<16xf32>
        %select_n3A_883 = arith.select %and3A_841, %max3A_882, %select_n3A_878 : vector<16xi1>, vector<16xf32>
        %broadcast_in_dim3A_884 = vector.shape_cast %max3A_46 : vector<16xi32> to vector<16x1xi32>
        %gather3A_885 = vector.shape_cast %broadcast_in_dim3A_884 : vector<16x1xi32> to vector<16xi32>
        %gather3A_886 = tpu.dynamic_gather %select_n3A_883[%gather3A_885] in [0] : vector<16xf32>, vector<16xi32> -> vector<16xf32>
        %max3A_887 = arith.maximumf %select_n3A_883, %gather3A_886 : vector<16xf32>
        %select_n3A_888 = arith.select %and3A_849, %max3A_887, %select_n3A_883 : vector<16xi1>, vector<16xf32>
        %gather3A_889 = tpu.vector_load_idx %arg11[%masked_sort3A_817] : memref<10240xf32, #tpu.memory_space<vmem>>[vector<16xi32>], vector<16xf32>,
        %max3A_890 = arith.maximumf %gather3A_889, %select_n3A_888 : vector<16xf32>
        tpu.vector_store_idx %arg11[%masked_sort3A_817], %max3A_890 masked %or3A_857 : memref<10240xf32, #tpu.memory_space<vmem>>[vector<16xi32>], vector<16xf32>, vector<16xi1>
        %gather3A_891 = tpu.vector_load_idx %arg8[%get3A_805] : memref<10240xf32, #tpu.memory_space<vmem>>[vector<16xi32>], vector<16xf32>,
        %mul3A_892 = arith.constant 16 : i32
        %mul3A_893 = arith.muli %scan3A_801, %mul3A_892 : i32
        %add3A_894 = arith.constant 2000 : i32
        %add3A_895 = arith.addi %add3A_894, %mul3A_893 : i32
        %get3A_896 = arith.index_cast %add3A_895 : i32 to index
        %get3A_897 = tpu.vector_load %arg20[%get3A_896] {strides = array<i32>} : memref<8000xf32, #tpu.memory_space<vmem>>, vector<16xf32>,
        %add3A_898 = arith.addf %gather3A_891, %get3A_897 : vector<16xf32>
        %broadcast_in_dim3A_899 = vector.shape_cast %masked_sort3A_816 : vector<16xi32> to vector<16x1xi32>
        %gather3A_900 = vector.shape_cast %broadcast_in_dim3A_899 : vector<16x1xi32> to vector<16xi32>
        %gather3A_901 = tpu.dynamic_gather %add3A_898[%gather3A_900] in [0] : vector<16xf32>, vector<16xi32> -> vector<16xf32>
        %broadcast_in_dim3A_902 = vector.shape_cast %max3A_28 : vector<16xi32> to vector<16x1xi32>
        %gather3A_903 = vector.shape_cast %broadcast_in_dim3A_902 : vector<16x1xi32> to vector<16xi32>
        %gather3A_904 = tpu.dynamic_gather %gather3A_901[%gather3A_903] in [0] : vector<16xf32>, vector<16xi32> -> vector<16xf32>
        %max3A_905 = arith.maximumf %gather3A_901, %gather3A_904 : vector<16xf32>
        %select_n3A_906 = arith.select %and3A_825, %max3A_905, %gather3A_901 : vector<16xi1>, vector<16xf32>
        %broadcast_in_dim3A_907 = vector.shape_cast %max3A_34 : vector<16xi32> to vector<16x1xi32>
        %gather3A_908 = vector.shape_cast %broadcast_in_dim3A_907 : vector<16x1xi32> to vector<16xi32>
        %gather3A_909 = tpu.dynamic_gather %select_n3A_906[%gather3A_908] in [0] : vector<16xf32>, vector<16xi32> -> vector<16xf32>
        %max3A_910 = arith.maximumf %select_n3A_906, %gather3A_909 : vector<16xf32>
        %select_n3A_911 = arith.select %and3A_833, %max3A_910, %select_n3A_906 : vector<16xi1>, vector<16xf32>
        %broadcast_in_dim3A_912 = vector.shape_cast %max3A_40 : vector<16xi32> to vector<16x1xi32>
        %gather3A_913 = vector.shape_cast %broadcast_in_dim3A_912 : vector<16x1xi32> to vector<16xi32>
        %gather3A_914 = tpu.dynamic_gather %select_n3A_911[%gather3A_913] in [0] : vector<16xf32>, vector<16xi32> -> vector<16xf32>
        %max3A_915 = arith.maximumf %select_n3A_911, %gather3A_914 : vector<16xf32>
        %select_n3A_916 = arith.select %and3A_841, %max3A_915, %select_n3A_911 : vector<16xi1>, vector<16xf32>
        %broadcast_in_dim3A_917 = vector.shape_cast %max3A_46 : vector<16xi32> to vector<16x1xi32>
        %gather3A_918 = vector.shape_cast %broadcast_in_dim3A_917 : vector<16x1xi32> to vector<16xi32>
        %gather3A_919 = tpu.dynamic_gather %select_n3A_916[%gather3A_918] in [0] : vector<16xf32>, vector<16xi32> -> vector<16xf32>
        %max3A_920 = arith.maximumf %select_n3A_916, %gather3A_919 : vector<16xf32>
        %select_n3A_921 = arith.select %and3A_849, %max3A_920, %select_n3A_916 : vector<16xi1>, vector<16xf32>
        %gather3A_922 = tpu.vector_load_idx %arg12[%masked_sort3A_817] : memref<10240xf32, #tpu.memory_space<vmem>>[vector<16xi32>], vector<16xf32>,
        %max3A_923 = arith.maximumf %gather3A_922, %select_n3A_921 : vector<16xf32>
        tpu.vector_store_idx %arg12[%masked_sort3A_817], %max3A_923 masked %or3A_857 : memref<10240xf32, #tpu.memory_space<vmem>>[vector<16xi32>], vector<16xf32>, vector<16xi1>
        %gather3A_924 = tpu.vector_load_idx %arg9[%get3A_805] : memref<10240xf32, #tpu.memory_space<vmem>>[vector<16xi32>], vector<16xf32>,
        %mul3A_925 = arith.constant 16 : i32
        %mul3A_926 = arith.muli %scan3A_801, %mul3A_925 : i32
        %add3A_927 = arith.constant 4000 : i32
        %add3A_928 = arith.addi %add3A_927, %mul3A_926 : i32
        %get3A_929 = arith.index_cast %add3A_928 : i32 to index
        %get3A_930 = tpu.vector_load %arg20[%get3A_929] {strides = array<i32>} : memref<8000xf32, #tpu.memory_space<vmem>>, vector<16xf32>,
        %add3A_931 = arith.addf %gather3A_924, %get3A_930 : vector<16xf32>
        %broadcast_in_dim3A_932 = vector.shape_cast %masked_sort3A_816 : vector<16xi32> to vector<16x1xi32>
        %gather3A_933 = vector.shape_cast %broadcast_in_dim3A_932 : vector<16x1xi32> to vector<16xi32>
        %gather3A_934 = tpu.dynamic_gather %add3A_931[%gather3A_933] in [0] : vector<16xf32>, vector<16xi32> -> vector<16xf32>
        %broadcast_in_dim3A_935 = vector.shape_cast %max3A_28 : vector<16xi32> to vector<16x1xi32>
        %gather3A_936 = vector.shape_cast %broadcast_in_dim3A_935 : vector<16x1xi32> to vector<16xi32>
        %gather3A_937 = tpu.dynamic_gather %gather3A_934[%gather3A_936] in [0] : vector<16xf32>, vector<16xi32> -> vector<16xf32>
        %max3A_938 = arith.maximumf %gather3A_934, %gather3A_937 : vector<16xf32>
        %select_n3A_939 = arith.select %and3A_825, %max3A_938, %gather3A_934 : vector<16xi1>, vector<16xf32>
        %broadcast_in_dim3A_940 = vector.shape_cast %max3A_34 : vector<16xi32> to vector<16x1xi32>
        %gather3A_941 = vector.shape_cast %broadcast_in_dim3A_940 : vector<16x1xi32> to vector<16xi32>
        %gather3A_942 = tpu.dynamic_gather %select_n3A_939[%gather3A_941] in [0] : vector<16xf32>, vector<16xi32> -> vector<16xf32>
        %max3A_943 = arith.maximumf %select_n3A_939, %gather3A_942 : vector<16xf32>
        %select_n3A_944 = arith.select %and3A_833, %max3A_943, %select_n3A_939 : vector<16xi1>, vector<16xf32>
        %broadcast_in_dim3A_945 = vector.shape_cast %max3A_40 : vector<16xi32> to vector<16x1xi32>
        %gather3A_946 = vector.shape_cast %broadcast_in_dim3A_945 : vector<16x1xi32> to vector<16xi32>
        %gather3A_947 = tpu.dynamic_gather %select_n3A_944[%gather3A_946] in [0] : vector<16xf32>, vector<16xi32> -> vector<16xf32>
        %max3A_948 = arith.maximumf %select_n3A_944, %gather3A_947 : vector<16xf32>
        %select_n3A_949 = arith.select %and3A_841, %max3A_948, %select_n3A_944 : vector<16xi1>, vector<16xf32>
        %broadcast_in_dim3A_950 = vector.shape_cast %max3A_46 : vector<16xi32> to vector<16x1xi32>
        %gather3A_951 = vector.shape_cast %broadcast_in_dim3A_950 : vector<16x1xi32> to vector<16xi32>
        %gather3A_952 = tpu.dynamic_gather %select_n3A_949[%gather3A_951] in [0] : vector<16xf32>, vector<16xi32> -> vector<16xf32>
        %max3A_953 = arith.maximumf %select_n3A_949, %gather3A_952 : vector<16xf32>
        %select_n3A_954 = arith.select %and3A_849, %max3A_953, %select_n3A_949 : vector<16xi1>, vector<16xf32>
        %gather3A_955 = tpu.vector_load_idx %arg13[%masked_sort3A_817] : memref<10240xf32, #tpu.memory_space<vmem>>[vector<16xi32>], vector<16xf32>,
        %max3A_956 = arith.maximumf %gather3A_955, %select_n3A_954 : vector<16xf32>
        tpu.vector_store_idx %arg13[%masked_sort3A_817], %max3A_956 masked %or3A_857 : memref<10240xf32, #tpu.memory_space<vmem>>[vector<16xi32>], vector<16xf32>, vector<16xi1>
        %gather3A_957 = tpu.vector_load_idx %arg10[%get3A_805] : memref<10240xf32, #tpu.memory_space<vmem>>[vector<16xi32>], vector<16xf32>,
        %mul3A_958 = arith.constant 16 : i32
        %mul3A_959 = arith.muli %scan3A_801, %mul3A_958 : i32
        %add3A_960 = arith.constant 6000 : i32
        %add3A_961 = arith.addi %add3A_960, %mul3A_959 : i32
        %get3A_962 = arith.index_cast %add3A_961 : i32 to index
        %get3A_963 = tpu.vector_load %arg20[%get3A_962] {strides = array<i32>} : memref<8000xf32, #tpu.memory_space<vmem>>, vector<16xf32>,
        %add3A_964 = arith.addf %gather3A_957, %get3A_963 : vector<16xf32>
        %broadcast_in_dim3A_965 = vector.shape_cast %masked_sort3A_816 : vector<16xi32> to vector<16x1xi32>
        %gather3A_966 = vector.shape_cast %broadcast_in_dim3A_965 : vector<16x1xi32> to vector<16xi32>
        %gather3A_967 = tpu.dynamic_gather %add3A_964[%gather3A_966] in [0] : vector<16xf32>, vector<16xi32> -> vector<16xf32>
        %broadcast_in_dim3A_968 = vector.shape_cast %max3A_28 : vector<16xi32> to vector<16x1xi32>
        %gather3A_969 = vector.shape_cast %broadcast_in_dim3A_968 : vector<16x1xi32> to vector<16xi32>
        %gather3A_970 = tpu.dynamic_gather %gather3A_967[%gather3A_969] in [0] : vector<16xf32>, vector<16xi32> -> vector<16xf32>
        %max3A_971 = arith.maximumf %gather3A_967, %gather3A_970 : vector<16xf32>
        %select_n3A_972 = arith.select %and3A_825, %max3A_971, %gather3A_967 : vector<16xi1>, vector<16xf32>
        %broadcast_in_dim3A_973 = vector.shape_cast %max3A_34 : vector<16xi32> to vector<16x1xi32>
        %gather3A_974 = vector.shape_cast %broadcast_in_dim3A_973 : vector<16x1xi32> to vector<16xi32>
        %gather3A_975 = tpu.dynamic_gather %select_n3A_972[%gather3A_974] in [0] : vector<16xf32>, vector<16xi32> -> vector<16xf32>
        %max3A_976 = arith.maximumf %select_n3A_972, %gather3A_975 : vector<16xf32>
        %select_n3A_977 = arith.select %and3A_833, %max3A_976, %select_n3A_972 : vector<16xi1>, vector<16xf32>
        %broadcast_in_dim3A_978 = vector.shape_cast %max3A_40 : vector<16xi32> to vector<16x1xi32>
        %gather3A_979 = vector.shape_cast %broadcast_in_dim3A_978 : vector<16x1xi32> to vector<16xi32>
        %gather3A_980 = tpu.dynamic_gather %select_n3A_977[%gather3A_979] in [0] : vector<16xf32>, vector<16xi32> -> vector<16xf32>
        %max3A_981 = arith.maximumf %select_n3A_977, %gather3A_980 : vector<16xf32>
        %select_n3A_982 = arith.select %and3A_841, %max3A_981, %select_n3A_977 : vector<16xi1>, vector<16xf32>
        %broadcast_in_dim3A_983 = vector.shape_cast %max3A_46 : vector<16xi32> to vector<16x1xi32>
        %gather3A_984 = vector.shape_cast %broadcast_in_dim3A_983 : vector<16x1xi32> to vector<16xi32>
        %gather3A_985 = tpu.dynamic_gather %select_n3A_982[%gather3A_984] in [0] : vector<16xf32>, vector<16xi32> -> vector<16xf32>
        %max3A_986 = arith.maximumf %select_n3A_982, %gather3A_985 : vector<16xf32>
        %select_n3A_987 = arith.select %and3A_849, %max3A_986, %select_n3A_982 : vector<16xi1>, vector<16xf32>
        %gather3A_988 = tpu.vector_load_idx %arg14[%masked_sort3A_817] : memref<10240xf32, #tpu.memory_space<vmem>>[vector<16xi32>], vector<16xf32>,
        %max3A_989 = arith.maximumf %gather3A_988, %select_n3A_987 : vector<16xf32>
        tpu.vector_store_idx %arg14[%masked_sort3A_817], %max3A_989 masked %or3A_857 : memref<10240xf32, #tpu.memory_space<vmem>>[vector<16xi32>], vector<16xf32>, vector<16xi1>
      }
      %scan3A_420 = arith.constant 124 : i32
      %scan3A_421 = arith.addi %scan3A_416, %scan3A_420 : i32
      %mul3A_422 = arith.constant 16 : i32
      %mul3A_423 = arith.muli %scan3A_421, %mul3A_422 : i32
      %get3A_424 = arith.index_cast %mul3A_423 : i32 to index
      %get3A_425 = tpu.vector_load %arg16[%get3A_424] {strides = array<i32>} : memref<2000xi32, #tpu.memory_space<vmem>>, vector<16xi32>,
      %mul3A_426 = arith.constant 16 : i32
      %mul3A_427 = arith.muli %scan3A_421, %mul3A_426 : i32
      %get3A_428 = arith.index_cast %mul3A_427 : i32 to index
      %get3A_429 = tpu.vector_load %arg18[%get3A_428] {strides = array<i32>} : memref<2000xi32, #tpu.memory_space<vmem>>, vector<16xi32>,
      %masked_sort3A_430 = arith.constant dense<true> : vector<16xi1>
      %masked_sort3A_431 = arith.constant -2147483648 : i32
      %masked_sort3A_432 = vector.broadcast %masked_sort3A_431 : i32 to vector<16xi32>
      %masked_sort3A_433 = arith.xori %get3A_429, %masked_sort3A_432 : vector<16xi32>
      %masked_sort3A_434, %masked_sort3A_435, %masked_sort3A_436 = tpu.sort %masked_sort3A_433, %iota3A masked %masked_sort3A_430 : (vector<16xi32>, vector<16xi32>, vector<16xi1>) -> (vector<16xi1>, vector<16xi32>, vector<16xi32>)
      %masked_sort3A_437 = arith.xori %masked_sort3A_435, %masked_sort3A_432 : vector<16xi32>
      %broadcast_in_dim3A_438 = vector.shape_cast %max3A_28 : vector<16xi32> to vector<16x1xi32>
      %gather3A_439 = vector.shape_cast %broadcast_in_dim3A_438 : vector<16x1xi32> to vector<16xi32>
      %gather3A_440 = tpu.dynamic_gather %masked_sort3A_437[%gather3A_439] in [0] : vector<16xi32>, vector<16xi32> -> vector<16xi32>
      %ge3A_441 = arith.constant 1 : i32
      %ge3A_442 = vector.broadcast %ge3A_441 : i32 to vector<16xi32>
      %ge3A_443 = arith.cmpi sge, %iota3A, %ge3A_442 : vector<16xi32>
      %eq3A_444 = arith.cmpi eq, %gather3A_440, %masked_sort3A_437 : vector<16xi32>
      %and3A_445 = arith.andi %ge3A_443, %eq3A_444 : vector<16xi1>
      %broadcast_in_dim3A_446 = vector.shape_cast %max3A_34 : vector<16xi32> to vector<16x1xi32>
      %gather3A_447 = vector.shape_cast %broadcast_in_dim3A_446 : vector<16x1xi32> to vector<16xi32>
      %gather3A_448 = tpu.dynamic_gather %masked_sort3A_437[%gather3A_447] in [0] : vector<16xi32>, vector<16xi32> -> vector<16xi32>
      %ge3A_449 = arith.constant 2 : i32
      %ge3A_450 = vector.broadcast %ge3A_449 : i32 to vector<16xi32>
      %ge3A_451 = arith.cmpi sge, %iota3A, %ge3A_450 : vector<16xi32>
      %eq3A_452 = arith.cmpi eq, %gather3A_448, %masked_sort3A_437 : vector<16xi32>
      %and3A_453 = arith.andi %ge3A_451, %eq3A_452 : vector<16xi1>
      %broadcast_in_dim3A_454 = vector.shape_cast %max3A_40 : vector<16xi32> to vector<16x1xi32>
      %gather3A_455 = vector.shape_cast %broadcast_in_dim3A_454 : vector<16x1xi32> to vector<16xi32>
      %gather3A_456 = tpu.dynamic_gather %masked_sort3A_437[%gather3A_455] in [0] : vector<16xi32>, vector<16xi32> -> vector<16xi32>
      %ge3A_457 = arith.constant 4 : i32
      %ge3A_458 = vector.broadcast %ge3A_457 : i32 to vector<16xi32>
      %ge3A_459 = arith.cmpi sge, %iota3A, %ge3A_458 : vector<16xi32>
      %eq3A_460 = arith.cmpi eq, %gather3A_456, %masked_sort3A_437 : vector<16xi32>
      %and3A_461 = arith.andi %ge3A_459, %eq3A_460 : vector<16xi1>
      %broadcast_in_dim3A_462 = vector.shape_cast %max3A_46 : vector<16xi32> to vector<16x1xi32>
      %gather3A_463 = vector.shape_cast %broadcast_in_dim3A_462 : vector<16x1xi32> to vector<16xi32>
      %gather3A_464 = tpu.dynamic_gather %masked_sort3A_437[%gather3A_463] in [0] : vector<16xi32>, vector<16xi32> -> vector<16xi32>
      %ge3A_465 = arith.constant 8 : i32
      %ge3A_466 = vector.broadcast %ge3A_465 : i32 to vector<16xi32>
      %ge3A_467 = arith.cmpi sge, %iota3A, %ge3A_466 : vector<16xi32>
      %eq3A_468 = arith.cmpi eq, %gather3A_464, %masked_sort3A_437 : vector<16xi32>
      %and3A_469 = arith.andi %ge3A_467, %eq3A_468 : vector<16xi1>
      %broadcast_in_dim3A_470 = vector.shape_cast %min3A_51 : vector<16xi32> to vector<16x1xi32>
      %gather3A_471 = vector.shape_cast %broadcast_in_dim3A_470 : vector<16x1xi32> to vector<16xi32>
      %gather3A_472 = tpu.dynamic_gather %masked_sort3A_437[%gather3A_471] in [0] : vector<16xi32>, vector<16xi32> -> vector<16xi32>
      %ne3A_473 = arith.cmpi ne, %masked_sort3A_437, %gather3A_472 : vector<16xi32>
      %eq3A_474 = arith.constant 15 : i32
      %eq3A_475 = vector.broadcast %eq3A_474 : i32 to vector<16xi32>
      %eq3A_476 = arith.cmpi eq, %iota3A, %eq3A_475 : vector<16xi32>
      %or3A_477 = arith.ori %ne3A_473, %eq3A_476 : vector<16xi1>
      %gather3A_478 = tpu.vector_load_idx %arg7[%get3A_425] : memref<10240xf32, #tpu.memory_space<vmem>>[vector<16xi32>], vector<16xf32>,
      %mul3A_479 = arith.constant 16 : i32
      %mul3A_480 = arith.muli %scan3A_421, %mul3A_479 : i32
      %add3A_481 = arith.constant 0 : i32
      %add3A_482 = arith.addi %add3A_481, %mul3A_480 : i32
      %get3A_483 = arith.index_cast %add3A_482 : i32 to index
      %get3A_484 = tpu.vector_load %arg20[%get3A_483] {strides = array<i32>} : memref<8000xf32, #tpu.memory_space<vmem>>, vector<16xf32>,
      %add3A_485 = arith.addf %gather3A_478, %get3A_484 : vector<16xf32>
      %broadcast_in_dim3A_486 = vector.shape_cast %masked_sort3A_436 : vector<16xi32> to vector<16x1xi32>
      %gather3A_487 = vector.shape_cast %broadcast_in_dim3A_486 : vector<16x1xi32> to vector<16xi32>
      %gather3A_488 = tpu.dynamic_gather %add3A_485[%gather3A_487] in [0] : vector<16xf32>, vector<16xi32> -> vector<16xf32>
      %broadcast_in_dim3A_489 = vector.shape_cast %max3A_28 : vector<16xi32> to vector<16x1xi32>
      %gather3A_490 = vector.shape_cast %broadcast_in_dim3A_489 : vector<16x1xi32> to vector<16xi32>
      %gather3A_491 = tpu.dynamic_gather %gather3A_488[%gather3A_490] in [0] : vector<16xf32>, vector<16xi32> -> vector<16xf32>
      %max3A_492 = arith.maximumf %gather3A_488, %gather3A_491 : vector<16xf32>
      %select_n3A_493 = arith.select %and3A_445, %max3A_492, %gather3A_488 : vector<16xi1>, vector<16xf32>
      %broadcast_in_dim3A_494 = vector.shape_cast %max3A_34 : vector<16xi32> to vector<16x1xi32>
      %gather3A_495 = vector.shape_cast %broadcast_in_dim3A_494 : vector<16x1xi32> to vector<16xi32>
      %gather3A_496 = tpu.dynamic_gather %select_n3A_493[%gather3A_495] in [0] : vector<16xf32>, vector<16xi32> -> vector<16xf32>
      %max3A_497 = arith.maximumf %select_n3A_493, %gather3A_496 : vector<16xf32>
      %select_n3A_498 = arith.select %and3A_453, %max3A_497, %select_n3A_493 : vector<16xi1>, vector<16xf32>
      %broadcast_in_dim3A_499 = vector.shape_cast %max3A_40 : vector<16xi32> to vector<16x1xi32>
      %gather3A_500 = vector.shape_cast %broadcast_in_dim3A_499 : vector<16x1xi32> to vector<16xi32>
      %gather3A_501 = tpu.dynamic_gather %select_n3A_498[%gather3A_500] in [0] : vector<16xf32>, vector<16xi32> -> vector<16xf32>
      %max3A_502 = arith.maximumf %select_n3A_498, %gather3A_501 : vector<16xf32>
      %select_n3A_503 = arith.select %and3A_461, %max3A_502, %select_n3A_498 : vector<16xi1>, vector<16xf32>
      %broadcast_in_dim3A_504 = vector.shape_cast %max3A_46 : vector<16xi32> to vector<16x1xi32>
      %gather3A_505 = vector.shape_cast %broadcast_in_dim3A_504 : vector<16x1xi32> to vector<16xi32>
      %gather3A_506 = tpu.dynamic_gather %select_n3A_503[%gather3A_505] in [0] : vector<16xf32>, vector<16xi32> -> vector<16xf32>
      %max3A_507 = arith.maximumf %select_n3A_503, %gather3A_506 : vector<16xf32>
      %select_n3A_508 = arith.select %and3A_469, %max3A_507, %select_n3A_503 : vector<16xi1>, vector<16xf32>
      %gather3A_509 = tpu.vector_load_idx %arg11[%masked_sort3A_437] : memref<10240xf32, #tpu.memory_space<vmem>>[vector<16xi32>], vector<16xf32>,
      %max3A_510 = arith.maximumf %gather3A_509, %select_n3A_508 : vector<16xf32>
      tpu.vector_store_idx %arg11[%masked_sort3A_437], %max3A_510 masked %or3A_477 : memref<10240xf32, #tpu.memory_space<vmem>>[vector<16xi32>], vector<16xf32>, vector<16xi1>
      %gather3A_511 = tpu.vector_load_idx %arg8[%get3A_425] : memref<10240xf32, #tpu.memory_space<vmem>>[vector<16xi32>], vector<16xf32>,
      %mul3A_512 = arith.constant 16 : i32
      %mul3A_513 = arith.muli %scan3A_421, %mul3A_512 : i32
      %add3A_514 = arith.constant 2000 : i32
      %add3A_515 = arith.addi %add3A_514, %mul3A_513 : i32
      %get3A_516 = arith.index_cast %add3A_515 : i32 to index
      %get3A_517 = tpu.vector_load %arg20[%get3A_516] {strides = array<i32>} : memref<8000xf32, #tpu.memory_space<vmem>>, vector<16xf32>,
      %add3A_518 = arith.addf %gather3A_511, %get3A_517 : vector<16xf32>
      %broadcast_in_dim3A_519 = vector.shape_cast %masked_sort3A_436 : vector<16xi32> to vector<16x1xi32>
      %gather3A_520 = vector.shape_cast %broadcast_in_dim3A_519 : vector<16x1xi32> to vector<16xi32>
      %gather3A_521 = tpu.dynamic_gather %add3A_518[%gather3A_520] in [0] : vector<16xf32>, vector<16xi32> -> vector<16xf32>
      %broadcast_in_dim3A_522 = vector.shape_cast %max3A_28 : vector<16xi32> to vector<16x1xi32>
      %gather3A_523 = vector.shape_cast %broadcast_in_dim3A_522 : vector<16x1xi32> to vector<16xi32>
      %gather3A_524 = tpu.dynamic_gather %gather3A_521[%gather3A_523] in [0] : vector<16xf32>, vector<16xi32> -> vector<16xf32>
      %max3A_525 = arith.maximumf %gather3A_521, %gather3A_524 : vector<16xf32>
      %select_n3A_526 = arith.select %and3A_445, %max3A_525, %gather3A_521 : vector<16xi1>, vector<16xf32>
      %broadcast_in_dim3A_527 = vector.shape_cast %max3A_34 : vector<16xi32> to vector<16x1xi32>
      %gather3A_528 = vector.shape_cast %broadcast_in_dim3A_527 : vector<16x1xi32> to vector<16xi32>
      %gather3A_529 = tpu.dynamic_gather %select_n3A_526[%gather3A_528] in [0] : vector<16xf32>, vector<16xi32> -> vector<16xf32>
      %max3A_530 = arith.maximumf %select_n3A_526, %gather3A_529 : vector<16xf32>
      %select_n3A_531 = arith.select %and3A_453, %max3A_530, %select_n3A_526 : vector<16xi1>, vector<16xf32>
      %broadcast_in_dim3A_532 = vector.shape_cast %max3A_40 : vector<16xi32> to vector<16x1xi32>
      %gather3A_533 = vector.shape_cast %broadcast_in_dim3A_532 : vector<16x1xi32> to vector<16xi32>
      %gather3A_534 = tpu.dynamic_gather %select_n3A_531[%gather3A_533] in [0] : vector<16xf32>, vector<16xi32> -> vector<16xf32>
      %max3A_535 = arith.maximumf %select_n3A_531, %gather3A_534 : vector<16xf32>
      %select_n3A_536 = arith.select %and3A_461, %max3A_535, %select_n3A_531 : vector<16xi1>, vector<16xf32>
      %broadcast_in_dim3A_537 = vector.shape_cast %max3A_46 : vector<16xi32> to vector<16x1xi32>
      %gather3A_538 = vector.shape_cast %broadcast_in_dim3A_537 : vector<16x1xi32> to vector<16xi32>
      %gather3A_539 = tpu.dynamic_gather %select_n3A_536[%gather3A_538] in [0] : vector<16xf32>, vector<16xi32> -> vector<16xf32>
      %max3A_540 = arith.maximumf %select_n3A_536, %gather3A_539 : vector<16xf32>
      %select_n3A_541 = arith.select %and3A_469, %max3A_540, %select_n3A_536 : vector<16xi1>, vector<16xf32>
      %gather3A_542 = tpu.vector_load_idx %arg12[%masked_sort3A_437] : memref<10240xf32, #tpu.memory_space<vmem>>[vector<16xi32>], vector<16xf32>,
      %max3A_543 = arith.maximumf %gather3A_542, %select_n3A_541 : vector<16xf32>
      tpu.vector_store_idx %arg12[%masked_sort3A_437], %max3A_543 masked %or3A_477 : memref<10240xf32, #tpu.memory_space<vmem>>[vector<16xi32>], vector<16xf32>, vector<16xi1>
      %gather3A_544 = tpu.vector_load_idx %arg9[%get3A_425] : memref<10240xf32, #tpu.memory_space<vmem>>[vector<16xi32>], vector<16xf32>,
      %mul3A_545 = arith.constant 16 : i32
      %mul3A_546 = arith.muli %scan3A_421, %mul3A_545 : i32
      %add3A_547 = arith.constant 4000 : i32
      %add3A_548 = arith.addi %add3A_547, %mul3A_546 : i32
      %get3A_549 = arith.index_cast %add3A_548 : i32 to index
      %get3A_550 = tpu.vector_load %arg20[%get3A_549] {strides = array<i32>} : memref<8000xf32, #tpu.memory_space<vmem>>, vector<16xf32>,
      %add3A_551 = arith.addf %gather3A_544, %get3A_550 : vector<16xf32>
      %broadcast_in_dim3A_552 = vector.shape_cast %masked_sort3A_436 : vector<16xi32> to vector<16x1xi32>
      %gather3A_553 = vector.shape_cast %broadcast_in_dim3A_552 : vector<16x1xi32> to vector<16xi32>
      %gather3A_554 = tpu.dynamic_gather %add3A_551[%gather3A_553] in [0] : vector<16xf32>, vector<16xi32> -> vector<16xf32>
      %broadcast_in_dim3A_555 = vector.shape_cast %max3A_28 : vector<16xi32> to vector<16x1xi32>
      %gather3A_556 = vector.shape_cast %broadcast_in_dim3A_555 : vector<16x1xi32> to vector<16xi32>
      %gather3A_557 = tpu.dynamic_gather %gather3A_554[%gather3A_556] in [0] : vector<16xf32>, vector<16xi32> -> vector<16xf32>
      %max3A_558 = arith.maximumf %gather3A_554, %gather3A_557 : vector<16xf32>
      %select_n3A_559 = arith.select %and3A_445, %max3A_558, %gather3A_554 : vector<16xi1>, vector<16xf32>
      %broadcast_in_dim3A_560 = vector.shape_cast %max3A_34 : vector<16xi32> to vector<16x1xi32>
      %gather3A_561 = vector.shape_cast %broadcast_in_dim3A_560 : vector<16x1xi32> to vector<16xi32>
      %gather3A_562 = tpu.dynamic_gather %select_n3A_559[%gather3A_561] in [0] : vector<16xf32>, vector<16xi32> -> vector<16xf32>
      %max3A_563 = arith.maximumf %select_n3A_559, %gather3A_562 : vector<16xf32>
      %select_n3A_564 = arith.select %and3A_453, %max3A_563, %select_n3A_559 : vector<16xi1>, vector<16xf32>
      %broadcast_in_dim3A_565 = vector.shape_cast %max3A_40 : vector<16xi32> to vector<16x1xi32>
      %gather3A_566 = vector.shape_cast %broadcast_in_dim3A_565 : vector<16x1xi32> to vector<16xi32>
      %gather3A_567 = tpu.dynamic_gather %select_n3A_564[%gather3A_566] in [0] : vector<16xf32>, vector<16xi32> -> vector<16xf32>
      %max3A_568 = arith.maximumf %select_n3A_564, %gather3A_567 : vector<16xf32>
      %select_n3A_569 = arith.select %and3A_461, %max3A_568, %select_n3A_564 : vector<16xi1>, vector<16xf32>
      %broadcast_in_dim3A_570 = vector.shape_cast %max3A_46 : vector<16xi32> to vector<16x1xi32>
      %gather3A_571 = vector.shape_cast %broadcast_in_dim3A_570 : vector<16x1xi32> to vector<16xi32>
      %gather3A_572 = tpu.dynamic_gather %select_n3A_569[%gather3A_571] in [0] : vector<16xf32>, vector<16xi32> -> vector<16xf32>
      %max3A_573 = arith.maximumf %select_n3A_569, %gather3A_572 : vector<16xf32>
      %select_n3A_574 = arith.select %and3A_469, %max3A_573, %select_n3A_569 : vector<16xi1>, vector<16xf32>
      %gather3A_575 = tpu.vector_load_idx %arg13[%masked_sort3A_437] : memref<10240xf32, #tpu.memory_space<vmem>>[vector<16xi32>], vector<16xf32>,
      %max3A_576 = arith.maximumf %gather3A_575, %select_n3A_574 : vector<16xf32>
      tpu.vector_store_idx %arg13[%masked_sort3A_437], %max3A_576 masked %or3A_477 : memref<10240xf32, #tpu.memory_space<vmem>>[vector<16xi32>], vector<16xf32>, vector<16xi1>
      %gather3A_577 = tpu.vector_load_idx %arg10[%get3A_425] : memref<10240xf32, #tpu.memory_space<vmem>>[vector<16xi32>], vector<16xf32>,
      %mul3A_578 = arith.constant 16 : i32
      %mul3A_579 = arith.muli %scan3A_421, %mul3A_578 : i32
      %add3A_580 = arith.constant 6000 : i32
      %add3A_581 = arith.addi %add3A_580, %mul3A_579 : i32
      %get3A_582 = arith.index_cast %add3A_581 : i32 to index
      %get3A_583 = tpu.vector_load %arg20[%get3A_582] {strides = array<i32>} : memref<8000xf32, #tpu.memory_space<vmem>>, vector<16xf32>,
      %add3A_584 = arith.addf %gather3A_577, %get3A_583 : vector<16xf32>
      %broadcast_in_dim3A_585 = vector.shape_cast %masked_sort3A_436 : vector<16xi32> to vector<16x1xi32>
      %gather3A_586 = vector.shape_cast %broadcast_in_dim3A_585 : vector<16x1xi32> to vector<16xi32>
      %gather3A_587 = tpu.dynamic_gather %add3A_584[%gather3A_586] in [0] : vector<16xf32>, vector<16xi32> -> vector<16xf32>
      %broadcast_in_dim3A_588 = vector.shape_cast %max3A_28 : vector<16xi32> to vector<16x1xi32>
      %gather3A_589 = vector.shape_cast %broadcast_in_dim3A_588 : vector<16x1xi32> to vector<16xi32>
      %gather3A_590 = tpu.dynamic_gather %gather3A_587[%gather3A_589] in [0] : vector<16xf32>, vector<16xi32> -> vector<16xf32>
      %max3A_591 = arith.maximumf %gather3A_587, %gather3A_590 : vector<16xf32>
      %select_n3A_592 = arith.select %and3A_445, %max3A_591, %gather3A_587 : vector<16xi1>, vector<16xf32>
      %broadcast_in_dim3A_593 = vector.shape_cast %max3A_34 : vector<16xi32> to vector<16x1xi32>
      %gather3A_594 = vector.shape_cast %broadcast_in_dim3A_593 : vector<16x1xi32> to vector<16xi32>
      %gather3A_595 = tpu.dynamic_gather %select_n3A_592[%gather3A_594] in [0] : vector<16xf32>, vector<16xi32> -> vector<16xf32>
      %max3A_596 = arith.maximumf %select_n3A_592, %gather3A_595 : vector<16xf32>
      %select_n3A_597 = arith.select %and3A_453, %max3A_596, %select_n3A_592 : vector<16xi1>, vector<16xf32>
      %broadcast_in_dim3A_598 = vector.shape_cast %max3A_40 : vector<16xi32> to vector<16x1xi32>
      %gather3A_599 = vector.shape_cast %broadcast_in_dim3A_598 : vector<16x1xi32> to vector<16xi32>
      %gather3A_600 = tpu.dynamic_gather %select_n3A_597[%gather3A_599] in [0] : vector<16xf32>, vector<16xi32> -> vector<16xf32>
      %max3A_601 = arith.maximumf %select_n3A_597, %gather3A_600 : vector<16xf32>
      %select_n3A_602 = arith.select %and3A_461, %max3A_601, %select_n3A_597 : vector<16xi1>, vector<16xf32>
      %broadcast_in_dim3A_603 = vector.shape_cast %max3A_46 : vector<16xi32> to vector<16x1xi32>
      %gather3A_604 = vector.shape_cast %broadcast_in_dim3A_603 : vector<16x1xi32> to vector<16xi32>
      %gather3A_605 = tpu.dynamic_gather %select_n3A_602[%gather3A_604] in [0] : vector<16xf32>, vector<16xi32> -> vector<16xf32>
      %max3A_606 = arith.maximumf %select_n3A_602, %gather3A_605 : vector<16xf32>
      %select_n3A_607 = arith.select %and3A_469, %max3A_606, %select_n3A_602 : vector<16xi1>, vector<16xf32>
      %gather3A_608 = tpu.vector_load_idx %arg14[%masked_sort3A_437] : memref<10240xf32, #tpu.memory_space<vmem>>[vector<16xi32>], vector<16xf32>,
      %max3A_609 = arith.maximumf %gather3A_608, %select_n3A_607 : vector<16xf32>
      tpu.vector_store_idx %arg14[%masked_sort3A_437], %max3A_609 masked %or3A_477 : memref<10240xf32, #tpu.memory_space<vmem>>[vector<16xi32>], vector<16xf32>, vector<16xi1>
      %scan3A_610 = arith.constant 125 : i32
    }
    %scan3A_112 = arith.constant 80 : i32
    %add3A_113 = arith.constant 0 : i32
    %add3A_114 = arith.addi %mul3A_2, %add3A_113 : i32
    %mul3A_115 = arith.constant 10240 : i32
    %mul3A_116 = arith.muli %add3A_114, %mul3A_115 : i32
    "tpu.region"() ({
      %run_scoped3A = tpu.sem_alloc : memref<!tpu.dma_semaphore, #tpu.memory_space<semaphore_mem>>
      %dma_start3A_129 = tpu.memref_slice %arg6[%mul3A_116] : memref<1310720xf32, #tpu.memory_space<hbm>> -> memref<10240xf32, #tpu.memory_space<hbm>>
      %dma_start3A_130 = tpu.memref_slice %arg6[%mul3A_116] : memref<1310720xf32, #tpu.memory_space<hbm>> -> memref<10240xf32, #tpu.memory_space<hbm>>
      tpu.enqueue_dma source(%arg11 : memref<10240xf32, #tpu.memory_space<vmem>>) target(%dma_start3A_130 : memref<10240xf32, #tpu.memory_space<hbm>>) target_semaphore(%run_scoped3A : memref<!tpu.dma_semaphore, #tpu.memory_space<semaphore_mem>>)
      %dma_wait3A = tpu.memref_slice %arg6[%mul3A_116] : memref<1310720xf32, #tpu.memory_space<hbm>> -> memref<10240xf32, #tpu.memory_space<hbm>>
      %dma_wait3A_131 = tpu.memref_slice %arg6[%mul3A_116] : memref<1310720xf32, #tpu.memory_space<hbm>> -> memref<10240xf32, #tpu.memory_space<hbm>>
      tpu.wait_dma2 semaphore(%run_scoped3A : memref<!tpu.dma_semaphore, #tpu.memory_space<semaphore_mem>>) src(%arg11 : memref<10240xf32, #tpu.memory_space<vmem>>) dst(%dma_wait3A_131 : memref<10240xf32, #tpu.memory_space<hbm>>)
      tpu.yield
    }) : () -> ()
    %add3A_117 = arith.constant 1 : i32
    %add3A_118 = arith.addi %mul3A_2, %add3A_117 : i32
    %mul3A_119 = arith.constant 10240 : i32
    %mul3A_120 = arith.muli %add3A_118, %mul3A_119 : i32
    "tpu.region"() ({
      %run_scoped3A = tpu.sem_alloc : memref<!tpu.dma_semaphore, #tpu.memory_space<semaphore_mem>>
      %dma_start3A_129 = tpu.memref_slice %arg6[%mul3A_120] : memref<1310720xf32, #tpu.memory_space<hbm>> -> memref<10240xf32, #tpu.memory_space<hbm>>
      %dma_start3A_130 = tpu.memref_slice %arg6[%mul3A_120] : memref<1310720xf32, #tpu.memory_space<hbm>> -> memref<10240xf32, #tpu.memory_space<hbm>>
      tpu.enqueue_dma source(%arg12 : memref<10240xf32, #tpu.memory_space<vmem>>) target(%dma_start3A_130 : memref<10240xf32, #tpu.memory_space<hbm>>) target_semaphore(%run_scoped3A : memref<!tpu.dma_semaphore, #tpu.memory_space<semaphore_mem>>)
      %dma_wait3A = tpu.memref_slice %arg6[%mul3A_120] : memref<1310720xf32, #tpu.memory_space<hbm>> -> memref<10240xf32, #tpu.memory_space<hbm>>
      %dma_wait3A_131 = tpu.memref_slice %arg6[%mul3A_120] : memref<1310720xf32, #tpu.memory_space<hbm>> -> memref<10240xf32, #tpu.memory_space<hbm>>
      tpu.wait_dma2 semaphore(%run_scoped3A : memref<!tpu.dma_semaphore, #tpu.memory_space<semaphore_mem>>) src(%arg12 : memref<10240xf32, #tpu.memory_space<vmem>>) dst(%dma_wait3A_131 : memref<10240xf32, #tpu.memory_space<hbm>>)
      tpu.yield
    }) : () -> ()
    %add3A_121 = arith.constant 2 : i32
    %add3A_122 = arith.addi %mul3A_2, %add3A_121 : i32
    %mul3A_123 = arith.constant 10240 : i32
    %mul3A_124 = arith.muli %add3A_122, %mul3A_123 : i32
    "tpu.region"() ({
      %run_scoped3A = tpu.sem_alloc : memref<!tpu.dma_semaphore, #tpu.memory_space<semaphore_mem>>
      %dma_start3A_129 = tpu.memref_slice %arg6[%mul3A_124] : memref<1310720xf32, #tpu.memory_space<hbm>> -> memref<10240xf32, #tpu.memory_space<hbm>>
      %dma_start3A_130 = tpu.memref_slice %arg6[%mul3A_124] : memref<1310720xf32, #tpu.memory_space<hbm>> -> memref<10240xf32, #tpu.memory_space<hbm>>
      tpu.enqueue_dma source(%arg13 : memref<10240xf32, #tpu.memory_space<vmem>>) target(%dma_start3A_130 : memref<10240xf32, #tpu.memory_space<hbm>>) target_semaphore(%run_scoped3A : memref<!tpu.dma_semaphore, #tpu.memory_space<semaphore_mem>>)
      %dma_wait3A = tpu.memref_slice %arg6[%mul3A_124] : memref<1310720xf32, #tpu.memory_space<hbm>> -> memref<10240xf32, #tpu.memory_space<hbm>>
      %dma_wait3A_131 = tpu.memref_slice %arg6[%mul3A_124] : memref<1310720xf32, #tpu.memory_space<hbm>> -> memref<10240xf32, #tpu.memory_space<hbm>>
      tpu.wait_dma2 semaphore(%run_scoped3A : memref<!tpu.dma_semaphore, #tpu.memory_space<semaphore_mem>>) src(%arg13 : memref<10240xf32, #tpu.memory_space<vmem>>) dst(%dma_wait3A_131 : memref<10240xf32, #tpu.memory_space<hbm>>)
      tpu.yield
    }) : () -> ()
    %add3A_125 = arith.constant 3 : i32
    %add3A_126 = arith.addi %mul3A_2, %add3A_125 : i32
    %mul3A_127 = arith.constant 10240 : i32
    %mul3A_128 = arith.muli %add3A_126, %mul3A_127 : i32
    "tpu.region"() ({
      %run_scoped3A = tpu.sem_alloc : memref<!tpu.dma_semaphore, #tpu.memory_space<semaphore_mem>>
      %dma_start3A_129 = tpu.memref_slice %arg6[%mul3A_128] : memref<1310720xf32, #tpu.memory_space<hbm>> -> memref<10240xf32, #tpu.memory_space<hbm>>
      %dma_start3A_130 = tpu.memref_slice %arg6[%mul3A_128] : memref<1310720xf32, #tpu.memory_space<hbm>> -> memref<10240xf32, #tpu.memory_space<hbm>>
      tpu.enqueue_dma source(%arg14 : memref<10240xf32, #tpu.memory_space<vmem>>) target(%dma_start3A_130 : memref<10240xf32, #tpu.memory_space<hbm>>) target_semaphore(%run_scoped3A : memref<!tpu.dma_semaphore, #tpu.memory_space<semaphore_mem>>)
      %dma_wait3A = tpu.memref_slice %arg6[%mul3A_128] : memref<1310720xf32, #tpu.memory_space<hbm>> -> memref<10240xf32, #tpu.memory_space<hbm>>
      %dma_wait3A_131 = tpu.memref_slice %arg6[%mul3A_128] : memref<1310720xf32, #tpu.memory_space<hbm>> -> memref<10240xf32, #tpu.memory_space<hbm>>
      tpu.wait_dma2 semaphore(%run_scoped3A : memref<!tpu.dma_semaphore, #tpu.memory_space<semaphore_mem>>) src(%arg14 : memref<10240xf32, #tpu.memory_space<vmem>>) dst(%dma_wait3A_131 : memref<10240xf32, #tpu.memory_space<hbm>>)
      tpu.yield
    }) : () -> ()
    return
  }
}

module attributes {stable_mosaic.version = 14 : i64} {
  func.func @_node_body(%arg0: i32, %arg1: memref<2048x128xf32, #tpu.memory_space<vmem>>, %arg2: memref<2048x128xf32, #tpu.memory_space<vmem>>, %arg3: memref<256x128xf32, #tpu.memory_space<vmem>>, %arg4: memref<128x128xf32, #tpu.memory_space<vmem>>, %arg5: memref<128x128xf32, #tpu.memory_space<vmem>>, %arg6: memref<2048x128xf32, #tpu.memory_space<vmem>>, %arg7: memref<128x2048xf32, #tpu.memory_space<vmem>>, %arg8: memref<128x2048xf32, #tpu.memory_space<vmem>>) attributes {dimension_semantics = [#tpu.dimension_semantics<arbitrary>], iteration_bounds = array<i64: 5>, scalar_prefetch = 0 : i64, scratch_operands = 0 : i64, tpu.core_type = #tpu.core_type<tc>, window_params = [{transform_indices = @transform_0, window_bounds = array<i64: 2048, 128>}, {transform_indices = @transform_1, window_bounds = array<i64: 2048, 128>}, {pipeline_mode = #tpu.pipeline_mode<synchronous>, transform_indices = @transform_2, window_bounds = array<i64: 256, 128>}, {pipeline_mode = #tpu.pipeline_mode<synchronous>, transform_indices = @transform_3, window_bounds = array<i64: 128, 128>}, {pipeline_mode = #tpu.pipeline_mode<synchronous>, transform_indices = @transform_4, window_bounds = array<i64: 128, 128>}, {transform_indices = @transform_5, window_bounds = array<i64: 2048, 128>}, {transform_indices = @transform_6, window_bounds = array<i64: 128, 2048>}, {transform_indices = @transform_7, window_bounds = array<i64: 128, 2048>}]} {
    %get3A = arith.constant 0 : index
    %get3A_0 = arith.constant 0 : index
    %get3A_1 = vector.load %arg1[%get3A, %get3A_0] : memref<2048x128xf32, #tpu.memory_space<vmem>>, vector<2048x128xf32>
    %get3A_2 = arith.constant 0 : index
    %get3A_3 = arith.constant 0 : index
    %get3A_4 = vector.load %arg2[%get3A_2, %get3A_3] : memref<2048x128xf32, #tpu.memory_space<vmem>>, vector<2048x128xf32>
    %concatenate3A = tpu.concatenate %get3A_1, %get3A_4 in 1 : vector<2048x128xf32>, vector<2048x128xf32> -> vector<2048x256xf32>
    %get3A_5 = arith.constant 0 : index
    %get3A_6 = arith.constant 0 : index
    %get3A_7 = vector.load %arg3[%get3A_5, %get3A_6] : memref<256x128xf32, #tpu.memory_space<vmem>>, vector<256x128xf32>
    %dot_general3A = arith.constant dense<0.000000e+00> : vector<2048x128xf32>
    %dot_general3A_8 = tpu.matmul %concatenate3A, %get3A_7, %dot_general3A {dimension_numbers = #tpu.dot_dimension_numbers<[1], [0], [0], [1], [0, 0, 1, 1], [], []>, transpose_lhs_hint = false} : vector<2048x256xf32>, vector<256x128xf32>, vector<2048x128xf32> -> vector<2048x128xf32>
    %jit3A = arith.constant 0.00999999977 : f32
    %ge3A = arith.constant 0.000000e+00 : f32
    %ge3A_9 = vector.broadcast %ge3A : f32 to vector<2048x128xf32>
    %ge3A_10 = arith.cmpf oge, %dot_general3A_8, %ge3A_9 : vector<2048x128xf32>
    %mul3A = vector.broadcast %jit3A : f32 to vector<2048x128xf32>
    %mul3A_11 = arith.mulf %mul3A, %dot_general3A_8 : vector<2048x128xf32>
    %select_n3A = arith.select %ge3A_10, %dot_general3A_8, %mul3A_11 : vector<2048x128xi1>, vector<2048x128xf32>
    %swap3A = arith.constant 0 : index
    %swap3A_12 = arith.constant 0 : index
    %swap3A_13 = vector.load %arg6[%swap3A, %swap3A_12] : memref<2048x128xf32, #tpu.memory_space<vmem>>, vector<2048x128xf32>
    tpu.vector_store %arg6[%swap3A, %swap3A_12], %select_n3A {strides = array<i32>} : memref<2048x128xf32, #tpu.memory_space<vmem>>, vector<2048x128xf32>,
    %get3A_14 = arith.constant 0 : index
    %get3A_15 = arith.constant 0 : index
    %get3A_16 = vector.load %arg4[%get3A_14, %get3A_15] : memref<128x128xf32, #tpu.memory_space<vmem>>, vector<128x128xf32>
    %dot_general3A_17 = arith.constant dense<0.000000e+00> : vector<128x2048xf32>
    %dot_general3A_18 = tpu.matmul %get3A_16, %select_n3A, %dot_general3A_17 {dimension_numbers = #tpu.dot_dimension_numbers<[0], [1], [1], [0], [0, 1, 1, 0], [], []>, transpose_lhs_hint = false} : vector<128x128xf32>, vector<2048x128xf32>, vector<128x2048xf32> -> vector<128x2048xf32>
    %swap3A_19 = arith.constant 0 : index
    %swap3A_20 = arith.constant 0 : index
    %swap3A_21 = vector.load %arg7[%swap3A_19, %swap3A_20] : memref<128x2048xf32, #tpu.memory_space<vmem>>, vector<128x2048xf32>
    tpu.vector_store %arg7[%swap3A_19, %swap3A_20], %dot_general3A_18 {strides = array<i32>} : memref<128x2048xf32, #tpu.memory_space<vmem>>, vector<128x2048xf32>,
    %get3A_22 = arith.constant 0 : index
    %get3A_23 = arith.constant 0 : index
    %get3A_24 = vector.load %arg5[%get3A_22, %get3A_23] : memref<128x128xf32, #tpu.memory_space<vmem>>, vector<128x128xf32>
    %dot_general3A_25 = arith.constant dense<0.000000e+00> : vector<128x2048xf32>
    %dot_general3A_26 = tpu.matmul %get3A_24, %select_n3A, %dot_general3A_25 {dimension_numbers = #tpu.dot_dimension_numbers<[0], [1], [1], [0], [0, 1, 1, 0], [], []>, transpose_lhs_hint = false} : vector<128x128xf32>, vector<2048x128xf32>, vector<128x2048xf32> -> vector<128x2048xf32>
    %swap3A_27 = arith.constant 0 : index
    %swap3A_28 = arith.constant 0 : index
    %swap3A_29 = vector.load %arg8[%swap3A_27, %swap3A_28] : memref<128x2048xf32, #tpu.memory_space<vmem>>, vector<128x2048xf32>
    tpu.vector_store %arg8[%swap3A_27, %swap3A_28], %dot_general3A_26 {strides = array<i32>} : memref<128x2048xf32, #tpu.memory_space<vmem>>, vector<128x2048xf32>,
    return
  }
  func.func @transform_0(%arg0: i32) -> (i32, i32) {
    %c0_i32 = arith.constant 0 : i32
    %c0_i32_0 = arith.constant 0 : i32
    return %arg0, %c0_i32 : i32, i32
  }
  func.func @transform_1(%arg0: i32) -> (i32, i32) {
    %c0_i32 = arith.constant 0 : i32
    %c0_i32_0 = arith.constant 0 : i32
    return %arg0, %c0_i32 : i32, i32
  }
  func.func @transform_2(%arg0: i32) -> (i32, i32) {
    %c0_i32 = arith.constant 0 : i32
    %c0_i32_0 = arith.constant 0 : i32
    %c0_i32_1 = arith.constant 0 : i32
    return %c0_i32, %c0_i32_0 : i32, i32
  }
  func.func @transform_3(%arg0: i32) -> (i32, i32) {
    %c0_i32 = arith.constant 0 : i32
    %c0_i32_0 = arith.constant 0 : i32
    %c0_i32_1 = arith.constant 0 : i32
    return %c0_i32, %c0_i32_0 : i32, i32
  }
  func.func @transform_4(%arg0: i32) -> (i32, i32) {
    %c0_i32 = arith.constant 0 : i32
    %c0_i32_0 = arith.constant 0 : i32
    %c0_i32_1 = arith.constant 0 : i32
    return %c0_i32, %c0_i32_0 : i32, i32
  }
  func.func @transform_5(%arg0: i32) -> (i32, i32) {
    %c0_i32 = arith.constant 0 : i32
    %c0_i32_0 = arith.constant 0 : i32
    return %arg0, %c0_i32 : i32, i32
  }
  func.func @transform_6(%arg0: i32) -> (i32, i32) {
    %c0_i32 = arith.constant 0 : i32
    %c0_i32_0 = arith.constant 0 : i32
    return %c0_i32, %arg0 : i32, i32
  }
  func.func @transform_7(%arg0: i32) -> (i32, i32) {
    %c0_i32 = arith.constant 0 : i32
    %c0_i32_0 = arith.constant 0 : i32
    return %c0_i32, %arg0 : i32, i32
  }
}

module attributes {stable_mosaic.version = 14 : i64} {
  func.func @_edge_body(%arg0: i32, %arg1: memref<6400x16xf32, #tpu.memory_space<vmem>>, %arg2: memref<16x128xf32, #tpu.memory_space<vmem>>, %arg3: memref<128x128xf32, #tpu.memory_space<vmem>>, %arg4: memref<128x6400xf32, #tpu.memory_space<vmem>>) attributes {dimension_semantics = [#tpu.dimension_semantics<arbitrary>], iteration_bounds = array<i64: 50>, scalar_prefetch = 0 : i64, scratch_operands = 0 : i64, tpu.core_type = #tpu.core_type<tc>, window_params = [{transform_indices = @transform_0, window_bounds = array<i64: 6400, 16>}, {pipeline_mode = #tpu.pipeline_mode<synchronous>, transform_indices = @transform_1, window_bounds = array<i64: 16, 128>}, {pipeline_mode = #tpu.pipeline_mode<synchronous>, transform_indices = @transform_2, window_bounds = array<i64: 128, 128>}, {transform_indices = @transform_3, window_bounds = array<i64: 128, 6400>}]} {
    %get3A = arith.constant 0 : index
    %get3A_0 = arith.constant 0 : index
    %get3A_1 = vector.load %arg2[%get3A, %get3A_0] : memref<16x128xf32, #tpu.memory_space<vmem>>, vector<16x128xf32>
    %get3A_2 = arith.constant 0 : index
    %get3A_3 = arith.constant 0 : index
    %get3A_4 = vector.load %arg1[%get3A_2, %get3A_3] : memref<6400x16xf32, #tpu.memory_space<vmem>>, vector<6400x16xf32>
    %dot_general3A = arith.constant dense<0.000000e+00> : vector<128x6400xf32>
    %dot_general3A_5 = tpu.matmul %get3A_1, %get3A_4, %dot_general3A {dimension_numbers = #tpu.dot_dimension_numbers<[0], [1], [1], [0], [0, 1, 1, 0], [], []>, transpose_lhs_hint = false} : vector<16x128xf32>, vector<6400x16xf32>, vector<128x6400xf32> -> vector<128x6400xf32>
    %jit3A = arith.constant 0.00999999977 : f32
    %ge3A = arith.constant 0.000000e+00 : f32
    %ge3A_6 = vector.broadcast %ge3A : f32 to vector<128x6400xf32>
    %ge3A_7 = arith.cmpf oge, %dot_general3A_5, %ge3A_6 : vector<128x6400xf32>
    %mul3A = vector.broadcast %jit3A : f32 to vector<128x6400xf32>
    %mul3A_8 = arith.mulf %mul3A, %dot_general3A_5 : vector<128x6400xf32>
    %select_n3A = arith.select %ge3A_7, %dot_general3A_5, %mul3A_8 : vector<128x6400xi1>, vector<128x6400xf32>
    %get3A_9 = arith.constant 0 : index
    %get3A_10 = arith.constant 0 : index
    %get3A_11 = vector.load %arg3[%get3A_9, %get3A_10] : memref<128x128xf32, #tpu.memory_space<vmem>>, vector<128x128xf32>
    %dot_general3A_12 = arith.constant dense<0.000000e+00> : vector<128x6400xf32>
    %dot_general3A_13 = tpu.matmul %get3A_11, %select_n3A, %dot_general3A_12 {dimension_numbers = #tpu.dot_dimension_numbers<[0], [0], [1], [1], [0, 1, 1, 1], [], []>, transpose_lhs_hint = false} : vector<128x128xf32>, vector<128x6400xf32>, vector<128x6400xf32> -> vector<128x6400xf32>
    %swap3A = arith.constant 0 : index
    %swap3A_14 = arith.constant 0 : index
    %swap3A_15 = vector.load %arg4[%swap3A, %swap3A_14] : memref<128x6400xf32, #tpu.memory_space<vmem>>, vector<128x6400xf32>
    tpu.vector_store %arg4[%swap3A, %swap3A_14], %dot_general3A_13 {strides = array<i32>} : memref<128x6400xf32, #tpu.memory_space<vmem>>, vector<128x6400xf32>,
    return
  }
  func.func @transform_0(%arg0: i32) -> (i32, i32) {
    %c0_i32 = arith.constant 0 : i32
    %c0_i32_0 = arith.constant 0 : i32
    return %arg0, %c0_i32 : i32, i32
  }
  func.func @transform_1(%arg0: i32) -> (i32, i32) {
    %c0_i32 = arith.constant 0 : i32
    %c0_i32_0 = arith.constant 0 : i32
    %c0_i32_1 = arith.constant 0 : i32
    return %c0_i32, %c0_i32_0 : i32, i32
  }
  func.func @transform_2(%arg0: i32) -> (i32, i32) {
    %c0_i32 = arith.constant 0 : i32
    %c0_i32_0 = arith.constant 0 : i32
    %c0_i32_1 = arith.constant 0 : i32
    return %c0_i32, %c0_i32_0 : i32, i32
  }
  func.func @transform_3(%arg0: i32) -> (i32, i32) {
    %c0_i32 = arith.constant 0 : i32
    %c0_i32_0 = arith.constant 0 : i32
    return %c0_i32, %arg0 : i32, i32
  }
}

module attributes {stable_mosaic.version = 14 : i64} {
  func.func @_final_body(%arg0: i32, %arg1: memref<2048x128xf32, #tpu.memory_space<vmem>>, %arg2: memref<128x2048xf32, #tpu.memory_space<vmem>>, %arg3: memref<128x2048xf32, #tpu.memory_space<vmem>>, %arg4: memref<256x128xf32, #tpu.memory_space<vmem>>, %arg5: memref<256x128xf32, #tpu.memory_space<vmem>>, %arg6: memref<128x1xf32, #tpu.memory_space<vmem>>, %arg7: memref<2048x128xf32, #tpu.memory_space<vmem>>, %arg8: memref<2048x128xf32, #tpu.memory_space<vmem>>, %arg9: memref<1x1xf32, #tpu.memory_space<vmem>>, %arg10: memref<1x128xf32, #tpu.memory_space<vmem>>) attributes {dimension_semantics = [#tpu.dimension_semantics<arbitrary>], iteration_bounds = array<i64: 5>, scalar_prefetch = 0 : i64, scratch_operands = 1 : i64, tpu.core_type = #tpu.core_type<tc>, window_params = [{transform_indices = @transform_0, window_bounds = array<i64: 2048, 128>}, {transform_indices = @transform_1, window_bounds = array<i64: 128, 2048>}, {transform_indices = @transform_2, window_bounds = array<i64: 128, 2048>}, {pipeline_mode = #tpu.pipeline_mode<synchronous>, transform_indices = @transform_3, window_bounds = array<i64: 256, 128>}, {pipeline_mode = #tpu.pipeline_mode<synchronous>, transform_indices = @transform_4, window_bounds = array<i64: 256, 128>}, {pipeline_mode = #tpu.pipeline_mode<synchronous>, transform_indices = @transform_5, window_bounds = array<i64: 128, 1>}, {transform_indices = @transform_6, window_bounds = array<i64: 2048, 128>}, {transform_indices = @transform_7, window_bounds = array<i64: 2048, 128>}, {pipeline_mode = #tpu.pipeline_mode<synchronous>, transform_indices = @transform_8, window_bounds = array<i64: 1, 1>}]} {
    %get3A = arith.constant 0 : index
    %get3A_0 = arith.constant 0 : index
    %get3A_1 = vector.load %arg2[%get3A, %get3A_0] : memref<128x2048xf32, #tpu.memory_space<vmem>>, vector<128x2048xf32>
    %is_finite3A = tpu.weird %get3A_1 : vector<128x2048xf32> -> vector<128x2048xi1>
    %is_finite3A_2 = arith.constant dense<true> : vector<128x2048xi1>
    %is_finite3A_3 = arith.xori %is_finite3A, %is_finite3A_2 : vector<128x2048xi1>
    %get3A_4 = arith.constant 0 : index
    %get3A_5 = arith.constant 0 : index
    %get3A_6 = vector.load %arg3[%get3A_4, %get3A_5] : memref<128x2048xf32, #tpu.memory_space<vmem>>, vector<128x2048xf32>
    %add3A = arith.addf %get3A_1, %get3A_6 : vector<128x2048xf32>
    %jit3A = arith.constant 0.00999999977 : f32
    %ge3A = arith.constant 0.000000e+00 : f32
    %ge3A_7 = vector.broadcast %ge3A : f32 to vector<128x2048xf32>
    %ge3A_8 = arith.cmpf oge, %add3A, %ge3A_7 : vector<128x2048xf32>
    %mul3A = vector.broadcast %jit3A : f32 to vector<128x2048xf32>
    %mul3A_9 = arith.mulf %mul3A, %add3A : vector<128x2048xf32>
    %select_n3A = arith.select %ge3A_8, %add3A, %mul3A_9 : vector<128x2048xi1>, vector<128x2048xf32>
    %jit3A_10 = arith.constant 0.000000e+00 : f32
    %broadcast_in_dim3A = vector.broadcast %jit3A_10 : f32 to vector<128x2048xf32>
    %select_n3A_11 = arith.select %is_finite3A_3, %select_n3A, %broadcast_in_dim3A : vector<128x2048xi1>, vector<128x2048xf32>
    %get3A_12 = arith.constant 0 : index
    %get3A_13 = arith.constant 0 : index
    %get3A_14 = vector.load %arg1[%get3A_12, %get3A_13] : memref<2048x128xf32, #tpu.memory_space<vmem>>, vector<2048x128xf32>
    %get3A_15 = arith.constant 0 : index
    %get3A_16 = arith.constant 0 : index
    %get3A_17 = vector.load %arg4[%get3A_15, %get3A_16] : memref<256x128xf32, #tpu.memory_space<vmem>>, vector<128x128xf32>
    %dot_general3A = arith.constant dense<0.000000e+00> : vector<128x2048xf32>
    %dot_general3A_18 = tpu.matmul %get3A_17, %get3A_14, %dot_general3A {dimension_numbers = #tpu.dot_dimension_numbers<[0], [1], [1], [0], [0, 1, 1, 0], [], []>, transpose_lhs_hint = false} : vector<128x128xf32>, vector<2048x128xf32>, vector<128x2048xf32> -> vector<128x2048xf32>
    %get3A_19 = arith.constant 128 : index
    %get3A_20 = arith.constant 0 : index
    %get3A_21 = vector.load %arg4[%get3A_19, %get3A_20] : memref<256x128xf32, #tpu.memory_space<vmem>>, vector<128x128xf32>
    %dot_general3A_22 = arith.constant dense<0.000000e+00> : vector<128x2048xf32>
    %dot_general3A_23 = tpu.matmul %get3A_21, %select_n3A_11, %dot_general3A_22 {dimension_numbers = #tpu.dot_dimension_numbers<[0], [0], [1], [1], [0, 1, 1, 1], [], []>, transpose_lhs_hint = false} : vector<128x128xf32>, vector<128x2048xf32>, vector<128x2048xf32> -> vector<128x2048xf32>
    %add3A_24 = arith.addf %dot_general3A_18, %dot_general3A_23 : vector<128x2048xf32>
    %jit3A_25 = arith.constant 0.00999999977 : f32
    %ge3A_26 = arith.constant 0.000000e+00 : f32
    %ge3A_27 = vector.broadcast %ge3A_26 : f32 to vector<128x2048xf32>
    %ge3A_28 = arith.cmpf oge, %add3A_24, %ge3A_27 : vector<128x2048xf32>
    %mul3A_29 = vector.broadcast %jit3A_25 : f32 to vector<128x2048xf32>
    %mul3A_30 = arith.mulf %mul3A_29, %add3A_24 : vector<128x2048xf32>
    %select_n3A_31 = arith.select %ge3A_28, %add3A_24, %mul3A_30 : vector<128x2048xi1>, vector<128x2048xf32>
    %transpose3A = tpu.transpose %select_n3A_31, [1, 0] : vector<128x2048xf32> -> vector<2048x128xf32>
    %swap3A = arith.constant 0 : index
    %swap3A_32 = arith.constant 0 : index
    %swap3A_33 = vector.load %arg8[%swap3A, %swap3A_32] : memref<2048x128xf32, #tpu.memory_space<vmem>>, vector<2048x128xf32>
    tpu.vector_store %arg8[%swap3A, %swap3A_32], %transpose3A {strides = array<i32>} : memref<2048x128xf32, #tpu.memory_space<vmem>>, vector<2048x128xf32>,
    %get3A_34 = arith.constant 0 : index
    %get3A_35 = arith.constant 0 : index
    %get3A_36 = vector.load %arg5[%get3A_34, %get3A_35] : memref<256x128xf32, #tpu.memory_space<vmem>>, vector<128x128xf32>
    %dot_general3A_37 = arith.constant dense<0.000000e+00> : vector<2048x128xf32>
    %dot_general3A_38 = tpu.matmul %get3A_14, %get3A_36, %dot_general3A_37 {dimension_numbers = #tpu.dot_dimension_numbers<[1], [0], [0], [1], [0, 0, 1, 1], [], []>, transpose_lhs_hint = false} : vector<2048x128xf32>, vector<128x128xf32>, vector<2048x128xf32> -> vector<2048x128xf32>
    %get3A_39 = arith.constant 128 : index
    %get3A_40 = arith.constant 0 : index
    %get3A_41 = vector.load %arg5[%get3A_39, %get3A_40] : memref<256x128xf32, #tpu.memory_space<vmem>>, vector<128x128xf32>
    %dot_general3A_42 = arith.constant dense<0.000000e+00> : vector<2048x128xf32>
    %dot_general3A_43 = tpu.matmul %transpose3A, %get3A_41, %dot_general3A_42 {dimension_numbers = #tpu.dot_dimension_numbers<[1], [0], [0], [1], [0, 0, 1, 1], [], []>, transpose_lhs_hint = false} : vector<2048x128xf32>, vector<128x128xf32>, vector<2048x128xf32> -> vector<2048x128xf32>
    %add3A_44 = arith.addf %dot_general3A_38, %dot_general3A_43 : vector<2048x128xf32>
    %swap3A_45 = arith.constant 0 : index
    %swap3A_46 = arith.constant 0 : index
    %swap3A_47 = vector.load %arg7[%swap3A_45, %swap3A_46] : memref<2048x128xf32, #tpu.memory_space<vmem>>, vector<2048x128xf32>
    tpu.vector_store %arg7[%swap3A_45, %swap3A_46], %add3A_44 {strides = array<i32>} : memref<2048x128xf32, #tpu.memory_space<vmem>>, vector<2048x128xf32>,
    %reduce_sum3A = arith.constant dense<0.000000e+00> : vector<128xf32>
    %reduce_sum3A_48 = vector.multi_reduction <add>, %transpose3A, %reduce_sum3A [0] : vector<2048x128xf32> to vector<128xf32>
    %broadcast_in_dim3A_49 = vector.shape_cast %reduce_sum3A_48 : vector<128xf32> to vector<1x128xf32>
    %eq3A = arith.constant 0 : i32
    %eq3A_50 = arith.cmpi eq, %arg0, %eq3A : i32
    %convert_element_type3A = arith.extui %eq3A_50 : i1 to i32
    %cond3A = arith.constant 0 : i32
    %cond3A_51 = arith.cmpi ne, %convert_element_type3A, %cond3A : i32
    scf.if %cond3A_51 {
      %swap3A_61 = arith.constant 0 : index
      %swap3A_62 = arith.constant 0 : index
      %swap3A_63 = vector.load %arg10[%swap3A_61, %swap3A_62] : memref<1x128xf32, #tpu.memory_space<vmem>>, vector<1x128xf32>
      tpu.vector_store %arg10[%swap3A_61, %swap3A_62], %broadcast_in_dim3A_49 {strides = array<i32>} : memref<1x128xf32, #tpu.memory_space<vmem>>, vector<1x128xf32>,
    } else {
    }
    %gt3A = arith.constant 0 : i32
    %gt3A_52 = arith.cmpi sgt, %arg0, %gt3A : i32
    %convert_element_type3A_53 = arith.extui %gt3A_52 : i1 to i32
    %cond3A_54 = arith.constant 0 : i32
    %cond3A_55 = arith.cmpi ne, %convert_element_type3A_53, %cond3A_54 : i32
    scf.if %cond3A_55 {
      %get3A_61 = arith.constant 0 : index
      %get3A_62 = arith.constant 0 : index
      %get3A_63 = vector.load %arg10[%get3A_61, %get3A_62] : memref<1x128xf32, #tpu.memory_space<vmem>>, vector<1x128xf32>
      %add3A_64 = arith.addf %get3A_63, %broadcast_in_dim3A_49 : vector<1x128xf32>
      %swap3A_65 = arith.constant 0 : index
      %swap3A_66 = arith.constant 0 : index
      %swap3A_67 = vector.load %arg10[%swap3A_65, %swap3A_66] : memref<1x128xf32, #tpu.memory_space<vmem>>, vector<1x128xf32>
      tpu.vector_store %arg10[%swap3A_65, %swap3A_66], %add3A_64 {strides = array<i32>} : memref<1x128xf32, #tpu.memory_space<vmem>>, vector<1x128xf32>,
    } else {
    }
    %eq3A_56 = arith.constant 4 : i32
    %eq3A_57 = arith.cmpi eq, %arg0, %eq3A_56 : i32
    %convert_element_type3A_58 = arith.extui %eq3A_57 : i1 to i32
    %cond3A_59 = arith.constant 0 : i32
    %cond3A_60 = arith.cmpi ne, %convert_element_type3A_58, %cond3A_59 : i32
    scf.if %cond3A_60 {
      %get3A_61 = arith.constant 0 : index
      %get3A_62 = arith.constant 0 : index
      %get3A_63 = vector.load %arg10[%get3A_61, %get3A_62] : memref<1x128xf32, #tpu.memory_space<vmem>>, vector<1x128xf32>
      %div3A = arith.constant 1.000000e+04 : f32
      %div3A_64 = vector.broadcast %div3A : f32 to vector<1x128xf32>
      %div3A_65 = arith.divf %get3A_63, %div3A_64 : vector<1x128xf32>
      %get3A_66 = arith.constant 0 : index
      %get3A_67 = arith.constant 0 : index
      %get3A_68 = vector.load %arg6[%get3A_66, %get3A_67] : memref<128x1xf32, #tpu.memory_space<vmem>>, vector<128x1xf32>
      %dot_general3A_69 = arith.constant dense<0.000000e+00> : vector<1x1xf32>
      %dot_general3A_70 = tpu.matmul %div3A_65, %get3A_68, %dot_general3A_69 {dimension_numbers = #tpu.dot_dimension_numbers<[1], [0], [0], [1], [0, 0, 1, 1], [], []>, transpose_lhs_hint = false} : vector<1x128xf32>, vector<128x1xf32>, vector<1x1xf32> -> vector<1x1xf32>
      %swap3A_71 = arith.constant 0 : index
      %swap3A_72 = arith.constant 0 : index
      %swap3A_73 = vector.load %arg9[%swap3A_71, %swap3A_72] : memref<1x1xf32, #tpu.memory_space<vmem>>, vector<1x1xf32>
      tpu.vector_store %arg9[%swap3A_71, %swap3A_72], %dot_general3A_70 {strides = array<i32>} : memref<1x1xf32, #tpu.memory_space<vmem>>, vector<1x1xf32>,
    } else {
    }
    return
  }
  func.func @transform_0(%arg0: i32) -> (i32, i32) {
    %c0_i32 = arith.constant 0 : i32
    %c0_i32_0 = arith.constant 0 : i32
    return %arg0, %c0_i32 : i32, i32
  }
  func.func @transform_1(%arg0: i32) -> (i32, i32) {
    %c0_i32 = arith.constant 0 : i32
    %c0_i32_0 = arith.constant 0 : i32
    return %c0_i32, %arg0 : i32, i32
  }
  func.func @transform_2(%arg0: i32) -> (i32, i32) {
    %c0_i32 = arith.constant 0 : i32
    %c0_i32_0 = arith.constant 0 : i32
    return %c0_i32, %arg0 : i32, i32
  }
  func.func @transform_3(%arg0: i32) -> (i32, i32) {
    %c0_i32 = arith.constant 0 : i32
    %c0_i32_0 = arith.constant 0 : i32
    %c0_i32_1 = arith.constant 0 : i32
    return %c0_i32, %c0_i32_0 : i32, i32
  }
  func.func @transform_4(%arg0: i32) -> (i32, i32) {
    %c0_i32 = arith.constant 0 : i32
    %c0_i32_0 = arith.constant 0 : i32
    %c0_i32_1 = arith.constant 0 : i32
    return %c0_i32, %c0_i32_0 : i32, i32
  }
  func.func @transform_5(%arg0: i32) -> (i32, i32) {
    %c0_i32 = arith.constant 0 : i32
    %c0_i32_0 = arith.constant 0 : i32
    %c0_i32_1 = arith.constant 0 : i32
    return %c0_i32, %c0_i32_0 : i32, i32
  }
  func.func @transform_6(%arg0: i32) -> (i32, i32) {
    %c0_i32 = arith.constant 0 : i32
    %c0_i32_0 = arith.constant 0 : i32
    return %arg0, %c0_i32 : i32, i32
  }
  func.func @transform_7(%arg0: i32) -> (i32, i32) {
    %c0_i32 = arith.constant 0 : i32
    %c0_i32_0 = arith.constant 0 : i32
    return %arg0, %c0_i32 : i32, i32
  }
  func.func @transform_8(%arg0: i32) -> (i32, i32) {
    %c0_i32 = arith.constant 0 : i32
    %c0_i32_0 = arith.constant 0 : i32
    %c0_i32_1 = arith.constant 0 : i32
    return %c0_i32, %c0_i32_0 : i32, i32
  }
}

</mosaic_0001>

<sc_bundles>
// kernel: kernel.6.cloned.1.call-start
scs
__scs_entry_jumppad:
0x0: {  	(pc) =	sbr.rel $0x88, $3  }
0x1: {  	(tag) =	ssettag $0x0;
	lr =	simm.s32 $0x1  }
0x2: {  	[smem:$0x3F97] =	sst lr;
	_ =	strace $0xD0000000  }
0x3: {  	_ = 	snop  }
0x4: {  	_ = 	snop  }
0x5: {  	_ = 	snop  }
0x6: {  	_ = 	snop  }
0x7: {  	_ = 	snop  }
__scs_overlays_trampoline_lowered:
0x8: {  	[smem:$0x3FA6] =	sst s0  }
0x9: {  	[smem:$0x3FA7] =	sst s1  }
0xa: {  	[smem:$0x3FA8] =	sst s2  }
0xb: {  	[smem:$0x3FA9] =	sst s3  }
0xc: {  	[smem:$0x3FAA] =	sst s4  }
0xd: {  	[smem:$0x3FAB] =	sst s5  }
0xe: {  	[smem:$0x3FAC] =	sst s6  }
0xf: {  	[smem:$0x3FAD] =	sst s7  }
0x10: {  	[smem:$0x3FAE] =	sst s8  }
0x11: {  	[smem:$0x3FAF] =	sst s9;
	s0 =	simm.s32 @!p0 $0x0  }
0x12: {  	s1 =	sld [smem:$0x3F95];
	s0 =	simm.s32 @p0 $0x1  }
0x13: {  	[smem:$0x3FB0] =	sst s0;
	s0 =	simm.s32 @!p1 $0x0  }
0x14: {  	s2 =	sld [smem:$0x3F94];
	s0 =	simm.s32 @p1 $0x1  }
0x15: {  	[smem:$0x3FB1] =	sst s0;
	s0 =	simm.s32 @!p2 $0x0  }
0x16: {  	s3 =	sld [smem:$0x3FDB];
	s0 =	simm.s32 @p2 $0x1  }
0x17: {  	s4 =	simm.s32 $0x1BF5;
	[smem:$0x3FB3] =	sst s0  }
0x18: {  	s0 =	sld [smem:$0x3F96];
	_ =	swait.ge [sflag:s4], $0x0  }
0x19: {  	s7 =	sld [smem:$0x3F97]  }
0x1a: {  	s8 =	sadd.s32 $0xFFFFE003, lr  }
0x1b: {  	s9 =	sadd.s32 $0xFFFFFEF7, lr;
	s5 =	simm.s32 $0xFFFFFFFF;
	p2 =	slt.u32 s8, $0xFFFFF086  }
0x1c: {  	p1 =	slt.u32 s9, $0xF7A;
	s5 =	simm.s32 @!p2 $0x0  }
0x1d: {  	s5 =	simm.s32 @p1 $0x1;
	p0 =	seq.s32 s7, s2  }
0x1e: {  	s7 =	smul.u32 @!p0 $0xF7A, s2;
	p2 =	seq.s32 @!p0 s5, $0x0  }
0x1f: {  	s9 =	smul.u32 $0xF7A, s1;
	s8 =	simm.s32 @!p0 $0x1BF5;
	p2 =	por !p2, p0  }
0x20: {  	[sflag:s8] =	ssyncset.s32 @!p0 $0xFFFFF086;
	s6 =	sadd.s32 @!p0 s3, s7;
	s7 =	simm.s32 @!p0 $0x108  }
0x21: {  	s3 =	sadd.s32 s3, s9;
	s6 =	sadd.s32 @!p0 $0x88, s6;
	s7 =	simm.s32 @p2 $0x1082  }
0x22: {  	[simem:s7], [sflag:s8] =	dma.local @!p0 [hbm:s6], $0xF7A  }
0x23: {  	s9 =	sor.u32 $0xD0000000, s2;
	s6 =	simm.s32 $0x108;
	_ =	swait.ge @!p0 [sflag:s8], $0x0  }
0x24: {  	s3 =	sadd.s32 $0x88, s3;
	s6 =	simm.s32 @!p1 $0x1082;
	[sflag:s4] =	ssyncset.s32 $0xFFFFF086  }
0x25: {  	[simem:s6], [sflag:s4] =	dma.local [hbm:s3], $0xF7A  }
0x26: {  	[smem:$0x3F97] =	sst s1;
	(tag) =	ssettag s2;
	_ =	strace s9  }
0x27: {  	s1 =	sld [smem:$0x3FA7]  }
0x28: {  	s2 =	sld [smem:$0x3FA8]  }
0x29: {  	s4 =	sld [smem:$0x3FAA]  }
0x2a: {  	p0 =	seq.s32 s5, $0x0;
	s5 =	sld [smem:$0x3FAB]  }
0x2b: {  	s6 =	sld [smem:$0x3FAC]  }
0x2c: {  	s7 =	sld [smem:$0x3FAD]  }
0x2d: {  	s3 =	simm.s32 $0x108;
	s8 =	sld [smem:$0x3FAE]  }
0x2e: {  	s3 =	simm.s32 @!p0 $0x1082;
	s9 =	sld [smem:$0x3FAF]  }
0x2f: {  	lr =	sadd.s32 s0, s3;
	s0 =	sld [smem:$0x3FA6]  }
0x30: {  	s3 =	sld [smem:$0x3FA9]  }
0x31: {  	[smem:$0x3FB2] =	sst s10  }
0x32: {  	s10 =	sld [smem:$0x3FB0];
	_ =	sdelay $0x3  }
0x33: {  	p0 =	seq.s32 s10, $0x1;
	s10 =	sld [smem:$0x3FB2];
	_ =	sdelay $0x3  }
0x34: {  	[smem:$0x3FB2] =	sst s10  }
0x35: {  	s10 =	sld [smem:$0x3FB1];
	_ =	sdelay $0x3  }
0x36: {  	p1 =	seq.s32 s10, $0x1;
	s10 =	sld [smem:$0x3FB2];
	_ =	sdelay $0x3  }
0x37: {  	[smem:$0x3FB2] =	sst s10  }
0x38: {  	s10 =	sld [smem:$0x3FB3]  }
0x39: {  	_ = 	snop;
	(pc) =	sbr.ind lr, $3  }
0x3a: {  	_ = 	snop  }
0x3b: {  	_ = 	snop  }
0x3c: {  	p2 =	seq.s32 s10, $0x1;
	s10 =	sld [smem:$0x3FB2]  }
0x3d: {  	_ =	shalt  }
0x3e: {  	_ =	shalt  }
0x3f: {  	_ =	shalt  }
0x40: {  	_ =	shalt  }
0x41: {  	_ =	shalt  }
0x42: {  	_ =	shalt  }
0x43: {  	_ =	shalt  }
0x44: {  	_ =	shalt  }
0x45: {  	_ =	shalt  }
0x46: {  	_ =	shalt  }
0x47: {  	_ =	shalt  }
0x48: {  	_ =	shalt  }
0x49: {  	_ =	shalt  }
0x4a: {  	_ =	shalt  }
0x4b: {  	_ =	shalt  }
0x4c: {  	_ =	shalt  }
0x4d: {  	_ =	shalt  }
0x4e: {  	_ =	shalt  }
0x4f: {  	_ =	shalt  }
0x50: {  	_ =	shalt  }
0x51: {  	_ =	shalt  }
0x52: {  	_ =	shalt  }
0x53: {  	_ =	shalt  }
0x54: {  	_ =	shalt  }
0x55: {  	_ =	shalt  }
0x56: {  	_ =	shalt  }
0x57: {  	_ =	shalt  }
0x58: {  	_ =	shalt  }
0x59: {  	_ =	shalt  }
0x5a: {  	_ =	shalt  }
0x5b: {  	_ =	shalt  }
0x5c: {  	_ =	shalt  }
0x5d: {  	_ =	shalt  }
0x5e: {  	_ =	shalt  }
0x5f: {  	_ =	shalt  }
0x60: {  	_ =	shalt  }
0x61: {  	_ =	shalt  }
0x62: {  	_ =	shalt  }
0x63: {  	_ =	shalt  }
0x64: {  	_ =	shalt  }
0x65: {  	_ =	shalt  }
0x66: {  	_ =	shalt  }
0x67: {  	_ =	shalt  }
0x68: {  	_ =	shalt  }
0x69: {  	_ =	shalt  }
0x6a: {  	_ =	shalt  }
0x6b: {  	_ =	shalt  }
0x6c: {  	_ =	shalt  }
0x6d: {  	_ =	shalt  }
0x6e: {  	_ =	shalt  }
0x6f: {  	_ =	shalt  }
0x70: {  	_ =	shalt  }
0x71: {  	_ =	shalt  }
0x72: {  	_ =	shalt  }
0x73: {  	_ =	shalt  }
0x74: {  	_ =	shalt  }
0x75: {  	_ =	shalt  }
0x76: {  	_ =	shalt  }
0x77: {  	_ =	shalt  }
0x78: {  	_ =	shalt  }
0x79: {  	_ =	shalt  }
0x7a: {  	_ =	shalt  }
0x7b: {  	_ =	shalt  }
0x7c: {  	_ =	shalt  }
0x7d: {  	_ =	shalt  }
0x7e: {  	_ =	shalt  }
0x7f: {  	_ =	shalt  }
0x80: {  	_ =	shalt  }
0x81: {  	_ =	shalt  }
0x82: {  	_ =	shalt  }
0x83: {  	_ =	shalt  }
0x84: {  	_ =	shalt  }
0x85: {  	_ =	shalt  }
0x86: {  	_ =	shalt  }
0x87: {  	_ =	shalt  }
.Lfunc_end0:
.L_simem_size_0:
called_computation_lowered:
.L_overlay_start_0:
0x88: {  	s2 =	sld [smem:$0x3FD9]  }
0x89: {  	s3 =	sld [smem:$0x3FFE];
	_ =	sdelay $0x1  }
0x8a: {  	s1 =	srdreg.scid  }
0x8b: {  	s0 =	sand.u32 $0x1, s1  }
0x8c: {  	s14 =	sshll.u32 s0, $0xA;
	s2 =	sadd.s32 s3, s2  }
0x8d: {  	s2 =	sadd.s32 s2, s14  }
0x8e: {  	[smem:$0x3FBE] =	sst s2  }
0x8f: {  	_ = 	snop  }
0x90: {  	s2 =	sld [smem:$0x3FD0];
	_ =	sdelay $0x2  }
0x91: {  	s15 =	simm.s32 $0xA;
	s4 =	simm.s32 $0x10  }
0x92: {  	[smem:s4], [sflag:s15] =	dma.local [hbm:s2], $0x1  }
0x93: {  	_ =	swait.eq [sflag:s15], $0x1  }
0x94: {  	[sflag:s15] =	ssyncset.done $0x0  }
0x95: {  	s16 =	sld [smem:$0x10];
	[sflag:s15] =	ssyncadd.s32 $0xFFFFFFFF  }
0x96: {  	s17 =	sld [smem:$0x11];
	(tm) =	ssettm $0x1  }
0x97: {  	s18 =	sld [smem:$0x3FFB];
	_ =	sdelay $0x3  }
0x98: {  	_ =	strace s18  }
0x99: {  	s4 =	sld [smem:$0x3FFC];
	_ =	sdelay $0x3  }
0x9a: {  	_ =	strace s4  }
0x9b: {  	s4 =	sld [smem:$0x3FFD];
	_ =	sdelay $0x3  }
0x9c: {  	_ =	strace s4  }
0x9d: {  	_ =	strace $0x8FFFFFFF  }
0x9e: {  	s19 =	sld [smem:$0x3FDB];
	_ =	sdelay $0x1  }
0x9f: {  	s5 =	simm.s32 $_scs_section_size  }
0xa0: {  	s6 =	simm.s32 $_size__tile_overlayer_lowered;
	s7 =	simm.s32 $_tile_overlayer_lowered  }
0xa1: {  	s22 =	simm.s32 $0x1BFF;
	s21 =	sshll.u32 s7, $0x1;
	s4 =	sadd.s32 s5, s19  }
0xa2: {  	s8 =	simm.s32 $0x0;
	s20 =	sshll.u32 s6, $0x1;
	s6 =	sadd.s32 s21, s4  }
0xa3: {  	[timem:s8], [sflag:s22] =	dma.local [hbm:s6], s20  }
0xa4: {  	_ =	swait.ge [sflag:s22], s20  }
0xa5: {  	s5 =	ssub.s32 $0x0, s20;
	[sflag:s22] =	ssyncset.done $0x0  }
0xa6: {  	[sflag:s22] =	ssyncadd.s32 s5;
	_ =	sdelay $0x1  }
0xa7: {  	s23 =	simm.s32 $0x1B8B  }
0xa8: {  	_ =	swait.ge [sflag:s23], $0x1  }
0xa9: {  	[sflag:s23] =	ssyncset.done $0x0  }
0xaa: {  	s25 =	simm.s32 $0x1B8E;
	s24 =	sld [smem:$0x3FFE];
	[sflag:s23] =	ssyncadd.s32 $0xFFFFFFFF  }
0xab: {  	s26 =	simm.s32 $execute0_lowered;
	[smem:$0x3FD2] =	sst s25  }
0xac: {  	s6 =	sshll.u32 s26, $0x1;
	_ =	strace $0x80000046;
	[dreg:$0x1] =	wrdreg $0xFFFFFFFF  }
0xad: {  	s28 =	simm.s32 $_size_execute0_lowered;
	s4 =	sadd.s32 s4, s6;
	[dreg:$0x0] =	wrdreg $0x0  }
0xae: {  	s6 =	sshll.u32 s28, $0x1;
	[dreg:$0x2] =	wrdreg s4  }
0xaf: {  	[dreg:$0x3] =	wrdreg s6  }
0xb0: {  	[dreg:$0x4] =	wrdreg $0xC0  }
0xb1: {  	_ =	task [dreg:s8], $0x5FFFF  }
0xb2: {  	[dreg:$0x1] =	wrdreg $0xFFFFFFFF  }
0xb3: {  	[dreg:$0x0] =	wrdreg $0x60  }
0xb4: {  	[dreg:$0x2] =	wrdreg s24  }
0xb5: {  	[dreg:$0x3] =	wrdreg s16  }
0xb6: {  	[dreg:$0x4] =	wrdreg s17  }
0xb7: {  	[dreg:$0x5] =	wrdreg $0x9  }
0xb8: {  	_ =	task.clear_ibuf [dreg:s8], $0x6FFFF;
	_ =	strace $0x90000046  }
0xb9: {  	s29 =	simm.s32 $0x9;
	_ =	strace $0x80000048  }
0xba: {  	_ =	swait.ge [sflag:s29], $0x1  }
0xbb: {  	[sflag:s29] =	ssyncadd.s32 $0xFFFFFFFF  }
0xbc: {  	_ =	strace $0x90000048  }
0xbd: {  	_ =	sfence  }
0xbe: {  	s30 =	sld [smem:$0x0];
	_ =	sdelay $0x2  }
0xbf: {  	s31 =	sshll.u32 s1, $0xD;
	s1 =	sshrl.u32 s1, $0x2  }
0xc0: {  	s3 =	sand.u32 $0x4000, s31;
	s1 =	sadd.s32 s1, s30  }
0xc1: {  	s0 =	sor.u32 s3, s0;
	s1 =	sshll.u32 s1, $0x11  }
0xc2: {  	s0 =	sor.u32 s1, s0  }
0xc3: {  	s0 =	sadd.s32 $0x8F2B, s0  }
0xc4: {  	[sflag:s0] =	ssyncadd.remote.s32 $0x1  }
0xc5: {  	_ =	sfence.sel $0xFFFF  }
0xc6: {  	[dreg:$0x0] =	wrdreg $0xFFFFFFFF;
	(pc) =	sbr.abs _section_cstart, $3  }
0xc7: {  	[dreg:$0x1] =	wrdreg $0xFFFFFFFF  }
0xc8: {  	_ =	task.clear_ibuf [dreg:s8], $0x2FFFF;
	_ =	strace $0x9FFFFFFF  }
0xc9: {  	(tm) =	ssettm $0x7FFFFFFF  }
tec
execute0_lowered:
.L_overlay_start_1:
0x0: {  	(tag) =	ssettag $0x1  }
0x1: {  	s0 =	rddreg [dreg:$0x0]  }
0x2: {  	s1 =	srdreg.scid;
	s3 =	stileid.u32  }
0x3: {  	s2 =	rddreg [dreg:$0x1];
	s1 =	sand.u32 $0x1, s1;
	s4 =	sshll.u32 s3, $0x1  }
0x4: {  	s28 =	simm.s32 $0x1;
	s29 =	simm.s32 $0x2;
	s6 =	sor.u32 s1, s4  }
0x5: {  	s30 =	simm.s32 $0x3;
	s3 =	rddreg [dreg:$0x2];
	s7 =	smul.u32 $0x1400, s6  }
0x6: {  	s5 =	sshll.u32 s6, $0x2;
	s13 =	sshllo.u32 s6, $0x2;
	s6 =	smul.u32 $0x138800, s6  }
0x7: {  	s12 =	sadd.s32 $0x52200, s0;
	s4 =	simm.s32 $0x0;
	s15 =	smul.u32 $0x500, s13  }
0x8: {  	s1 =	ssub.s32 $0x2, s1;
	s8 =	sor.u32 $0x1, s5;
	s13 =	smul.u32 $0x4E200, s13  }
0x9: {  	v0 =	vimm.s32 $0xEDCBA987;
	[smem:$0x7FF] =	sst s4;
	s10 =	sor.u32 $0x2, s5;
	s9 =	smul.u32 $0x500, s8  }
0xa: {  	v1 =	vimm.s32 $0x65432100;
	s11 =	sshrl.u32 s1, $0x1;
	_ =	strace $0x80000047;
	s14 =	smul.u32 $0x500, s10  }
0xb: {  	v2 =	vimm.s32 $0xDCBA9876;
	v0 =	vunpack.c.l.s4.s8 v0;
	s5 =	sadd.s32 $0x7A200, s0;
	s0 =	sadd.s32 $0x55C200, s0;
	s8 =	smul.u32 $0x4E200, s8  }
0xc: {  	v3 =	vimm.s32 $0x54321000;
	v1 =	vunpack.c.l.s4.s8 v1;
	v2 =	vunpack.c.l.s4.s8 v2;
	s1 =	ssub.s32 s1, s11;
	s16 =	sadd.s32 s12, s7;
	s11 =	smul.u32 $0x4E200, s10  }
0xd: {  	v3 =	vunpack.c.l.s4.s8 v3;
	v0 =	vunpack.c.0.s8.s32 v0;
	s20 =	sshrl.u32 s6, $0x3;
	s7 =	sadd.s32 s0, s7;
	[dreg:$0x4] =	wrdreg s16  }
0xe: {  	v5 =	vimm.s32 $0xFFEDCBA9;
	v1 =	vunpack.c.0.s8.s32 v1;
	v2 =	vunpack.c.0.s8.s32 v2;
	s31 =	smax.u32 s1, $0x1;
	s19 =	sadd.s32 s12, s15;
	[dreg:$0xc] =	wrdreg s7  }
0xf: {  	v6 =	vimm.s32 $0x87654321;
	v3 =	vunpack.c.0.s8.s32 v3;
	v0 =	vand.u32 $0xF, v0;
	s10 =	sadd.s32 s5, s20;
	s24 =	sshrl.u32 s13, $0x3;
	[dreg:$0x10] =	wrdreg s31  }
0x10: {  	vm0 =	vcmask $0x3F04;
	v0 =	vcombine.low v1, v0;
	v1 =	vand.u32 $0xF, v2;
	s7 =	simm.s32 $0x18750;
	s16 =	simm.s32 $0x11800;
	[dreg:$0x7] =	wrdreg s19  }
0x11: {  	v2 =	vimm.s32 $0x32100000;
	s17 =	sadd.s32 s12, s9;
	s18 =	sadd.s32 s12, s14;
	[dreg:$0x8] =	wrdreg s10;
	v1 =	vcombine.low v3, v1;
	v3 =	vimm.s32 $0xBA987654  }
0x12: {  	s21 =	sshrl.u32 s8, $0x3;
	s22 =	sshrl.u32 s11, $0x3;
	s25 =	sadd.s32 s0, s9;
	v4 =	vunpack.c.l.s4.s8 v2;
	v2 =	vunpack.c.l.s4.s8 v3;
	v3 =	vimm.s32 $0xE40000  }
0x13: {  	vm3 =	vcmask $0x3F30;
	vm1 =	vcmask $0x3F08;
	s26 =	sadd.s32 s0, s14;
	s0 =	sadd.s32 s0, s15;
	[dreg:$0x5] =	wrdreg s17;
	v3 =	vunpack.c.l.s2.s4 v3  }
0x14: {  	vm2 =	vcmask $0x3F10;
	v5 =	vunpack.c.l.s4.s8 v5;
	v6 =	vunpack.c.l.s4.s8 v6;
	s9 =	simm.s32 $0x18F20;
	s12 =	simm.s32 $0xA000;
	[dreg:$0x6] =	wrdreg s18  }
0x15: {  	vm4 =	vcmask $0x3F3C;
	s14 =	simm.s32 $0xC800;
	s15 =	simm.s32 $0xF000;
	[dreg:$0xd] =	wrdreg s25;
	v7 =	vunpack.c.0.s8.s32 v2;
	v8 =	vunpack.c.l.s4.s8 v3  }
0x16: {  	v5 =	vunpack.c.0.s8.s32 v5;
	v6 =	vunpack.c.0.s8.s32 v6;
	s10 =	sadd.s32 s5, s21;
	s23 =	sadd.s32 s5, s22;
	[dreg:$0xe] =	wrdreg s26;
	v4 =	vunpack.c.0.s8.s32 v4  }
0x17: {  	[dreg:$0xf] =	wrdreg s0;
	s17 =	simm.s32 $0x4;
	s25 =	simm.s32 $0x5000;
	v3 =	vand.u32 $0xF, v7;
	v7 =	vimm.s32 $0x7060504;
	v8 =	vunpack.c.0.s8.s32 v8  }
0x18: {  	s26 =	simm.s32 $0x7800;
	s0 =	simm.s32 $0x17F80;
	[dreg:$0x9] =	wrdreg s10;
	v3 =	vcombine.low v4, v3;
	v4 =	vcombine.low v6, v5;
	v6 =	vunpack.c.0.s8.s32 v7  }
0x19: {  	s18 =	simm.s32 $0x0;
	[dreg:$0xa] =	wrdreg s23;
	s10 =	sadd.s32 s5, s24;
	v2 =	vimm.f32 $-Inf;
	v5 =	vlaneseq.u32;
	v7 =	vand.u32 $0x3, v8  }
0x1a: {  	s24 =	simm.s32 $0x2800;
	[dreg:$0xb] =	wrdreg s10;
	s10 =	simm.s32 $0x196F0;
	v6 =	vsel vm3, v6, v7;
	vm3 =	vcmask $0x3F20;
	v7 =	vand.u32 $0xF, v4  }
.LBB2_1:
0x1b: {  	[dreg:$0x11] =	wrdreg s18  }
0x1c: {  	s1 =	rddreg [dreg:$0x4]  }
0x1d: {  	[tilespmem:s4], [sflag:$0x4] =	stream.linear.gather [hbm4b:s1+s4], $0x2800, $0x38;
	[tilespmem:$0x19F00] =	vst v63  }
0x1e: {  	_ =	swait.ge [sflag:s17], $0x2800  }
0x1f: {  	[sflag:s17] =	ssyncset.done $0x0  }
0x20: {  	s22 =	rddreg [dreg:$0x5];
	[sflag:s17] =	ssyncadd.s32 $0xFFFFD800  }
0x21: {  	[tilespmem:s24], [sflag:$0x4] =	stream.linear.gather [hbm4b:s22+s4], $0x2800, $0x38;
	[tilespmem:$0x19F00] =	vst v63  }
0x22: {  	_ =	swait.ge [sflag:s17], $0x2800  }
0x23: {  	[sflag:s17] =	ssyncset.done $0x0  }
0x24: {  	s23 =	rddreg [dreg:$0x6];
	[sflag:s17] =	ssyncadd.s32 $0xFFFFD800  }
0x25: {  	[tilespmem:s25], [sflag:$0x4] =	stream.linear.gather [hbm4b:s23+s4], $0x2800, $0x38;
	[tilespmem:$0x19F00] =	vst v63  }
0x26: {  	_ =	swait.ge [sflag:s17], $0x2800  }
0x27: {  	[sflag:s17] =	ssyncset.done $0x0  }
0x28: {  	s31 =	rddreg [dreg:$0x7];
	[sflag:s17] =	ssyncadd.s32 $0xFFFFD800  }
0x29: {  	[tilespmem:s26], [sflag:$0x4] =	stream.linear.gather [hbm4b:s31+s4], $0x2800, $0x38;
	[tilespmem:$0x19F00] =	vst v63  }
0x2a: {  	_ =	swait.ge [sflag:s17], $0x2800  }
0x2b: {  	[sflag:s17] =	ssyncset.done $0x0  }
0x2c: {  	s18 =	simm.s32 $0x40;
	[sflag:s17] =	ssyncadd.s32 $0xFFFFD800;
	s17 =	simm.s32 $0x0  }
.LBB2_2:
0x2d: {  	p0 =	sne.s32 s18, $0x9FC0;
	[tilespmem:s17+$0x11800] =	vst v2;
	s19 =	smov.u32 s18;
	s18 =	sadd.s32 $0x40, s18  }
.Ltmp0:
0x2e: {  	[tilespmem:s17+$0xF000] =	vst v2;
	(pc) =	sbr.rel @p0 .LBB2_2-.Ltmp0, $3  }
0x2f: {  	[tilespmem:s17+$0xA000] =	vst v2  }
0x30: {  	[tilespmem:s17+$0xC800] =	vst v2;
	_ =	sdelay $0x1  }
0x31: {  	s17 =	sshra.s32 s19, $0x2  }
0x32: {  	[tilespmem:s17+$0x11800] =	vst v2  }
0x33: {  	[tilespmem:s17+$0xF000] =	vst v2  }
0x34: {  	[tilespmem:s17+$0xA000] =	vst v2  }
0x35: {  	[tilespmem:s17+$0xC800] =	vst v2;
	s18 =	simm.s32 $0x0;
	s1 =	simm.s32 $0x14000  }
0x36: {  	[tilespmem:s1], [sflag:$0x1] =	stream.linear.gather [hbm4b:s2+s18], $0x7D0, $0x38;
	[tilespmem:$0x19F00] =	vst v63  }
0x37: {  	s22 =	simm.s32 $0x15000  }
0x38: {  	[tilespmem:s22], [sflag:$0x2] =	stream.linear.gather [hbm4b:s3+s18], $0x7D0, $0x38;
	[tilespmem:$0x19F00] =	vst v63  }
0x39: {  	s23 =	rddreg [dreg:$0x8];
	s31 =	simm.s32 $0x16000  }
0x3a: {  	[tilespmem:s31], [sflag:$0x3] =	stream.linear.gather [hbm4b:s23+s18], $0x7D0, $0x38;
	[tilespmem:$0x19F00] =	vst v63  }
0x3b: {  	s19 =	rddreg [dreg:$0x9];
	s20 =	simm.s32 $0x167D0  }
0x3c: {  	[tilespmem:s20], [sflag:$0x3] =	stream.linear.gather [hbm4b:s19+s18], $0x7D0, $0x38;
	[tilespmem:$0x19F00] =	vst v63  }
0x3d: {  	s21 =	rddreg [dreg:$0xa];
	s22 =	simm.s32 $0x16FA0  }
0x3e: {  	[tilespmem:s22], [sflag:$0x3] =	stream.linear.gather [hbm4b:s21+s18], $0x7D0, $0x38;
	[tilespmem:$0x19F00] =	vst v63  }
0x3f: {  	s23 =	rddreg [dreg:$0xb];
	s31 =	simm.s32 $0x17770;
	s19 =	simm.s32 $0x0  }
0x40: {  	[tilespmem:s31], [sflag:$0x3] =	stream.linear.gather [hbm4b:s23+s18], $0x7D0, $0x38;
	[tilespmem:$0x19F00] =	vst v63  }
.LBB2_4:
0x41: {  	_ =	swait.ge [sflag:s28], $0x7D0  }
0x42: {  	[sflag:s28] =	ssyncset.done $0x0  }
0x43: {  	[sflag:s28] =	ssyncadd.s32 $0xFFFFF830  }
0x44: {  	_ =	swait.ge [sflag:s29], $0x7D0  }
0x45: {  	[sflag:s29] =	ssyncset.done $0x0  }
0x46: {  	[sflag:s29] =	ssyncadd.s32 $0xFFFFF830  }
0x47: {  	_ =	swait.ge [sflag:s30], $0x7D0  }
0x48: {  	[sflag:s30] =	ssyncset.done $0x0  }
0x49: {  	[sflag:s30] =	ssyncadd.s32 $0xFFFFF830  }
0x4a: {  	_ =	swait.ge [sflag:s30], $0x7D0  }
0x4b: {  	[sflag:s30] =	ssyncset.done $0x0  }
0x4c: {  	[sflag:s30] =	ssyncadd.s32 $0xFFFFF830  }
0x4d: {  	_ =	swait.ge [sflag:s30], $0x7D0  }
0x4e: {  	s20 =	smul.u32 $0xFA0, s19;
	[sflag:s30] =	ssyncset.done $0x0  }
0x4f: {  	[sflag:s30] =	ssyncadd.s32 $0xFFFFF830  }
0x50: {  	s17 =	sadd.s32 $0x7D0, s20;
	_ =	swait.ge [sflag:s30], $0x7D0  }
0x51: {  	s21 =	sshrl.u32 s17, $0x3;
	[sflag:s30] =	ssyncset.done $0x0  }
0x52: {  	s1 =	simm.s32 $0x14800;
	s22 =	sadd.s32 s2, s21;
	[sflag:s30] =	ssyncadd.s32 $0xFFFFF830  }
0x53: {  	[tilespmem:s1], [sflag:$0x1] =	stream.linear.gather [hbm4b:s22+s18], $0x7D0, $0x38;
	[tilespmem:$0x19F00] =	vst v63  }
0x54: {  	s23 =	simm.s32 $0x15800;
	s21 =	sadd.s32 s3, s21;
	s1 =	sadd.s32 s6, s17  }
0x55: {  	[tilespmem:s23], [sflag:$0x2] =	stream.linear.gather [hbm4b:s21+s18], $0x7D0, $0x38;
	[tilespmem:$0x19F00] =	vst v63  }
0x56: {  	s21 =	sshrl.u32 s1, $0x3  }
0x57: {  	s22 =	sadd.s32 s8, s17;
	s21 =	sadd.s32 s5, s21  }
0x58: {  	[tilespmem:s0], [sflag:$0x3] =	stream.linear.gather [hbm4b:s21+s18], $0x7D0, $0x38;
	[tilespmem:$0x19F00] =	vst v63  }
0x59: {  	s21 =	sshrl.u32 s22, $0x3  }
0x5a: {  	s23 =	sadd.s32 s11, s17;
	s21 =	sadd.s32 s5, s21  }
0x5b: {  	[tilespmem:s7], [sflag:$0x3] =	stream.linear.gather [hbm4b:s21+s18], $0x7D0, $0x38;
	[tilespmem:$0x19F00] =	vst v63  }
0x5c: {  	s17 =	sadd.s32 s13, s17;
	s21 =	sshrl.u32 s23, $0x3  }
0x5d: {  	s17 =	sshrl.u32 s17, $0x3;
	s21 =	sadd.s32 s5, s21  }
0x5e: {  	[tilespmem:s9], [sflag:$0x3] =	stream.linear.gather [hbm4b:s21+s18], $0x7D0, $0x38;
	[tilespmem:$0x19F00] =	vst v63  }
0x5f: {  	s17 =	sadd.s32 s5, s17;
	s21 =	simm.s32 $0x15010  }
0x60: {  	[tilespmem:s10], [sflag:$0x3] =	stream.linear.gather [hbm4b:s17+s18], $0x7D0, $0x38;
	[tilespmem:$0x19F00] =	vst v63  }
0x61: {  	v8 =	vld [tilespmem:s21+$0xFFFFFFF0];
	_ =	sdelay $0x4  }
0x62: {  	s1 =	simm.s32 $0x14010;
	v8 =	vxor.u32 $0x80000000, v8  }
0x63: {  	v9 =	vld [tilespmem:s1+$0xFFFFFFF0];
	(xrf1) =	vsort.ascd.msk.u32 $0xffff, v8, v5;
	_ =	sdelay $0x5  }
0x64: {  	s22 =	simm.s32 $0x16FA0  }
0x65: {  	v10 =	vld [tilespmem:s22+$0xFFFFF060]  }
0x66: {  	v8 =	vld.idx.msk [tilespmem:v9+s4+$0x0], $0xffff;
	_ =	sdelay $0x4  }
0x67: {  	v8 =	vadd.f32 v10, v8  }
0x68: {  	v10, v11, _ =	vpop (xrf1)  }
0x69: {  	v10 =	vxor.u32 $0x80000000, v10;
	v8 =	vperm.xlane v8, v11  }
0x6a: {  	v12 =	vperm.xlane v10, v0  }
0x6b: {  	v13 =	vperm.xlane v8, v0  }
0x6c: {  	vm5 =	veq.s32 v12, v10  }
0x6d: {  	vm5 =	vmand vm5, vm0;
	v35 =	vmax.f32 v8, v13  }
0x6e: {  	v36 =	vperm.xlane v10, v1;
	v8 =	vsel vm5, v35, v8  }
0x6f: {  	v12 =	vperm.xlane v8, v1  }
0x70: {  	vm6 =	veq.s32 v36, v10  }
0x71: {  	vm6 =	vmand vm6, vm1;
	v12 =	vmax.f32 v8, v12  }
0x72: {  	v37 =	vperm.xlane v10, v3;
	v8 =	vsel vm6, v12, v8  }
0x73: {  	v38 =	vperm.xlane v10, v7;
	v14 =	vperm.xlane v8, v3  }
0x74: {  	vm7 =	veq.s32 v37, v10  }
0x75: {  	vm9 =	vne.s32 v10, v38;
	vm8 =	vmand vm7, vm2;
	v39 =	vmax.f32 v8, v14  }
0x76: {  	v40 =	vperm.xlane v10, v6;
	vm7 =	vmor vm9, vm4;
	v41 =	vld.idx.msk [tilespmem:v10+s12+$0x0], $0xffff;
	v8 =	vsel vm8, v39, v8  }
0x77: {  	v12 =	vperm.xlane v8, v6  }
0x78: {  	vm12 =	veq.s32 v40, v10  }
0x79: {  	vm9 =	vmand vm12, vm3;
	v12 =	vmax.f32 v8, v12  }
0x7a: {  	v8 =	vsel vm9, v12, v8  }
0x7b: {  	v8 =	vmax.f32 v41, v8  }
0x7c: {  	[tilespmem:v10+s12+$0x0] =	vst.idx.msk vm7, v8  }
0x7d: {  	v8 =	vld.idx.msk [tilespmem:v9+s24+$0x0], $0xffff  }
0x7e: {  	v42 =	vld [tilespmem:s22+$0xFFFFF830];
	_ =	sdelay $0x4  }
0x7f: {  	v8 =	vadd.f32 v42, v8;
	_ =	sdelay $0x1  }
0x80: {  	v8 =	vperm.xlane v8, v11;
	_ =	sdelay $0x1  }
0x81: {  	v43 =	vperm.xlane v8, v0;
	_ =	sdelay $0x1  }
0x82: {  	v12 =	vmax.f32 v8, v43  }
0x83: {  	v8 =	vsel vm5, v12, v8  }
0x84: {  	v12 =	vperm.xlane v8, v1;
	_ =	sdelay $0x1  }
0x85: {  	v12 =	vmax.f32 v8, v12  }
0x86: {  	v8 =	vsel vm6, v12, v8  }
0x87: {  	v12 =	vperm.xlane v8, v3;
	_ =	sdelay $0x1  }
0x88: {  	v12 =	vmax.f32 v8, v12  }
0x89: {  	v44 =	vld.idx.msk [tilespmem:v10+s14+$0x0], $0xffff;
	v8 =	vsel vm8, v12, v8  }
0x8a: {  	v12 =	vperm.xlane v8, v6;
	_ =	sdelay $0x1  }
0x8b: {  	v12 =	vmax.f32 v8, v12  }
0x8c: {  	v8 =	vsel vm9, v12, v8  }
0x8d: {  	v8 =	vmax.f32 v44, v8  }
0x8e: {  	[tilespmem:v10+s14+$0x0] =	vst.idx.msk vm7, v8  }
0x8f: {  	v8 =	vld.idx.msk [tilespmem:v9+s25+$0x0], $0xffff  }
0x90: {  	v45 =	vld [tilespmem:s22+$0x0];
	_ =	sdelay $0x4  }
0x91: {  	v8 =	vadd.f32 v45, v8;
	_ =	sdelay $0x1  }
0x92: {  	v8 =	vperm.xlane v8, v11;
	_ =	sdelay $0x1  }
0x93: {  	v46 =	vperm.xlane v8, v0;
	_ =	sdelay $0x1  }
0x94: {  	v12 =	vmax.f32 v8, v46  }
0x95: {  	v8 =	vsel vm5, v12, v8  }
0x96: {  	v12 =	vperm.xlane v8, v1;
	_ =	sdelay $0x1  }
0x97: {  	v12 =	vmax.f32 v8, v12  }
0x98: {  	v8 =	vsel vm6, v12, v8  }
0x99: {  	v12 =	vperm.xlane v8, v3;
	_ =	sdelay $0x1  }
0x9a: {  	v12 =	vmax.f32 v8, v12  }
0x9b: {  	v47 =	vld.idx.msk [tilespmem:v10+s15+$0x0], $0xffff;
	v8 =	vsel vm8, v12, v8  }
0x9c: {  	v12 =	vperm.xlane v8, v6;
	_ =	sdelay $0x1  }
0x9d: {  	v12 =	vmax.f32 v8, v12  }
0x9e: {  	v8 =	vsel vm9, v12, v8  }
0x9f: {  	v8 =	vmax.f32 v47, v8  }
0xa0: {  	[tilespmem:v10+s15+$0x0] =	vst.idx.msk vm7, v8  }
0xa1: {  	v8 =	vld.idx.msk [tilespmem:v9+s26+$0x0], $0xffff  }
0xa2: {  	v9 =	vld [tilespmem:s22+$0x7D0];
	_ =	sdelay $0x4  }
0xa3: {  	v8 =	vadd.f32 v9, v8;
	_ =	sdelay $0x1  }
0xa4: {  	v8 =	vperm.xlane v8, v11;
	_ =	sdelay $0x1  }
0xa5: {  	v9 =	vperm.xlane v8, v0;
	_ =	sdelay $0x1  }
0xa6: {  	v9 =	vmax.f32 v8, v9  }
0xa7: {  	v8 =	vsel vm5, v9, v8  }
0xa8: {  	v9 =	vperm.xlane v8, v1;
	_ =	sdelay $0x1  }
0xa9: {  	v9 =	vmax.f32 v8, v9  }
0xaa: {  	v8 =	vsel vm6, v9, v8  }
0xab: {  	v9 =	vperm.xlane v8, v3;
	_ =	sdelay $0x1  }
0xac: {  	v9 =	vmax.f32 v8, v9  }
0xad: {  	v11 =	vld.idx.msk [tilespmem:v10+s16+$0x0], $0xffff;
	v8 =	vsel vm8, v9, v8  }
0xae: {  	v9 =	vperm.xlane v8, v6;
	_ =	sdelay $0x1  }
0xaf: {  	v9 =	vmax.f32 v8, v9  }
0xb0: {  	v8 =	vsel vm9, v9, v8  }
0xb1: {  	v8 =	vmax.f32 v11, v8  }
0xb2: {  	[tilespmem:v10+s16+$0x0] =	vst.idx.msk vm7, v8  }
0xb3: {  	v8 =	vld [tilespmem:s21+$0x0];
	_ =	sdelay $0x4  }
0xb4: {  	v8 =	vxor.u32 $0x80000000, v8  }
0xb5: {  	v9 =	vld [tilespmem:s1+$0x0];
	(xrf1) =	vsort.ascd.msk.u32 $0xffff, v8, v5;
	_ =	sdelay $0x6  }
0xb6: {  	v10 =	vld [tilespmem:s22+$0xFFFFF070]  }
0xb7: {  	v8 =	vld.idx.msk [tilespmem:v9+s4+$0x0], $0xffff;
	_ =	sdelay $0x4  }
0xb8: {  	v10 =	vadd.f32 v10, v8  }
0xb9: {  	v8, v11, _ =	vpop (xrf1)  }
0xba: {  	v8 =	vxor.u32 $0x80000000, v8;
	v10 =	vperm.xlane v10, v11  }
0xbb: {  	v48 =	vperm.xlane v8, v0  }
0xbc: {  	v49 =	vperm.xlane v10, v0  }
0xbd: {  	vm5 =	veq.s32 v48, v8  }
0xbe: {  	vm6 =	vmand vm5, vm0;
	v50 =	vmax.f32 v10, v49  }
0xbf: {  	v51 =	vperm.xlane v8, v1;
	v10 =	vsel vm6, v50, v10  }
0xc0: {  	v12 =	vperm.xlane v10, v1  }
0xc1: {  	vm5 =	veq.s32 v51, v8  }
0xc2: {  	vm7 =	vmand vm5, vm1;
	v12 =	vmax.f32 v10, v12  }
0xc3: {  	v52 =	vperm.xlane v8, v3;
	v10 =	vsel vm7, v12, v10  }
0xc4: {  	v53 =	vperm.xlane v8, v7;
	v54 =	vperm.xlane v10, v3  }
0xc5: {  	vm5 =	veq.s32 v52, v8  }
0xc6: {  	vm13 =	vne.s32 v8, v53;
	vm14 =	vmand vm5, vm2;
	v55 =	vmax.f32 v10, v54  }
0xc7: {  	v56 =	vperm.xlane v8, v6;
	v57 =	vld.idx.msk [tilespmem:v8+s12+$0x0], $0xffff;
	vm5 =	vmor vm13, vm4;
	v10 =	vsel vm14, v55, v10  }
0xc8: {  	v12 =	vperm.xlane v10, v6  }
0xc9: {  	vm15 =	veq.s32 v56, v8  }
0xca: {  	vm9 =	vmand vm15, vm3;
	v12 =	vmax.f32 v10, v12  }
0xcb: {  	v10 =	vsel vm9, v12, v10  }
0xcc: {  	v10 =	vmax.f32 v57, v10  }
0xcd: {  	[tilespmem:v8+s12+$0x0] =	vst.idx.msk vm5, v10  }
0xce: {  	v10 =	vld.idx.msk [tilespmem:v9+s24+$0x0], $0xffff  }
0xcf: {  	v58 =	vld [tilespmem:s22+$0xFFFFF840];
	_ =	sdelay $0x4  }
0xd0: {  	v10 =	vadd.f32 v58, v10;
	_ =	sdelay $0x1  }
0xd1: {  	v10 =	vperm.xlane v10, v11;
	_ =	sdelay $0x1  }
0xd2: {  	v59 =	vperm.xlane v10, v0;
	_ =	sdelay $0x1  }
0xd3: {  	v12 =	vmax.f32 v10, v59  }
0xd4: {  	v10 =	vsel vm6, v12, v10  }
0xd5: {  	v12 =	vperm.xlane v10, v1;
	_ =	sdelay $0x1  }
0xd6: {  	v12 =	vmax.f32 v10, v12  }
0xd7: {  	v10 =	vsel vm7, v12, v10  }
0xd8: {  	v12 =	vperm.xlane v10, v3;
	_ =	sdelay $0x1  }
0xd9: {  	v12 =	vmax.f32 v10, v12  }
0xda: {  	v60 =	vld.idx.msk [tilespmem:v8+s14+$0x0], $0xffff;
	v10 =	vsel vm14, v12, v10  }
0xdb: {  	v12 =	vperm.xlane v10, v6;
	_ =	sdelay $0x1  }
0xdc: {  	v12 =	vmax.f32 v10, v12  }
0xdd: {  	v10 =	vsel vm9, v12, v10  }
0xde: {  	v10 =	vmax.f32 v60, v10  }
0xdf: {  	[tilespmem:v8+s14+$0x0] =	vst.idx.msk vm5, v10  }
0xe0: {  	v10 =	vld.idx.msk [tilespmem:v9+s25+$0x0], $0xffff  }
0xe1: {  	v61 =	vld [tilespmem:s22+$0x10];
	_ =	sdelay $0x4  }
0xe2: {  	v10 =	vadd.f32 v61, v10;
	_ =	sdelay $0x1  }
0xe3: {  	v10 =	vperm.xlane v10, v11;
	_ =	sdelay $0x1  }
0xe4: {  	v62 =	vperm.xlane v10, v0;
	_ =	sdelay $0x1  }
0xe5: {  	v12 =	vmax.f32 v10, v62  }
0xe6: {  	v10 =	vsel vm6, v12, v10  }
0xe7: {  	v12 =	vperm.xlane v10, v1;
	_ =	sdelay $0x1  }
0xe8: {  	v12 =	vmax.f32 v10, v12  }
0xe9: {  	v10 =	vsel vm7, v12, v10  }
0xea: {  	v12 =	vperm.xlane v10, v3;
	_ =	sdelay $0x1  }
0xeb: {  	v12 =	vmax.f32 v10, v12  }
0xec: {  	v63 =	vld.idx.msk [tilespmem:v8+s15+$0x0], $0xffff;
	v10 =	vsel vm14, v12, v10  }
0xed: {  	v12 =	vperm.xlane v10, v6;
	_ =	sdelay $0x1  }
0xee: {  	v12 =	vmax.f32 v10, v12  }
0xef: {  	v10 =	vsel vm9, v12, v10  }
0xf0: {  	v10 =	vmax.f32 v63, v10  }
0xf1: {  	[tilespmem:v8+s15+$0x0] =	vst.idx.msk vm5, v10  }
0xf2: {  	s23 =	sand.u32 $0x7E0, s18;
	v9 =	vld.idx.msk [tilespmem:v9+s26+$0x0], $0xffff  }
0xf3: {  	v10 =	vld [tilespmem:s23+$0x17780];
	_ =	sdelay $0x4  }
0xf4: {  	v9 =	vadd.f32 v10, v9;
	_ =	sdelay $0x1  }
0xf5: {  	v9 =	vperm.xlane v9, v11;
	_ =	sdelay $0x1  }
0xf6: {  	v10 =	vperm.xlane v9, v0;
	_ =	sdelay $0x1  }
0xf7: {  	v10 =	vmax.f32 v9, v10  }
0xf8: {  	v9 =	vsel vm6, v10, v9  }
0xf9: {  	v10 =	vperm.xlane v9, v1;
	_ =	sdelay $0x1  }
0xfa: {  	v10 =	vmax.f32 v9, v10  }
0xfb: {  	v9 =	vsel vm7, v10, v9  }
0xfc: {  	v10 =	vperm.xlane v9, v3;
	_ =	sdelay $0x1  }
0xfd: {  	v10 =	vmax.f32 v9, v10  }
0xfe: {  	v11 =	vld.idx.msk [tilespmem:v8+s16+$0x0], $0xffff;
	v9 =	vsel vm14, v10, v9  }
0xff: {  	v10 =	vperm.xlane v9, v6;
	_ =	sdelay $0x1  }
0x100: {  	v10 =	vmax.f32 v9, v10  }
0x101: {  	v9 =	vsel vm9, v10, v9  }
0x102: {  	s31 =	simm.s32 $0x20;
	s17 =	simm.s32 $0x0;
	s23 =	simm.s32 $0x14030;
	v9 =	vmax.f32 v11, v9  }
.LBB2_5:
0x103: {  	s17 =	sadd.s32 $0x2, s17;
	[tilespmem:v8+s16+$0x0] =	vst.idx.msk vm5, v9;
	s22 =	sadd.s32 $0x20, s22;
	s21 =	sadd.s32 $0x20, s21  }
0x104: {  	v8 =	vld [tilespmem:s21+$0xFFFFFFF0];
	p0 =	slt.u32 s17, $0x7A;
	_ =	sdelay $0x4  }
0x105: {  	v9 =	vld [tilespmem:s23+$0xFFFFFFF0];
	v8 =	vxor.u32 $0x80000000, v8  }
0x106: {  	(xrf1) =	vsort.ascd.msk.u32 $0xffff, v8, v5;
	_ =	sdelay $0x6  }
0x107: {  	v8 =	vld.idx.msk [tilespmem:v9+s4+$0x0], $0xffff  }
0x108: {  	v10 =	vld [tilespmem:s22+$0xFFFFF060];
	_ =	sdelay $0x4  }
0x109: {  	v11 =	vadd.f32 v10, v8  }
0x10a: {  	v8, v10, _ =	vpop (xrf1)  }
0x10b: {  	v8 =	vxor.u32 $0x80000000, v8;
	v11 =	vperm.xlane v11, v10  }
0x10c: {  	v12 =	vperm.xlane v8, v0;
	v13 =	vperm.xlane v8, v1  }
0x10d: {  	v14 =	vperm.xlane v8, v3;
	v15 =	vperm.xlane v11, v0  }
0x10e: {  	vm5 =	veq.s32 v12, v8;
	vm7 =	veq.s32 v13, v8;
	v12 =	vperm.xlane v8, v7  }
0x10f: {  	vm6 =	vmand vm5, vm0;
	vm5 =	veq.s32 v14, v8;
	v13 =	vmax.f32 v11, v15  }
0x110: {  	v14 =	vperm.xlane v8, v6;
	vm9 =	vne.s32 v8, v12;
	v11 =	vsel vm6, v13, v11  }
0x111: {  	v12 =	vperm.xlane v11, v1  }
0x112: {  	vm10 =	veq.s32 v14, v8  }
0x113: {  	vm7 =	vmand vm7, vm1;
	v12 =	vmax.f32 v11, v12  }
0x114: {  	v11 =	vsel vm7, v12, v11  }
0x115: {  	v12 =	vperm.xlane v11, v3;
	_ =	sdelay $0x1  }
0x116: {  	vm8 =	vmand vm5, vm2;
	v12 =	vmax.f32 v11, v12;
	v13 =	vld.idx.msk [tilespmem:v8+s12+$0x0], $0xffff  }
0x117: {  	vm5 =	vmor vm9, vm4;
	v11 =	vsel vm8, v12, v11  }
0x118: {  	v12 =	vperm.xlane v11, v6;
	_ =	sdelay $0x1  }
0x119: {  	vm9 =	vmand vm10, vm3;
	v12 =	vmax.f32 v11, v12  }
0x11a: {  	v11 =	vsel vm9, v12, v11  }
0x11b: {  	v11 =	vmax.f32 v13, v11  }
0x11c: {  	[tilespmem:v8+s12+$0x0] =	vst.idx.msk vm5, v11  }
0x11d: {  	v11 =	vld.idx.msk [tilespmem:v9+s24+$0x0], $0xffff  }
0x11e: {  	v12 =	vld [tilespmem:s22+$0xFFFFF830];
	_ =	sdelay $0x4  }
0x11f: {  	v11 =	vadd.f32 v12, v11;
	_ =	sdelay $0x1  }
0x120: {  	v11 =	vperm.xlane v11, v10;
	_ =	sdelay $0x1  }
0x121: {  	v12 =	vperm.xlane v11, v0;
	_ =	sdelay $0x1  }
0x122: {  	v12 =	vmax.f32 v11, v12  }
0x123: {  	v11 =	vsel vm6, v12, v11  }
0x124: {  	v12 =	vperm.xlane v11, v1;
	_ =	sdelay $0x1  }
0x125: {  	v12 =	vmax.f32 v11, v12  }
0x126: {  	v11 =	vsel vm7, v12, v11  }
0x127: {  	v12 =	vperm.xlane v11, v3;
	_ =	sdelay $0x1  }
0x128: {  	v12 =	vmax.f32 v11, v12;
	v13 =	vld.idx.msk [tilespmem:v8+s14+$0x0], $0xffff  }
0x129: {  	v11 =	vsel vm8, v12, v11  }
0x12a: {  	v12 =	vperm.xlane v11, v6;
	_ =	sdelay $0x1  }
0x12b: {  	v12 =	vmax.f32 v11, v12  }
0x12c: {  	v11 =	vsel vm9, v12, v11  }
0x12d: {  	v11 =	vmax.f32 v13, v11  }
0x12e: {  	[tilespmem:v8+s14+$0x0] =	vst.idx.msk vm5, v11  }
0x12f: {  	v11 =	vld.idx.msk [tilespmem:v9+s25+$0x0], $0xffff  }
0x130: {  	v12 =	vld [tilespmem:s22+$0x0];
	_ =	sdelay $0x4  }
0x131: {  	v11 =	vadd.f32 v12, v11;
	_ =	sdelay $0x1  }
0x132: {  	v11 =	vperm.xlane v11, v10;
	_ =	sdelay $0x1  }
0x133: {  	v12 =	vperm.xlane v11, v0;
	_ =	sdelay $0x1  }
0x134: {  	v12 =	vmax.f32 v11, v12  }
0x135: {  	v11 =	vsel vm6, v12, v11  }
0x136: {  	v12 =	vperm.xlane v11, v1;
	_ =	sdelay $0x1  }
0x137: {  	v12 =	vmax.f32 v11, v12  }
0x138: {  	v11 =	vsel vm7, v12, v11  }
0x139: {  	v12 =	vperm.xlane v11, v3;
	_ =	sdelay $0x1  }
0x13a: {  	v12 =	vmax.f32 v11, v12;
	v13 =	vld.idx.msk [tilespmem:v8+s15+$0x0], $0xffff  }
0x13b: {  	v11 =	vsel vm8, v12, v11  }
0x13c: {  	v12 =	vperm.xlane v11, v6;
	_ =	sdelay $0x1  }
0x13d: {  	v12 =	vmax.f32 v11, v12  }
0x13e: {  	v11 =	vsel vm9, v12, v11  }
0x13f: {  	v11 =	vmax.f32 v13, v11  }
0x140: {  	[tilespmem:v8+s15+$0x0] =	vst.idx.msk vm5, v11  }
0x141: {  	v9 =	vld.idx.msk [tilespmem:v9+s26+$0x0], $0xffff  }
0x142: {  	v11 =	vld [tilespmem:s22+$0x7D0];
	_ =	sdelay $0x4  }
0x143: {  	v9 =	vadd.f32 v11, v9;
	_ =	sdelay $0x1  }
0x144: {  	v9 =	vperm.xlane v9, v10;
	_ =	sdelay $0x1  }
0x145: {  	v10 =	vperm.xlane v9, v0;
	_ =	sdelay $0x1  }
0x146: {  	v10 =	vmax.f32 v9, v10  }
0x147: {  	v9 =	vsel vm6, v10, v9  }
0x148: {  	v10 =	vperm.xlane v9, v1;
	_ =	sdelay $0x1  }
0x149: {  	v10 =	vmax.f32 v9, v10  }
0x14a: {  	v9 =	vsel vm7, v10, v9  }
0x14b: {  	v10 =	vperm.xlane v9, v3;
	_ =	sdelay $0x1  }
0x14c: {  	v10 =	vmax.f32 v9, v10;
	v11 =	vld.idx.msk [tilespmem:v8+s16+$0x0], $0xffff  }
0x14d: {  	v9 =	vsel vm8, v10, v9  }
0x14e: {  	v10 =	vperm.xlane v9, v6;
	_ =	sdelay $0x1  }
0x14f: {  	v10 =	vmax.f32 v9, v10  }
0x150: {  	v9 =	vsel vm9, v10, v9  }
0x151: {  	v9 =	vmax.f32 v11, v9  }
0x152: {  	[tilespmem:v8+s16+$0x0] =	vst.idx.msk vm5, v9  }
0x153: {  	v8 =	vld [tilespmem:s21+$0x0];
	_ =	sdelay $0x4  }
0x154: {  	v9 =	vld [tilespmem:s23+$0x0];
	v8 =	vxor.u32 $0x80000000, v8  }
0x155: {  	(xrf1) =	vsort.ascd.msk.u32 $0xffff, v8, v5;
	_ =	sdelay $0x6  }
0x156: {  	v8 =	vld.idx.msk [tilespmem:v9+s4+$0x0], $0xffff  }
0x157: {  	v10 =	vld [tilespmem:s22+$0xFFFFF070];
	_ =	sdelay $0x4  }
0x158: {  	v11 =	vadd.f32 v10, v8  }
0x159: {  	v8, v10, _ =	vpop (xrf1)  }
0x15a: {  	v8 =	vxor.u32 $0x80000000, v8;
	v11 =	vperm.xlane v11, v10  }
0x15b: {  	v12 =	vperm.xlane v8, v0;
	v13 =	vperm.xlane v8, v1  }
0x15c: {  	v14 =	vperm.xlane v8, v3;
	v15 =	vperm.xlane v11, v0  }
0x15d: {  	vm5 =	veq.s32 v12, v8;
	vm7 =	veq.s32 v13, v8;
	v12 =	vperm.xlane v8, v7  }
0x15e: {  	vm6 =	vmand vm5, vm0;
	vm5 =	veq.s32 v14, v8;
	v13 =	vmax.f32 v11, v15  }
0x15f: {  	v14 =	vperm.xlane v8, v6;
	vm9 =	vne.s32 v8, v12;
	v11 =	vsel vm6, v13, v11  }
0x160: {  	v12 =	vperm.xlane v11, v1  }
0x161: {  	vm10 =	veq.s32 v14, v8  }
0x162: {  	vm7 =	vmand vm7, vm1;
	v12 =	vmax.f32 v11, v12  }
0x163: {  	v11 =	vsel vm7, v12, v11  }
0x164: {  	v12 =	vperm.xlane v11, v3;
	_ =	sdelay $0x1  }
0x165: {  	vm8 =	vmand vm5, vm2;
	v12 =	vmax.f32 v11, v12;
	v13 =	vld.idx.msk [tilespmem:v8+s12+$0x0], $0xffff  }
0x166: {  	vm5 =	vmor vm9, vm4;
	v11 =	vsel vm8, v12, v11  }
0x167: {  	v12 =	vperm.xlane v11, v6;
	_ =	sdelay $0x1  }
0x168: {  	vm9 =	vmand vm10, vm3;
	v12 =	vmax.f32 v11, v12  }
0x169: {  	v11 =	vsel vm9, v12, v11  }
0x16a: {  	v11 =	vmax.f32 v13, v11  }
0x16b: {  	[tilespmem:v8+s12+$0x0] =	vst.idx.msk vm5, v11  }
0x16c: {  	v11 =	vld.idx.msk [tilespmem:v9+s24+$0x0], $0xffff  }
0x16d: {  	v12 =	vld [tilespmem:s22+$0xFFFFF840]  }
0x16e: {  	v13 =	vld.idx.msk [tilespmem:v8+s14+$0x0], $0xffff;
	_ =	sdelay $0x3  }
0x16f: {  	v11 =	vadd.f32 v12, v11;
	_ =	sdelay $0x1  }
0x170: {  	v11 =	vperm.xlane v11, v10;
	_ =	sdelay $0x1  }
0x171: {  	v12 =	vperm.xlane v11, v0;
	_ =	sdelay $0x1  }
0x172: {  	v12 =	vmax.f32 v11, v12  }
0x173: {  	v11 =	vsel vm6, v12, v11  }
0x174: {  	v12 =	vperm.xlane v11, v1;
	_ =	sdelay $0x1  }
0x175: {  	v12 =	vmax.f32 v11, v12  }
0x176: {  	v11 =	vsel vm7, v12, v11  }
0x177: {  	v12 =	vperm.xlane v11, v3;
	_ =	sdelay $0x1  }
0x178: {  	v12 =	vmax.f32 v11, v12  }
0x179: {  	v11 =	vsel vm8, v12, v11  }
0x17a: {  	v12 =	vperm.xlane v11, v6;
	_ =	sdelay $0x1  }
0x17b: {  	v12 =	vmax.f32 v11, v12  }
0x17c: {  	v11 =	vsel vm9, v12, v11  }
0x17d: {  	v11 =	vmax.f32 v13, v11  }
0x17e: {  	[tilespmem:v8+s14+$0x0] =	vst.idx.msk vm5, v11  }
0x17f: {  	v11 =	vld.idx.msk [tilespmem:v9+s25+$0x0], $0xffff  }
0x180: {  	v12 =	vld [tilespmem:s22+$0x10]  }
0x181: {  	v13 =	vld.idx.msk [tilespmem:v8+s15+$0x0], $0xffff;
	_ =	sdelay $0x3  }
0x182: {  	v11 =	vadd.f32 v12, v11;
	_ =	sdelay $0x1  }
0x183: {  	v11 =	vperm.xlane v11, v10;
	_ =	sdelay $0x1  }
0x184: {  	v12 =	vperm.xlane v11, v0;
	_ =	sdelay $0x1  }
0x185: {  	v12 =	vmax.f32 v11, v12  }
0x186: {  	v11 =	vsel vm6, v12, v11  }
0x187: {  	v12 =	vperm.xlane v11, v1;
	_ =	sdelay $0x1  }
0x188: {  	v12 =	vmax.f32 v11, v12  }
0x189: {  	v11 =	vsel vm7, v12, v11  }
0x18a: {  	v12 =	vperm.xlane v11, v3;
	_ =	sdelay $0x1  }
0x18b: {  	v12 =	vmax.f32 v11, v12  }
0x18c: {  	v11 =	vsel vm8, v12, v11  }
0x18d: {  	v12 =	vperm.xlane v11, v6;
	_ =	sdelay $0x1  }
0x18e: {  	v12 =	vmax.f32 v11, v12  }
0x18f: {  	v11 =	vsel vm9, v12, v11  }
0x190: {  	v11 =	vmax.f32 v13, v11  }
0x191: {  	[tilespmem:v8+s15+$0x0] =	vst.idx.msk vm5, v11  }
0x192: {  	s1 =	sand.u32 $0x7E0, s31;
	v9 =	vld.idx.msk [tilespmem:v9+s26+$0x0], $0xffff  }
0x193: {  	v11 =	vld [tilespmem:s1+$0x17780]  }
0x194: {  	v12 =	vld.idx.msk [tilespmem:v8+s16+$0x0], $0xffff;
	_ =	sdelay $0x3  }
0x195: {  	v9 =	vadd.f32 v11, v9;
	_ =	sdelay $0x1  }
0x196: {  	v9 =	vperm.xlane v9, v10;
	_ =	sdelay $0x1  }
0x197: {  	v10 =	vperm.xlane v9, v0;
	_ =	sdelay $0x1  }
0x198: {  	v10 =	vmax.f32 v9, v10  }
0x199: {  	v9 =	vsel vm6, v10, v9  }
0x19a: {  	v10 =	vperm.xlane v9, v1;
	_ =	sdelay $0x1  }
0x19b: {  	v10 =	vmax.f32 v9, v10  }
0x19c: {  	v9 =	vsel vm7, v10, v9  }
0x19d: {  	v10 =	vperm.xlane v9, v3;
	_ =	sdelay $0x1  }
0x19e: {  	v10 =	vmax.f32 v9, v10  }
0x19f: {  	v9 =	vsel vm8, v10, v9  }
.Ltmp1:
0x1a0: {  	v10 =	vperm.xlane v9, v6;
	(pc) =	sbr.rel @p0 .LBB2_5-.Ltmp1, $4  }
0x1a1: {  	_ = 	snop  }
0x1a2: {  	v10 =	vmax.f32 v9, v10  }
0x1a3: {  	v9 =	vsel vm9, v10, v9  }
0x1a4: {  	s31 =	sadd.s32 $0x20, s31;
	s23 =	sadd.s32 $0x20, s23;
	v9 =	vmax.f32 v12, v9  }
0x1a5: {  	_ =	sdelay $0x4  }
0x1a6: {  	[tilespmem:v8+s16+$0x0] =	vst.idx.msk vm5, v9  }
0x1a7: {  	v8 =	vld [tilespmem:$0x157C0];
	_ =	sdelay $0x4  }
0x1a8: {  	v8 =	vxor.u32 $0x80000000, v8  }
0x1a9: {  	v9 =	vld [tilespmem:$0x147C0];
	(xrf1) =	vsort.ascd.msk.u32 $0xffff, v8, v5;
	_ =	sdelay $0x6  }
0x1aa: {  	v10 =	vld [tilespmem:$0x167C0]  }
0x1ab: {  	v8 =	vld.idx.msk [tilespmem:v9+s4+$0x0], $0xffff;
	_ =	sdelay $0x4  }
0x1ac: {  	v8 =	vadd.f32 v10, v8  }
0x1ad: {  	v10, v11, _ =	vpop (xrf1)  }
0x1ae: {  	v10 =	vxor.u32 $0x80000000, v10;
	v8 =	vperm.xlane v8, v11  }
0x1af: {  	v12 =	vperm.xlane v10, v0  }
0x1b0: {  	v13 =	vperm.xlane v8, v0  }
0x1b1: {  	vm5 =	veq.s32 v12, v10  }
0x1b2: {  	vm5 =	vmand vm5, vm0;
	v63 =	vmax.f32 v8, v13  }
0x1b3: {  	v16 =	vperm.xlane v10, v1;
	v8 =	vsel vm5, v63, v8  }
0x1b4: {  	v12 =	vperm.xlane v8, v1  }
0x1b5: {  	vm6 =	veq.s32 v16, v10  }
0x1b6: {  	vm6 =	vmand vm6, vm1;
	v12 =	vmax.f32 v8, v12  }
0x1b7: {  	v17 =	vperm.xlane v10, v3;
	v8 =	vsel vm6, v12, v8  }
0x1b8: {  	v18 =	vperm.xlane v10, v4;
	v14 =	vperm.xlane v8, v3  }
0x1b9: {  	vm7 =	veq.s32 v17, v10  }
0x1ba: {  	vm8 =	vmand vm7, vm2;
	vm7 =	vne.s32 v10, v18;
	v19 =	vmax.f32 v8, v14  }
0x1bb: {  	v20 =	vperm.xlane v10, v6;
	vm7 =	vmor vm7, vm4;
	v21 =	vld.idx.msk [tilespmem:v10+s12+$0x0], $0xffff;
	v8 =	vsel vm8, v19, v8  }
0x1bc: {  	v22 =	vperm.xlane v8, v6  }
0x1bd: {  	vm9 =	veq.s32 v20, v10  }
0x1be: {  	vm9 =	vmand vm9, vm3;
	v23 =	vmax.f32 v8, v22  }
0x1bf: {  	v8 =	vsel vm9, v23, v8  }
0x1c0: {  	v8 =	vmax.f32 v21, v8  }
0x1c1: {  	[tilespmem:v10+s12+$0x0] =	vst.idx.msk vm7, v8  }
0x1c2: {  	v8 =	vld.idx.msk [tilespmem:v9+s24+$0x0], $0xffff  }
0x1c3: {  	v24 =	vld [tilespmem:$0x16F90];
	_ =	sdelay $0x4  }
0x1c4: {  	v8 =	vadd.f32 v24, v8;
	_ =	sdelay $0x1  }
0x1c5: {  	v8 =	vperm.xlane v8, v11;
	_ =	sdelay $0x1  }
0x1c6: {  	v25 =	vperm.xlane v8, v0;
	_ =	sdelay $0x1  }
0x1c7: {  	v12 =	vmax.f32 v8, v25  }
0x1c8: {  	v8 =	vsel vm5, v12, v8  }
0x1c9: {  	v12 =	vperm.xlane v8, v1;
	_ =	sdelay $0x1  }
0x1ca: {  	v12 =	vmax.f32 v8, v12  }
0x1cb: {  	v8 =	vsel vm6, v12, v8  }
0x1cc: {  	v12 =	vperm.xlane v8, v3;
	_ =	sdelay $0x1  }
0x1cd: {  	v12 =	vmax.f32 v8, v12  }
0x1ce: {  	v26 =	vld.idx.msk [tilespmem:v10+s14+$0x0], $0xffff;
	v8 =	vsel vm8, v12, v8  }
0x1cf: {  	v27 =	vperm.xlane v8, v6;
	_ =	sdelay $0x1  }
0x1d0: {  	v13 =	vmax.f32 v8, v27  }
0x1d1: {  	v8 =	vsel vm9, v13, v8  }
0x1d2: {  	v8 =	vmax.f32 v26, v8  }
0x1d3: {  	[tilespmem:v10+s14+$0x0] =	vst.idx.msk vm7, v8  }
0x1d4: {  	v8 =	vld.idx.msk [tilespmem:v9+s25+$0x0], $0xffff  }
0x1d5: {  	v28 =	vld [tilespmem:$0x17760];
	_ =	sdelay $0x4  }
0x1d6: {  	v8 =	vadd.f32 v28, v8;
	_ =	sdelay $0x1  }
0x1d7: {  	v8 =	vperm.xlane v8, v11;
	_ =	sdelay $0x1  }
0x1d8: {  	v29 =	vperm.xlane v8, v0;
	_ =	sdelay $0x1  }
0x1d9: {  	v12 =	vmax.f32 v8, v29  }
0x1da: {  	v8 =	vsel vm5, v12, v8  }
0x1db: {  	v12 =	vperm.xlane v8, v1;
	_ =	sdelay $0x1  }
0x1dc: {  	v12 =	vmax.f32 v8, v12  }
0x1dd: {  	v8 =	vsel vm6, v12, v8  }
0x1de: {  	v12 =	vperm.xlane v8, v3;
	_ =	sdelay $0x1  }
0x1df: {  	v12 =	vmax.f32 v8, v12  }
0x1e0: {  	v30 =	vld.idx.msk [tilespmem:v10+s15+$0x0], $0xffff;
	v8 =	vsel vm8, v12, v8  }
0x1e1: {  	v31 =	vperm.xlane v8, v6;
	_ =	sdelay $0x1  }
0x1e2: {  	v13 =	vmax.f32 v8, v31  }
0x1e3: {  	v8 =	vsel vm9, v13, v8  }
0x1e4: {  	v8 =	vmax.f32 v30, v8  }
0x1e5: {  	[tilespmem:v10+s15+$0x0] =	vst.idx.msk vm7, v8  }
0x1e6: {  	v8 =	vld.idx.msk [tilespmem:v9+s26+$0x0], $0xffff  }
0x1e7: {  	v9 =	vld [tilespmem:$0x17F30];
	_ =	sdelay $0x4  }
0x1e8: {  	v8 =	vadd.f32 v9, v8;
	_ =	sdelay $0x1  }
0x1e9: {  	v8 =	vperm.xlane v8, v11;
	_ =	sdelay $0x1  }
0x1ea: {  	v9 =	vperm.xlane v8, v0;
	_ =	sdelay $0x1  }
0x1eb: {  	v9 =	vmax.f32 v8, v9  }
0x1ec: {  	v8 =	vsel vm5, v9, v8  }
0x1ed: {  	v9 =	vperm.xlane v8, v1;
	_ =	sdelay $0x1  }
0x1ee: {  	v9 =	vmax.f32 v8, v9  }
0x1ef: {  	v8 =	vsel vm6, v9, v8  }
0x1f0: {  	v9 =	vperm.xlane v8, v3;
	_ =	sdelay $0x1  }
0x1f1: {  	v9 =	vmax.f32 v8, v9  }
0x1f2: {  	v8 =	vsel vm8, v9, v8;
	v9 =	vld.idx.msk [tilespmem:v10+s16+$0x0], $0xffff  }
0x1f3: {  	v11 =	vperm.xlane v8, v6;
	_ =	sdelay $0x1  }
0x1f4: {  	v11 =	vmax.f32 v8, v11  }
0x1f5: {  	v8 =	vsel vm9, v11, v8  }
0x1f6: {  	v8 =	vmax.f32 v9, v8  }
0x1f7: {  	[tilespmem:v10+s16+$0x0] =	vst.idx.msk vm7, v8  }
0x1f8: {  	_ =	swait.ge [sflag:s28], $0x7D0  }
0x1f9: {  	[sflag:s28] =	ssyncset.done $0x0  }
0x1fa: {  	[sflag:s28] =	ssyncadd.s32 $0xFFFFF830  }
0x1fb: {  	_ =	swait.ge [sflag:s29], $0x7D0  }
0x1fc: {  	[sflag:s29] =	ssyncset.done $0x0  }
0x1fd: {  	[sflag:s29] =	ssyncadd.s32 $0xFFFFF830  }
0x1fe: {  	_ =	swait.ge [sflag:s30], $0x7D0  }
0x1ff: {  	[sflag:s30] =	ssyncset.done $0x0  }
0x200: {  	[sflag:s30] =	ssyncadd.s32 $0xFFFFF830  }
0x201: {  	_ =	swait.ge [sflag:s30], $0x7D0  }
0x202: {  	[sflag:s30] =	ssyncset.done $0x0  }
0x203: {  	[sflag:s30] =	ssyncadd.s32 $0xFFFFF830  }
0x204: {  	_ =	swait.ge [sflag:s30], $0x7D0  }
0x205: {  	[sflag:s30] =	ssyncset.done $0x0  }
0x206: {  	p0 =	seq.s32 s19, $0x4F;
	[sflag:s30] =	ssyncadd.s32 $0xFFFFF830  }
0x207: {  	s1 =	sadd.s32 @!p0 $0xFA0, s20;
	_ =	swait.ge [sflag:s30], $0x7D0  }
0x208: {  	s21 =	simm.s32 @!p0 $0x0;
	s17 =	sshrl.u32 @!p0 s1, $0x3;
	[sflag:s30] =	ssyncset.done $0x0  }
0x209: {  	s22 =	simm.s32 @!p0 $0x14000;
	s20 =	sadd.s32 @!p0 s2, s17;
	[sflag:s30] =	ssyncadd.s32 $0xFFFFF830  }
0x20a: {  	[tilespmem:s22], [sflag:$0x1] =	stream.linear.gather @!p0 [hbm4b:s20+s21], $0x7D0, $0x38;
	[tilespmem:$0x19F00] =	vst v63  }
0x20b: {  	s17 =	sadd.s32 @!p0 s3, s17;
	s20 =	simm.s32 @!p0 $0x15000  }
0x20c: {  	[tilespmem:s20], [sflag:$0x2] =	stream.linear.gather @!p0 [hbm4b:s17+s21], $0x7D0, $0x38;
	[tilespmem:$0x19F00] =	vst v63  }
0x20d: {  	s17 =	sadd.s32 @!p0 s6, s1  }
0x20e: {  	s17 =	sshrl.u32 @!p0 s17, $0x3  }
0x20f: {  	s20 =	simm.s32 @!p0 $0x16000;
	s17 =	sadd.s32 @!p0 s5, s17  }
0x210: {  	[tilespmem:s20], [sflag:$0x3] =	stream.linear.gather @!p0 [hbm4b:s17+s21], $0x7D0, $0x38;
	[tilespmem:$0x19F00] =	vst v63  }
0x211: {  	s17 =	sadd.s32 @!p0 s8, s1  }
0x212: {  	s17 =	sshrl.u32 @!p0 s17, $0x3  }
0x213: {  	s20 =	simm.s32 @!p0 $0x167D0;
	s17 =	sadd.s32 @!p0 s5, s17  }
0x214: {  	[tilespmem:s20], [sflag:$0x3] =	stream.linear.gather @!p0 [hbm4b:s17+s21], $0x7D0, $0x38;
	[tilespmem:$0x19F00] =	vst v63  }
0x215: {  	s17 =	sadd.s32 @!p0 s11, s1  }
0x216: {  	s1 =	sadd.s32 @!p0 s13, s1;
	s17 =	sshrl.u32 @!p0 s17, $0x3  }
0x217: {  	s20 =	simm.s32 @!p0 $0x16FA0;
	s1 =	sshrl.u32 @!p0 s1, $0x3;
	s17 =	sadd.s32 @!p0 s5, s17  }
0x218: {  	[tilespmem:s20], [sflag:$0x3] =	stream.linear.gather @!p0 [hbm4b:s17+s21], $0x7D0, $0x38;
	[tilespmem:$0x19F00] =	vst v63  }
0x219: {  	s1 =	sadd.s32 @!p0 s5, s1;
	s17 =	simm.s32 @!p0 $0x17770;
	s20 =	simm.s32 $0x15810  }
0x21a: {  	[tilespmem:s17], [sflag:$0x3] =	stream.linear.gather @!p0 [hbm4b:s1+s21], $0x7D0, $0x38;
	[tilespmem:$0x19F00] =	vst v63  }
0x21b: {  	v8 =	vld [tilespmem:s20+$0xFFFFFFF0];
	_ =	sdelay $0x4  }
0x21c: {  	s23 =	simm.s32 $0x14810;
	v8 =	vxor.u32 $0x80000000, v8  }
0x21d: {  	v9 =	vld [tilespmem:s23+$0xFFFFFFF0];
	(xrf1) =	vsort.ascd.msk.u32 $0xffff, v8, v5;
	_ =	sdelay $0x5  }
0x21e: {  	s21 =	simm.s32 $0x18F20  }
0x21f: {  	v10 =	vld [tilespmem:s21+$0xFFFFF060]  }
0x220: {  	v8 =	vld.idx.msk [tilespmem:v9+s4+$0x0], $0xffff;
	_ =	sdelay $0x4  }
0x221: {  	v8 =	vadd.f32 v10, v8  }
0x222: {  	v10, v11, _ =	vpop (xrf1)  }
0x223: {  	v10 =	vxor.u32 $0x80000000, v10;
	v8 =	vperm.xlane v8, v11  }
0x224: {  	v32 =	vperm.xlane v10, v0  }
0x225: {  	v33 =	vperm.xlane v8, v0  }
0x226: {  	vm5 =	veq.s32 v32, v10  }
0x227: {  	vm5 =	vmand vm5, vm0;
	v34 =	vmax.f32 v8, v33  }
0x228: {  	v35 =	vperm.xlane v10, v1;
	v8 =	vsel vm5, v34, v8  }
0x229: {  	v12 =	vperm.xlane v8, v1  }
0x22a: {  	vm6 =	veq.s32 v35, v10  }
0x22b: {  	vm6 =	vmand vm6, vm1;
	v12 =	vmax.f32 v8, v12  }
0x22c: {  	v36 =	vperm.xlane v10, v3;
	v8 =	vsel vm6, v12, v8  }
0x22d: {  	v37 =	vperm.xlane v10, v7;
	v38 =	vperm.xlane v8, v3  }
0x22e: {  	vm7 =	veq.s32 v36, v10  }
0x22f: {  	vm14 =	vne.s32 v10, v37;
	vm15 =	vmand vm7, vm2;
	v39 =	vmax.f32 v8, v38  }
0x230: {  	v40 =	vperm.xlane v10, v6;
	vm7 =	vmor vm14, vm4;
	v41 =	vld.idx.msk [tilespmem:v10+s12+$0x0], $0xffff;
	v8 =	vsel vm15, v39, v8  }
0x231: {  	v12 =	vperm.xlane v8, v6  }
0x232: {  	vm12 =	veq.s32 v40, v10  }
0x233: {  	vm9 =	vmand vm12, vm3;
	v12 =	vmax.f32 v8, v12  }
0x234: {  	v8 =	vsel vm9, v12, v8  }
0x235: {  	v8 =	vmax.f32 v41, v8  }
0x236: {  	[tilespmem:v10+s12+$0x0] =	vst.idx.msk vm7, v8  }
0x237: {  	v8 =	vld.idx.msk [tilespmem:v9+s24+$0x0], $0xffff  }
0x238: {  	v42 =	vld [tilespmem:s21+$0xFFFFF830];
	_ =	sdelay $0x4  }
0x239: {  	v8 =	vadd.f32 v42, v8;
	_ =	sdelay $0x1  }
0x23a: {  	v8 =	vperm.xlane v8, v11;
	_ =	sdelay $0x1  }
0x23b: {  	v43 =	vperm.xlane v8, v0;
	_ =	sdelay $0x1  }
0x23c: {  	v12 =	vmax.f32 v8, v43  }
0x23d: {  	v8 =	vsel vm5, v12, v8  }
0x23e: {  	v12 =	vperm.xlane v8, v1;
	_ =	sdelay $0x1  }
0x23f: {  	v12 =	vmax.f32 v8, v12  }
0x240: {  	v8 =	vsel vm6, v12, v8  }
0x241: {  	v12 =	vperm.xlane v8, v3;
	_ =	sdelay $0x1  }
0x242: {  	v12 =	vmax.f32 v8, v12  }
0x243: {  	v44 =	vld.idx.msk [tilespmem:v10+s14+$0x0], $0xffff;
	v8 =	vsel vm15, v12, v8  }
0x244: {  	v12 =	vperm.xlane v8, v6;
	_ =	sdelay $0x1  }
0x245: {  	v12 =	vmax.f32 v8, v12  }
0x246: {  	v8 =	vsel vm9, v12, v8  }
0x247: {  	v8 =	vmax.f32 v44, v8  }
0x248: {  	[tilespmem:v10+s14+$0x0] =	vst.idx.msk vm7, v8  }
0x249: {  	v8 =	vld.idx.msk [tilespmem:v9+s25+$0x0], $0xffff  }
0x24a: {  	v45 =	vld [tilespmem:s21+$0x0];
	_ =	sdelay $0x4  }
0x24b: {  	v8 =	vadd.f32 v45, v8;
	_ =	sdelay $0x1  }
0x24c: {  	v8 =	vperm.xlane v8, v11;
	_ =	sdelay $0x1  }
0x24d: {  	v46 =	vperm.xlane v8, v0;
	_ =	sdelay $0x1  }
0x24e: {  	v12 =	vmax.f32 v8, v46  }
0x24f: {  	v8 =	vsel vm5, v12, v8  }
0x250: {  	v12 =	vperm.xlane v8, v1;
	_ =	sdelay $0x1  }
0x251: {  	v12 =	vmax.f32 v8, v12  }
0x252: {  	v8 =	vsel vm6, v12, v8  }
0x253: {  	v12 =	vperm.xlane v8, v3;
	_ =	sdelay $0x1  }
0x254: {  	v12 =	vmax.f32 v8, v12  }
0x255: {  	v47 =	vld.idx.msk [tilespmem:v10+s15+$0x0], $0xffff;
	v8 =	vsel vm15, v12, v8  }
0x256: {  	v12 =	vperm.xlane v8, v6;
	_ =	sdelay $0x1  }
0x257: {  	v12 =	vmax.f32 v8, v12  }
0x258: {  	v8 =	vsel vm9, v12, v8  }
0x259: {  	v8 =	vmax.f32 v47, v8  }
0x25a: {  	[tilespmem:v10+s15+$0x0] =	vst.idx.msk vm7, v8  }
0x25b: {  	v8 =	vld.idx.msk [tilespmem:v9+s26+$0x0], $0xffff  }
0x25c: {  	v9 =	vld [tilespmem:s21+$0x7D0];
	_ =	sdelay $0x4  }
0x25d: {  	v8 =	vadd.f32 v9, v8;
	_ =	sdelay $0x1  }
0x25e: {  	v8 =	vperm.xlane v8, v11;
	_ =	sdelay $0x1  }
0x25f: {  	v9 =	vperm.xlane v8, v0;
	_ =	sdelay $0x1  }
0x260: {  	v9 =	vmax.f32 v8, v9  }
0x261: {  	v8 =	vsel vm5, v9, v8  }
0x262: {  	v9 =	vperm.xlane v8, v1;
	_ =	sdelay $0x1  }
0x263: {  	v9 =	vmax.f32 v8, v9  }
0x264: {  	v8 =	vsel vm6, v9, v8  }
0x265: {  	v9 =	vperm.xlane v8, v3;
	_ =	sdelay $0x1  }
0x266: {  	v9 =	vmax.f32 v8, v9  }
0x267: {  	v11 =	vld.idx.msk [tilespmem:v10+s16+$0x0], $0xffff;
	v8 =	vsel vm15, v9, v8  }
0x268: {  	v9 =	vperm.xlane v8, v6;
	_ =	sdelay $0x1  }
0x269: {  	v9 =	vmax.f32 v8, v9  }
0x26a: {  	v8 =	vsel vm9, v9, v8  }
0x26b: {  	v8 =	vmax.f32 v11, v8  }
0x26c: {  	[tilespmem:v10+s16+$0x0] =	vst.idx.msk vm7, v8  }
0x26d: {  	v8 =	vld [tilespmem:s20+$0x0];
	_ =	sdelay $0x4  }
0x26e: {  	v8 =	vxor.u32 $0x80000000, v8  }
0x26f: {  	v9 =	vld [tilespmem:s23+$0x0];
	(xrf1) =	vsort.ascd.msk.u32 $0xffff, v8, v5;
	_ =	sdelay $0x6  }
0x270: {  	v10 =	vld [tilespmem:s21+$0xFFFFF070]  }
0x271: {  	v8 =	vld.idx.msk [tilespmem:v9+s4+$0x0], $0xffff;
	_ =	sdelay $0x4  }
0x272: {  	v10 =	vadd.f32 v10, v8  }
0x273: {  	v8, v11, _ =	vpop (xrf1)  }
0x274: {  	v8 =	vxor.u32 $0x80000000, v8;
	v10 =	vperm.xlane v10, v11  }
0x275: {  	v48 =	vperm.xlane v8, v0  }
0x276: {  	v49 =	vperm.xlane v10, v0  }
0x277: {  	vm5 =	veq.s32 v48, v8  }
0x278: {  	vm6 =	vmand vm5, vm0;
	v50 =	vmax.f32 v10, v49  }
0x279: {  	v51 =	vperm.xlane v8, v1;
	v10 =	vsel vm6, v50, v10  }
0x27a: {  	v12 =	vperm.xlane v10, v1  }
0x27b: {  	vm5 =	veq.s32 v51, v8  }
0x27c: {  	vm7 =	vmand vm5, vm1;
	v12 =	vmax.f32 v10, v12  }
0x27d: {  	v52 =	vperm.xlane v8, v3;
	v10 =	vsel vm7, v12, v10  }
0x27e: {  	v53 =	vperm.xlane v8, v7;
	v54 =	vperm.xlane v10, v3  }
0x27f: {  	vm5 =	veq.s32 v52, v8  }
0x280: {  	vm13 =	vne.s32 v8, v53;
	vm14 =	vmand vm5, vm2;
	v55 =	vmax.f32 v10, v54  }
0x281: {  	v56 =	vperm.xlane v8, v6;
	v57 =	vld.idx.msk [tilespmem:v8+s12+$0x0], $0xffff;
	vm5 =	vmor vm13, vm4;
	v10 =	vsel vm14, v55, v10  }
0x282: {  	v12 =	vperm.xlane v10, v6  }
0x283: {  	vm15 =	veq.s32 v56, v8  }
0x284: {  	vm9 =	vmand vm15, vm3;
	v12 =	vmax.f32 v10, v12  }
0x285: {  	v10 =	vsel vm9, v12, v10  }
0x286: {  	v10 =	vmax.f32 v57, v10  }
0x287: {  	[tilespmem:v8+s12+$0x0] =	vst.idx.msk vm5, v10  }
0x288: {  	v10 =	vld.idx.msk [tilespmem:v9+s24+$0x0], $0xffff  }
0x289: {  	v58 =	vld [tilespmem:s21+$0xFFFFF840];
	_ =	sdelay $0x4  }
0x28a: {  	v10 =	vadd.f32 v58, v10;
	_ =	sdelay $0x1  }
0x28b: {  	v10 =	vperm.xlane v10, v11;
	_ =	sdelay $0x1  }
0x28c: {  	v59 =	vperm.xlane v10, v0;
	_ =	sdelay $0x1  }
0x28d: {  	v12 =	vmax.f32 v10, v59  }
0x28e: {  	v10 =	vsel vm6, v12, v10  }
0x28f: {  	v12 =	vperm.xlane v10, v1;
	_ =	sdelay $0x1  }
0x290: {  	v12 =	vmax.f32 v10, v12  }
0x291: {  	v10 =	vsel vm7, v12, v10  }
0x292: {  	v12 =	vperm.xlane v10, v3;
	_ =	sdelay $0x1  }
0x293: {  	v12 =	vmax.f32 v10, v12  }
0x294: {  	v60 =	vld.idx.msk [tilespmem:v8+s14+$0x0], $0xffff;
	v10 =	vsel vm14, v12, v10  }
0x295: {  	v12 =	vperm.xlane v10, v6;
	_ =	sdelay $0x1  }
0x296: {  	v12 =	vmax.f32 v10, v12  }
0x297: {  	v10 =	vsel vm9, v12, v10  }
0x298: {  	v10 =	vmax.f32 v60, v10  }
0x299: {  	[tilespmem:v8+s14+$0x0] =	vst.idx.msk vm5, v10  }
0x29a: {  	v10 =	vld.idx.msk [tilespmem:v9+s25+$0x0], $0xffff  }
0x29b: {  	v61 =	vld [tilespmem:s21+$0x10];
	_ =	sdelay $0x4  }
0x29c: {  	v10 =	vadd.f32 v61, v10;
	_ =	sdelay $0x1  }
0x29d: {  	v10 =	vperm.xlane v10, v11;
	_ =	sdelay $0x1  }
0x29e: {  	v62 =	vperm.xlane v10, v0;
	_ =	sdelay $0x1  }
0x29f: {  	v12 =	vmax.f32 v10, v62  }
0x2a0: {  	v10 =	vsel vm6, v12, v10  }
0x2a1: {  	v12 =	vperm.xlane v10, v1;
	_ =	sdelay $0x1  }
0x2a2: {  	v12 =	vmax.f32 v10, v12  }
0x2a3: {  	v10 =	vsel vm7, v12, v10  }
0x2a4: {  	v12 =	vperm.xlane v10, v3;
	_ =	sdelay $0x1  }
0x2a5: {  	v12 =	vmax.f32 v10, v12  }
0x2a6: {  	v63 =	vld.idx.msk [tilespmem:v8+s15+$0x0], $0xffff;
	v10 =	vsel vm14, v12, v10  }
0x2a7: {  	v12 =	vperm.xlane v10, v6;
	_ =	sdelay $0x1  }
0x2a8: {  	v12 =	vmax.f32 v10, v12  }
0x2a9: {  	v10 =	vsel vm9, v12, v10  }
0x2aa: {  	v10 =	vmax.f32 v63, v10  }
0x2ab: {  	s31 =	simm.s32 $0x0;
	[tilespmem:v8+s15+$0x0] =	vst.idx.msk vm5, v10  }
0x2ac: {  	s1 =	sand.u32 $0x7E0, s31;
	v9 =	vld.idx.msk [tilespmem:v9+s26+$0x0], $0xffff  }
0x2ad: {  	v10 =	vld [tilespmem:s1+$0x19700];
	_ =	sdelay $0x4  }
0x2ae: {  	v9 =	vadd.f32 v10, v9;
	_ =	sdelay $0x1  }
0x2af: {  	v9 =	vperm.xlane v9, v11;
	_ =	sdelay $0x1  }
0x2b0: {  	v10 =	vperm.xlane v9, v0;
	_ =	sdelay $0x1  }
0x2b1: {  	v10 =	vmax.f32 v9, v10  }
0x2b2: {  	v9 =	vsel vm6, v10, v9  }
0x2b3: {  	v10 =	vperm.xlane v9, v1;
	_ =	sdelay $0x1  }
0x2b4: {  	v10 =	vmax.f32 v9, v10  }
0x2b5: {  	v9 =	vsel vm7, v10, v9  }
0x2b6: {  	v10 =	vperm.xlane v9, v3;
	_ =	sdelay $0x1  }
0x2b7: {  	v10 =	vmax.f32 v9, v10  }
0x2b8: {  	v11 =	vld.idx.msk [tilespmem:v8+s16+$0x0], $0xffff;
	v9 =	vsel vm14, v10, v9  }
0x2b9: {  	v10 =	vperm.xlane v9, v6;
	_ =	sdelay $0x1  }
0x2ba: {  	v10 =	vmax.f32 v9, v10  }
0x2bb: {  	v9 =	vsel vm9, v10, v9  }
0x2bc: {  	s22 =	simm.s32 $0x14830;
	s17 =	simm.s32 $0x0;
	s23 =	simm.s32 $0x20;
	v9 =	vmax.f32 v11, v9  }
.LBB2_7:
0x2bd: {  	s17 =	sadd.s32 $0x2, s17;
	[tilespmem:v8+s16+$0x0] =	vst.idx.msk vm5, v9;
	s21 =	sadd.s32 $0x20, s21;
	s20 =	sadd.s32 $0x20, s20  }
0x2be: {  	v8 =	vld [tilespmem:s20+$0xFFFFFFF0];
	p0 =	slt.u32 s17, $0x7A;
	_ =	sdelay $0x4  }
0x2bf: {  	v9 =	vld [tilespmem:s22+$0xFFFFFFF0];
	v8 =	vxor.u32 $0x80000000, v8  }
0x2c0: {  	(xrf1) =	vsort.ascd.msk.u32 $0xffff, v8, v5;
	_ =	sdelay $0x6  }
0x2c1: {  	v8 =	vld.idx.msk [tilespmem:v9+s4+$0x0], $0xffff  }
0x2c2: {  	v10 =	vld [tilespmem:s21+$0xFFFFF060];
	_ =	sdelay $0x4  }
0x2c3: {  	v11 =	vadd.f32 v10, v8  }
0x2c4: {  	v8, v10, _ =	vpop (xrf1)  }
0x2c5: {  	v8 =	vxor.u32 $0x80000000, v8;
	v11 =	vperm.xlane v11, v10  }
0x2c6: {  	v12 =	vperm.xlane v8, v0;
	v13 =	vperm.xlane v8, v1  }
0x2c7: {  	v14 =	vperm.xlane v8, v3;
	v15 =	vperm.xlane v11, v0  }
0x2c8: {  	vm5 =	veq.s32 v12, v8;
	vm7 =	veq.s32 v13, v8;
	v12 =	vperm.xlane v8, v7  }
0x2c9: {  	vm6 =	vmand vm5, vm0;
	vm5 =	veq.s32 v14, v8;
	v13 =	vmax.f32 v11, v15  }
0x2ca: {  	v14 =	vperm.xlane v8, v6;
	vm9 =	vne.s32 v8, v12;
	v11 =	vsel vm6, v13, v11  }
0x2cb: {  	v12 =	vperm.xlane v11, v1  }
0x2cc: {  	vm10 =	veq.s32 v14, v8  }
0x2cd: {  	vm7 =	vmand vm7, vm1;
	v12 =	vmax.f32 v11, v12  }
0x2ce: {  	v11 =	vsel vm7, v12, v11  }
0x2cf: {  	v12 =	vperm.xlane v11, v3;
	_ =	sdelay $0x1  }
0x2d0: {  	vm8 =	vmand vm5, vm2;
	v12 =	vmax.f32 v11, v12;
	v13 =	vld.idx.msk [tilespmem:v8+s12+$0x0], $0xffff  }
0x2d1: {  	vm5 =	vmor vm9, vm4;
	v11 =	vsel vm8, v12, v11  }
0x2d2: {  	v12 =	vperm.xlane v11, v6;
	_ =	sdelay $0x1  }
0x2d3: {  	vm9 =	vmand vm10, vm3;
	v12 =	vmax.f32 v11, v12  }
0x2d4: {  	v11 =	vsel vm9, v12, v11  }
0x2d5: {  	v11 =	vmax.f32 v13, v11  }
0x2d6: {  	[tilespmem:v8+s12+$0x0] =	vst.idx.msk vm5, v11  }
0x2d7: {  	v11 =	vld.idx.msk [tilespmem:v9+s24+$0x0], $0xffff  }
0x2d8: {  	v12 =	vld [tilespmem:s21+$0xFFFFF830];
	_ =	sdelay $0x4  }
0x2d9: {  	v11 =	vadd.f32 v12, v11;
	_ =	sdelay $0x1  }
0x2da: {  	v11 =	vperm.xlane v11, v10;
	_ =	sdelay $0x1  }
0x2db: {  	v12 =	vperm.xlane v11, v0;
	_ =	sdelay $0x1  }
0x2dc: {  	v12 =	vmax.f32 v11, v12  }
0x2dd: {  	v11 =	vsel vm6, v12, v11  }
0x2de: {  	v12 =	vperm.xlane v11, v1;
	_ =	sdelay $0x1  }
0x2df: {  	v12 =	vmax.f32 v11, v12  }
0x2e0: {  	v11 =	vsel vm7, v12, v11  }
0x2e1: {  	v12 =	vperm.xlane v11, v3;
	_ =	sdelay $0x1  }
0x2e2: {  	v12 =	vmax.f32 v11, v12;
	v13 =	vld.idx.msk [tilespmem:v8+s14+$0x0], $0xffff  }
0x2e3: {  	v11 =	vsel vm8, v12, v11  }
0x2e4: {  	v12 =	vperm.xlane v11, v6;
	_ =	sdelay $0x1  }
0x2e5: {  	v12 =	vmax.f32 v11, v12  }
0x2e6: {  	v11 =	vsel vm9, v12, v11  }
0x2e7: {  	v11 =	vmax.f32 v13, v11  }
0x2e8: {  	[tilespmem:v8+s14+$0x0] =	vst.idx.msk vm5, v11  }
0x2e9: {  	v11 =	vld.idx.msk [tilespmem:v9+s25+$0x0], $0xffff  }
0x2ea: {  	v12 =	vld [tilespmem:s21+$0x0];
	_ =	sdelay $0x4  }
0x2eb: {  	v11 =	vadd.f32 v12, v11;
	_ =	sdelay $0x1  }
0x2ec: {  	v11 =	vperm.xlane v11, v10;
	_ =	sdelay $0x1  }
0x2ed: {  	v12 =	vperm.xlane v11, v0;
	_ =	sdelay $0x1  }
0x2ee: {  	v12 =	vmax.f32 v11, v12  }
0x2ef: {  	v11 =	vsel vm6, v12, v11  }
0x2f0: {  	v12 =	vperm.xlane v11, v1;
	_ =	sdelay $0x1  }
0x2f1: {  	v12 =	vmax.f32 v11, v12  }
0x2f2: {  	v11 =	vsel vm7, v12, v11  }
0x2f3: {  	v12 =	vperm.xlane v11, v3;
	_ =	sdelay $0x1  }
0x2f4: {  	v12 =	vmax.f32 v11, v12;
	v13 =	vld.idx.msk [tilespmem:v8+s15+$0x0], $0xffff  }
0x2f5: {  	v11 =	vsel vm8, v12, v11  }
0x2f6: {  	v12 =	vperm.xlane v11, v6;
	_ =	sdelay $0x1  }
0x2f7: {  	v12 =	vmax.f32 v11, v12  }
0x2f8: {  	v11 =	vsel vm9, v12, v11  }
0x2f9: {  	v11 =	vmax.f32 v13, v11  }
0x2fa: {  	[tilespmem:v8+s15+$0x0] =	vst.idx.msk vm5, v11  }
0x2fb: {  	v9 =	vld.idx.msk [tilespmem:v9+s26+$0x0], $0xffff  }
0x2fc: {  	v11 =	vld [tilespmem:s21+$0x7D0];
	_ =	sdelay $0x4  }
0x2fd: {  	v9 =	vadd.f32 v11, v9;
	_ =	sdelay $0x1  }
0x2fe: {  	v9 =	vperm.xlane v9, v10;
	_ =	sdelay $0x1  }
0x2ff: {  	v10 =	vperm.xlane v9, v0;
	_ =	sdelay $0x1  }
0x300: {  	v10 =	vmax.f32 v9, v10  }
0x301: {  	v9 =	vsel vm6, v10, v9  }
0x302: {  	v10 =	vperm.xlane v9, v1;
	_ =	sdelay $0x1  }
0x303: {  	v10 =	vmax.f32 v9, v10  }
0x304: {  	v9 =	vsel vm7, v10, v9  }
0x305: {  	v10 =	vperm.xlane v9, v3;
	_ =	sdelay $0x1  }
0x306: {  	v10 =	vmax.f32 v9, v10;
	v11 =	vld.idx.msk [tilespmem:v8+s16+$0x0], $0xffff  }
0x307: {  	v9 =	vsel vm8, v10, v9  }
0x308: {  	v10 =	vperm.xlane v9, v6;
	_ =	sdelay $0x1  }
0x309: {  	v10 =	vmax.f32 v9, v10  }
0x30a: {  	v9 =	vsel vm9, v10, v9  }
0x30b: {  	v9 =	vmax.f32 v11, v9  }
0x30c: {  	[tilespmem:v8+s16+$0x0] =	vst.idx.msk vm5, v9  }
0x30d: {  	v8 =	vld [tilespmem:s20+$0x0];
	_ =	sdelay $0x4  }
0x30e: {  	v9 =	vld [tilespmem:s22+$0x0];
	v8 =	vxor.u32 $0x80000000, v8  }
0x30f: {  	(xrf1) =	vsort.ascd.msk.u32 $0xffff, v8, v5;
	_ =	sdelay $0x6  }
0x310: {  	v8 =	vld.idx.msk [tilespmem:v9+s4+$0x0], $0xffff  }
0x311: {  	v10 =	vld [tilespmem:s21+$0xFFFFF070];
	_ =	sdelay $0x4  }
0x312: {  	v11 =	vadd.f32 v10, v8  }
0x313: {  	v8, v10, _ =	vpop (xrf1)  }
0x314: {  	v8 =	vxor.u32 $0x80000000, v8;
	v11 =	vperm.xlane v11, v10  }
0x315: {  	v12 =	vperm.xlane v8, v0;
	v13 =	vperm.xlane v8, v1  }
0x316: {  	v14 =	vperm.xlane v8, v3;
	v15 =	vperm.xlane v11, v0  }
0x317: {  	vm5 =	veq.s32 v12, v8;
	vm7 =	veq.s32 v13, v8;
	v12 =	vperm.xlane v8, v7  }
0x318: {  	vm6 =	vmand vm5, vm0;
	vm5 =	veq.s32 v14, v8;
	v13 =	vmax.f32 v11, v15  }
0x319: {  	v14 =	vperm.xlane v8, v6;
	vm9 =	vne.s32 v8, v12;
	v11 =	vsel vm6, v13, v11  }
0x31a: {  	v12 =	vperm.xlane v11, v1  }
0x31b: {  	vm10 =	veq.s32 v14, v8  }
0x31c: {  	vm7 =	vmand vm7, vm1;
	v12 =	vmax.f32 v11, v12  }
0x31d: {  	v11 =	vsel vm7, v12, v11  }
0x31e: {  	v12 =	vperm.xlane v11, v3;
	_ =	sdelay $0x1  }
0x31f: {  	vm8 =	vmand vm5, vm2;
	v12 =	vmax.f32 v11, v12;
	v13 =	vld.idx.msk [tilespmem:v8+s12+$0x0], $0xffff  }
0x320: {  	vm5 =	vmor vm9, vm4;
	v11 =	vsel vm8, v12, v11  }
0x321: {  	v12 =	vperm.xlane v11, v6;
	_ =	sdelay $0x1  }
0x322: {  	vm9 =	vmand vm10, vm3;
	v12 =	vmax.f32 v11, v12  }
0x323: {  	v11 =	vsel vm9, v12, v11  }
0x324: {  	v11 =	vmax.f32 v13, v11  }
0x325: {  	[tilespmem:v8+s12+$0x0] =	vst.idx.msk vm5, v11  }
0x326: {  	v11 =	vld.idx.msk [tilespmem:v9+s24+$0x0], $0xffff  }
0x327: {  	v12 =	vld [tilespmem:s21+$0xFFFFF840]  }
0x328: {  	v13 =	vld.idx.msk [tilespmem:v8+s14+$0x0], $0xffff;
	_ =	sdelay $0x3  }
0x329: {  	v11 =	vadd.f32 v12, v11;
	_ =	sdelay $0x1  }
0x32a: {  	v11 =	vperm.xlane v11, v10;
	_ =	sdelay $0x1  }
0x32b: {  	v12 =	vperm.xlane v11, v0;
	_ =	sdelay $0x1  }
0x32c: {  	v12 =	vmax.f32 v11, v12  }
0x32d: {  	v11 =	vsel vm6, v12, v11  }
0x32e: {  	v12 =	vperm.xlane v11, v1;
	_ =	sdelay $0x1  }
0x32f: {  	v12 =	vmax.f32 v11, v12  }
0x330: {  	v11 =	vsel vm7, v12, v11  }
0x331: {  	v12 =	vperm.xlane v11, v3;
	_ =	sdelay $0x1  }
0x332: {  	v12 =	vmax.f32 v11, v12  }
0x333: {  	v11 =	vsel vm8, v12, v11  }
0x334: {  	v12 =	vperm.xlane v11, v6;
	_ =	sdelay $0x1  }
0x335: {  	v12 =	vmax.f32 v11, v12  }
0x336: {  	v11 =	vsel vm9, v12, v11  }
0x337: {  	v11 =	vmax.f32 v13, v11  }
0x338: {  	[tilespmem:v8+s14+$0x0] =	vst.idx.msk vm5, v11  }
0x339: {  	v11 =	vld.idx.msk [tilespmem:v9+s25+$0x0], $0xffff  }
0x33a: {  	v12 =	vld [tilespmem:s21+$0x10]  }
0x33b: {  	v13 =	vld.idx.msk [tilespmem:v8+s15+$0x0], $0xffff;
	_ =	sdelay $0x3  }
0x33c: {  	v11 =	vadd.f32 v12, v11;
	_ =	sdelay $0x1  }
0x33d: {  	v11 =	vperm.xlane v11, v10;
	_ =	sdelay $0x1  }
0x33e: {  	v12 =	vperm.xlane v11, v0;
	_ =	sdelay $0x1  }
0x33f: {  	v12 =	vmax.f32 v11, v12  }
0x340: {  	v11 =	vsel vm6, v12, v11  }
0x341: {  	v12 =	vperm.xlane v11, v1;
	_ =	sdelay $0x1  }
0x342: {  	v12 =	vmax.f32 v11, v12  }
0x343: {  	v11 =	vsel vm7, v12, v11  }
0x344: {  	v12 =	vperm.xlane v11, v3;
	_ =	sdelay $0x1  }
0x345: {  	v12 =	vmax.f32 v11, v12  }
0x346: {  	v11 =	vsel vm8, v12, v11  }
0x347: {  	v12 =	vperm.xlane v11, v6;
	_ =	sdelay $0x1  }
0x348: {  	v12 =	vmax.f32 v11, v12  }
0x349: {  	v11 =	vsel vm9, v12, v11  }
0x34a: {  	v11 =	vmax.f32 v13, v11  }
0x34b: {  	[tilespmem:v8+s15+$0x0] =	vst.idx.msk vm5, v11  }
0x34c: {  	s1 =	sand.u32 $0x7E0, s23;
	v9 =	vld.idx.msk [tilespmem:v9+s26+$0x0], $0xffff  }
0x34d: {  	v11 =	vld [tilespmem:s1+$0x19700]  }
0x34e: {  	v12 =	vld.idx.msk [tilespmem:v8+s16+$0x0], $0xffff;
	_ =	sdelay $0x3  }
0x34f: {  	v9 =	vadd.f32 v11, v9;
	_ =	sdelay $0x1  }
0x350: {  	v9 =	vperm.xlane v9, v10;
	_ =	sdelay $0x1  }
0x351: {  	v10 =	vperm.xlane v9, v0;
	_ =	sdelay $0x1  }
0x352: {  	v10 =	vmax.f32 v9, v10  }
0x353: {  	v9 =	vsel vm6, v10, v9  }
0x354: {  	v10 =	vperm.xlane v9, v1;
	_ =	sdelay $0x1  }
0x355: {  	v10 =	vmax.f32 v9, v10  }
0x356: {  	v9 =	vsel vm7, v10, v9  }
0x357: {  	v10 =	vperm.xlane v9, v3;
	_ =	sdelay $0x1  }
0x358: {  	v10 =	vmax.f32 v9, v10  }
0x359: {  	v9 =	vsel vm8, v10, v9  }
.Ltmp2:
0x35a: {  	v10 =	vperm.xlane v9, v6;
	(pc) =	sbr.rel @p0 .LBB2_7-.Ltmp2, $4  }
0x35b: {  	_ = 	snop  }
0x35c: {  	v10 =	vmax.f32 v9, v10  }
0x35d: {  	v9 =	vsel vm9, v10, v9  }
0x35e: {  	s23 =	sadd.s32 $0x20, s23;
	s22 =	sadd.s32 $0x20, s22;
	v9 =	vmax.f32 v12, v9  }
0x35f: {  	_ =	sdelay $0x4  }
0x360: {  	[tilespmem:v8+s16+$0x0] =	vst.idx.msk vm5, v9  }
0x361: {  	v8 =	vld [tilespmem:$0x15FC0];
	_ =	sdelay $0x4  }
0x362: {  	v8 =	vxor.u32 $0x80000000, v8  }
0x363: {  	v9 =	vld [tilespmem:$0x14FC0];
	(xrf1) =	vsort.ascd.msk.u32 $0xffff, v8, v5;
	_ =	sdelay $0x6  }
0x364: {  	v10 =	vld [tilespmem:$0x18740]  }
0x365: {  	v8 =	vld.idx.msk [tilespmem:v9+s4+$0x0], $0xffff;
	_ =	sdelay $0x4  }
0x366: {  	v8 =	vadd.f32 v10, v8  }
0x367: {  	v42, v11, _ =	vpop (xrf1)  }
0x368: {  	v10 =	vxor.u32 $0x80000000, v42;
	v8 =	vperm.xlane v8, v11  }
0x369: {  	v12 =	vperm.xlane v10, v0  }
0x36a: {  	v13 =	vperm.xlane v8, v0  }
0x36b: {  	vm5 =	veq.s32 v12, v10  }
0x36c: {  	vm5 =	vmand vm5, vm0;
	v43 =	vmax.f32 v8, v13  }
0x36d: {  	v44 =	vperm.xlane v10, v1;
	v8 =	vsel vm5, v43, v8  }
0x36e: {  	v12 =	vperm.xlane v8, v1  }
0x36f: {  	vm6 =	veq.s32 v44, v10  }
0x370: {  	vm6 =	vmand vm6, vm1;
	v12 =	vmax.f32 v8, v12  }
0x371: {  	v45 =	vperm.xlane v10, v3;
	v8 =	vsel vm6, v12, v8  }
0x372: {  	v46 =	vperm.xlane v10, v4;
	v14 =	vperm.xlane v8, v3  }
0x373: {  	vm7 =	veq.s32 v45, v10  }
0x374: {  	vm8 =	vmand vm7, vm2;
	vm7 =	vne.s32 v10, v46;
	v47 =	vmax.f32 v8, v14  }
0x375: {  	v48 =	vperm.xlane v10, v6;
	vm7 =	vmor vm7, vm4;
	v49 =	vld.idx.msk [tilespmem:v10+s12+$0x0], $0xffff;
	v8 =	vsel vm8, v47, v8  }
0x376: {  	v50 =	vperm.xlane v8, v6  }
0x377: {  	vm9 =	veq.s32 v48, v10  }
0x378: {  	vm9 =	vmand vm9, vm3;
	v51 =	vmax.f32 v8, v50  }
0x379: {  	v8 =	vsel vm9, v51, v8  }
0x37a: {  	v8 =	vmax.f32 v49, v8  }
0x37b: {  	[tilespmem:v10+s12+$0x0] =	vst.idx.msk vm7, v8  }
0x37c: {  	v8 =	vld.idx.msk [tilespmem:v9+s24+$0x0], $0xffff  }
0x37d: {  	v52 =	vld [tilespmem:$0x18F10];
	_ =	sdelay $0x4  }
0x37e: {  	v8 =	vadd.f32 v52, v8;
	_ =	sdelay $0x1  }
0x37f: {  	v8 =	vperm.xlane v8, v11;
	_ =	sdelay $0x1  }
0x380: {  	v53 =	vperm.xlane v8, v0;
	_ =	sdelay $0x1  }
0x381: {  	v12 =	vmax.f32 v8, v53  }
0x382: {  	v8 =	vsel vm5, v12, v8  }
0x383: {  	v12 =	vperm.xlane v8, v1;
	_ =	sdelay $0x1  }
0x384: {  	v12 =	vmax.f32 v8, v12  }
0x385: {  	v8 =	vsel vm6, v12, v8  }
0x386: {  	v12 =	vperm.xlane v8, v3;
	_ =	sdelay $0x1  }
0x387: {  	v12 =	vmax.f32 v8, v12  }
0x388: {  	v54 =	vld.idx.msk [tilespmem:v10+s14+$0x0], $0xffff;
	v8 =	vsel vm8, v12, v8  }
0x389: {  	v55 =	vperm.xlane v8, v6;
	_ =	sdelay $0x1  }
0x38a: {  	v13 =	vmax.f32 v8, v55  }
0x38b: {  	v8 =	vsel vm9, v13, v8  }
0x38c: {  	v8 =	vmax.f32 v54, v8  }
0x38d: {  	[tilespmem:v10+s14+$0x0] =	vst.idx.msk vm7, v8  }
0x38e: {  	v8 =	vld.idx.msk [tilespmem:v9+s25+$0x0], $0xffff  }
0x38f: {  	v56 =	vld [tilespmem:$0x196E0];
	_ =	sdelay $0x4  }
0x390: {  	v8 =	vadd.f32 v56, v8;
	_ =	sdelay $0x1  }
0x391: {  	v8 =	vperm.xlane v8, v11;
	_ =	sdelay $0x1  }
0x392: {  	v57 =	vperm.xlane v8, v0;
	_ =	sdelay $0x1  }
0x393: {  	v12 =	vmax.f32 v8, v57  }
0x394: {  	v8 =	vsel vm5, v12, v8  }
0x395: {  	v12 =	vperm.xlane v8, v1;
	_ =	sdelay $0x1  }
0x396: {  	v12 =	vmax.f32 v8, v12  }
0x397: {  	v8 =	vsel vm6, v12, v8  }
0x398: {  	v12 =	vperm.xlane v8, v3;
	_ =	sdelay $0x1  }
0x399: {  	v12 =	vmax.f32 v8, v12  }
0x39a: {  	v58 =	vld.idx.msk [tilespmem:v10+s15+$0x0], $0xffff;
	v8 =	vsel vm8, v12, v8  }
0x39b: {  	v59 =	vperm.xlane v8, v6;
	_ =	sdelay $0x1  }
0x39c: {  	v13 =	vmax.f32 v8, v59  }
0x39d: {  	v8 =	vsel vm9, v13, v8  }
0x39e: {  	v8 =	vmax.f32 v58, v8  }
0x39f: {  	[tilespmem:v10+s15+$0x0] =	vst.idx.msk vm7, v8  }
0x3a0: {  	v8 =	vld.idx.msk [tilespmem:v9+s26+$0x0], $0xffff  }
0x3a1: {  	v60 =	vld [tilespmem:$0x19EB0];
	_ =	sdelay $0x4  }
0x3a2: {  	v8 =	vadd.f32 v60, v8;
	_ =	sdelay $0x1  }
0x3a3: {  	v8 =	vperm.xlane v8, v11;
	_ =	sdelay $0x1  }
0x3a4: {  	v61 =	vperm.xlane v8, v0;
	_ =	sdelay $0x1  }
0x3a5: {  	v9 =	vmax.f32 v8, v61  }
0x3a6: {  	v8 =	vsel vm5, v9, v8  }
0x3a7: {  	v9 =	vperm.xlane v8, v1;
	_ =	sdelay $0x1  }
0x3a8: {  	v9 =	vmax.f32 v8, v9  }
0x3a9: {  	v8 =	vsel vm6, v9, v8  }
0x3aa: {  	v9 =	vperm.xlane v8, v3;
	_ =	sdelay $0x1  }
0x3ab: {  	v9 =	vmax.f32 v8, v9  }
0x3ac: {  	s19 =	sadd.s32 $0x1, s19;
	v62 =	vld.idx.msk [tilespmem:v10+s16+$0x0], $0xffff;
	v8 =	vsel vm8, v9, v8  }
0x3ad: {  	p0 =	sne.s32 s19, $0x50;
	v63 =	vperm.xlane v8, v6  }
.Ltmp3:
0x3ae: {  	_ = 	snop;
	(pc) =	sbr.rel @p0 .LBB2_4-.Ltmp3, $4  }
0x3af: {  	v11 =	vmax.f32 v8, v63  }
0x3b0: {  	v8 =	vsel vm9, v11, v8  }
0x3b1: {  	v8 =	vmax.f32 v62, v8  }
0x3b2: {  	[tilespmem:v10+s16+$0x0] =	vst.idx.msk vm7, v8  }
0x3b3: {  	s1 =	rddreg [dreg:$0xc];
	s17 =	simm.s32 $0x4  }
0x3b4: {  	[hbm4b:s1+s4] =	stream.linear.scatter [tilespmem:s12], [sflag:$0x4], $0x2800, $0x38;
	[tilespmem:$0x19F00] =	vst v63  }
0x3b5: {  	_ =	swait.ge [sflag:s17], $0x2800  }
0x3b6: {  	[sflag:s17] =	ssyncset.done $0x0  }
0x3b7: {  	s21 =	rddreg [dreg:$0xd];
	[sflag:s17] =	ssyncadd.s32 $0xFFFFD800  }
0x3b8: {  	[hbm4b:s21+s4] =	stream.linear.scatter [tilespmem:s14], [sflag:$0x4], $0x2800, $0x38;
	[tilespmem:$0x19F00] =	vst v63  }
0x3b9: {  	_ =	swait.ge [sflag:s17], $0x2800  }
0x3ba: {  	[sflag:s17] =	ssyncset.done $0x0  }
0x3bb: {  	s22 =	rddreg [dreg:$0xe];
	[sflag:s17] =	ssyncadd.s32 $0xFFFFD800  }
0x3bc: {  	[hbm4b:s22+s4] =	stream.linear.scatter [tilespmem:s15], [sflag:$0x4], $0x2800, $0x38;
	[tilespmem:$0x19F00] =	vst v63  }
0x3bd: {  	_ =	swait.ge [sflag:s17], $0x2800  }
0x3be: {  	[sflag:s17] =	ssyncset.done $0x0  }
0x3bf: {  	s23 =	rddreg [dreg:$0xf];
	[sflag:s17] =	ssyncadd.s32 $0xFFFFD800  }
0x3c0: {  	[hbm4b:s23+s4] =	stream.linear.scatter [tilespmem:s16], [sflag:$0x4], $0x2800, $0x38;
	[tilespmem:$0x19F00] =	vst v63  }
0x3c1: {  	_ =	swait.ge [sflag:s17], $0x2800  }
0x3c2: {  	s18 =	rddreg [dreg:$0x11]  }
0x3c3: {  	s31 =	rddreg [dreg:$0x10];
	s18 =	sadd.s32 $0x1, s18  }
0x3c4: {  	p0 =	sne.s32 s18, s31  }
.Ltmp4:
0x3c5: {  	_ = 	snop;
	(pc) =	sbr.rel @p0 .LBB2_1-.Ltmp4, $3  }
0x3c6: {  	_ =	sdelay $0x1  }
0x3c7: {  	[sflag:s17] =	ssyncset.done $0x0  }
0x3c8: {  	[sflag:s17] =	ssyncadd.s32 $0xFFFFD800  }
0x3c9: {  	_ =	sfence.sel $0x180000  }
0x3ca: {  	[bflag:$0x0] =	sbarrier.arrive $0xFFFF  }
0x3cb: {  	_ =	strace $0x90000047  }
0x3cc: {  	s0 =	stileid.u32;
	[bflag:$0x2] =	sbarrier.arrive $0xFFFF  }
0x3cd: {  	p0 =	sne.s32 s0, $0x0;
	s0 =	rddreg [dreg:$0x3]  }
0x3ce: {  	s0 =	sadd.s32 @!p0 $0x100000, s0  }
0x3cf: {  	[sflag:s0] =	ssyncadd.tile.s32 @!p0 $0x1;
	_ =	shalt  }
.Lfunc_end2:
_tile_overlayer_lowered:
.L_overlay_start_2:
0x3d0: {  	(tag) =	ssettag $0x2  }
0x3d1: {  	s0 =	rddreg [dreg:$0x0];
	s2 =	stileid.u32  }
0x3d2: {  	s1 =	rddreg [dreg:$0x1];
	p0 =	sne.s32 s2, $0x0  }
0x3d3: {  	s3 =	rddreg [dreg:$0x2];
	[bflag:$0x3] =	sbarrier.arrive $0xFFFF;
	s2 =	simm.s32 @!p0 $0x1C04  }
0x3d4: {  	[timem:s3], [sflag:s2] =	dma.local @!p0 [hbm:s0], s1  }
0x3d5: {  	s0 =	simm.s32 @!p0 $0x4  }
0x3d6: {  	_ =	swait.ge @!p0 [sflag:s0], s1  }
0x3d7: {  	s1 =	ssub.s32 @!p0 $0x0, s1;
	[sflag:s0] =	ssyncset.done @!p0 $0x0  }
0x3d8: {  	[sflag:s0] =	ssyncadd.s32 @!p0 s1  }
0x3d9: {  	[bflag:$0x3] =	sbarrier.arrive $0xFFFF  }
0x3da: {  	_ =	shalt  }

</sc_bundles>
